<compile_context>
chip_gen: v7x
topology: tpu7x:2x2x1
jax: 0.10.2.dev20260603
libtpu: 0.0.44.dev20260713+nightly
codegen_flags: <defaults>
</compile_context>

<pallas_src>
import functools

import jax
import jax.numpy as jnp
from jax import lax
from jax.experimental import pallas as pl
from jax.experimental.pallas import tpu as pltpu
from jax.experimental.pallas import tpu_sc as plsc

B, G, C, D = 16384, 26, 100, 32

H = 2
BH = B // H

BB = 256


_NEG = -3.4e38


def _argmax_body(x_ref, o_ref):
    lane = lax.broadcasted_iota(jnp.int32, (BB, 128), 1)
    nck = (G * C) // 128
    chunks = [x_ref[:, k * 128:(k + 1) * 128] for k in range(nck)]
    tail = x_ref[:, nck * 128:G * C]
    chunks.append(jnp.pad(tail, ((0, 0), (0, 128 - tail.shape[1])),
                          constant_values=_NEG))
    cols = []
    for g in range(G):
        col0 = g * C
        k, s = col0 // 128, col0 % 128
        rk = jnp.roll(chunks[k], -s, axis=1) if s else chunks[k]
        if s + C <= 128:
            merged = jnp.where(lane < C, rk, _NEG)
        else:
            rk1 = jnp.roll(chunks[k + 1], -s, axis=1)
            merged = jnp.where(lane < 128 - s, rk,
                               jnp.where(lane < C, rk1, _NEG))
        idx = jnp.argmax(merged, axis=-1)
        cols.append(idx.astype(jnp.int32) + (128 * k + s))
    o_ref[...] = jnp.stack(cols, axis=1)


def _tc_argmax(x, h):
    return pl.pallas_call(
        _argmax_body,
        grid=(BH // BB,),
        in_specs=[pl.BlockSpec((BB, G * C), lambda i, h=h: (h * (BH // BB) + i, 0))],
        out_specs=pl.BlockSpec((BB, G), lambda i: (i, 0)),
        out_shape=jax.ShapeDtypeStruct((BH, G), jnp.int32),
    )(x)


NC, NS = 2, 16
NW = NC * NS
TOKH = BH * G
ICH = 64
NCHUNK = TOKH // ICH
CPW = NCHUNK // NW
KIN = 8
NOUT = CPW // KIN


@functools.lru_cache(maxsize=1)
def _build_sc_gather():
    @functools.partial(
        pl.kernel,
        mesh=plsc.VectorSubcoreMesh(core_axis_name="c", subcore_axis_name="s"),
        out_type=jax.ShapeDtypeStruct((NCHUNK, ICH, D), jnp.float32),
        scratch_types=[
            pltpu.VMEM((CPW, ICH), jnp.int32),
            pltpu.VMEM((KIN, ICH, D), jnp.float32),
            pltpu.SemaphoreType.DMA,
        ],
        compiler_params=pltpu.CompilerParams(use_tc_tiling_on_sc=False),
    )
    def _sc_gather(fidx_hbm, table_hbm, out_hbm, idx_v, emb_v, sem):
        wid = lax.axis_index("s") * NC + lax.axis_index("c")
        base = wid * CPW
        pltpu.sync_copy(fidx_hbm.at[pl.ds(base, CPW)], idx_v)

        def step(t, carry):
            copies = [
                pltpu.async_copy(
                    table_hbm.at[idx_v.at[t * KIN + j]], emb_v.at[j], sem)
                for j in range(KIN)
            ]
            for cp in copies:
                cp.wait()
            pltpu.sync_copy(emb_v, out_hbm.at[pl.ds(base + t * KIN, KIN)])
            return carry

        lax.fori_loop(0, NOUT, step, 0)

    return _sc_gather


def kernel(x, tables):
    table2 = tables.reshape(G * C, D)
    sc = _build_sc_gather()
    halves = []
    for h in range(H):
        fidx = _tc_argmax(x, h)
        fidx2 = fidx.reshape(NCHUNK, ICH)
        out3 = sc(fidx2, table2)
        halves.append(out3.reshape(BH, G * D))
    return jnp.stack(halves, axis=0).reshape(B, G * D)

# --- scband reference (transcript-rebuilt; emitter-appended) ---
"""Pipeline reference for scband-disc-encoder-87582973100242 (READ-ONLY COPY).

The authoritative reference and input builder live on the scoring server;
editing this copy changes nothing except your own understanding.
"""

import jax, jax.numpy as jnp
import numpy as np

B = 16384
G = 26
C = 100
D = 32


def setup_inputs(seed: int = 0) -> dict:
    key = jax.random.key(seed)
    kx, kt = jax.random.split(key)
    # one-hot-ish dense input: argmax over each group's 100 columns gives a
    # pseudo-random in-range category id per field
    x = jax.random.uniform(kx, (B, G * C), dtype=jnp.float32)
    # learned parameters: one embedding table per group, stacked [G, C, D]
    tables = jax.random.normal(kt, (G, C, D), dtype=jnp.float32) * 0.02
    return {"x": x, "tables": tables}


def reference(x, tables):
    # DiscEncoder.forward: per-group argmax over the group's columns,
    # embedding lookup, then concat along feature dim. enc = Identity.
    Bx = x.shape[0]
    Gt, Ct, Dt = tables.shape
    xg = x.reshape(Bx, Gt, Ct)              # split columns into contiguous groups
    idx = jnp.argmax(xg, axis=2)            # [B, G] category id per field
    emb = tables[jnp.arange(Gt)[None, :], idx]  # gather -> [B, G, D]
    out = emb.reshape(Bx, Gt * Dt)          # torch.cat(..., dim=1)
    return out

if __name__ == "__main__":
    import jax
    _d = setup_inputs()
    print(jax.jit(kernel)(*tuple(_d.values())))

</pallas_src>

<mosaic_0001>
#map = affine_map<(d0, d1) -> (0, 0)>
#map1 = affine_map<(d0, d1) -> (0, 0, 0)>
module attributes {stable_mosaic.version = 14 : i64} {
  func.func @_sc_gather(%arg0: i32, %arg1: i32, %arg2: memref<3328x64xi32, #tpu.memory_space<hbm>>, %arg3: memref<2600x32xf32, #tpu.memory_space<hbm>>, %arg4: memref<3328x64x32xf32, #tpu.memory_space<hbm>>, %arg5: memref<104x64xi32, #tpu.memory_space<vmem>>, %arg6: memref<8x64x32xf32, #tpu.memory_space<vmem>>, %arg7: memref<!tpu.dma_semaphore, #tpu.memory_space<semaphore_mem>>) attributes {dimension_semantics = [#tpu.dimension_semantics<core_parallel>, #tpu.dimension_semantics<subcore_parallel>], iteration_bounds = array<i64: 2, 16>, scalar_prefetch = 0 : i64, scratch_operands = 3 : i64, tpu.core_type = #tpu.core_type<sc_vector_subcore>, window_params = [{transform_indices = #map}, {transform_indices = #map}, {transform_indices = #map1}]} {
    %mul3A = arith.constant 2 : i32
    %mul3A_0 = arith.muli %arg1, %mul3A : i32
    %add3A = arith.addi %mul3A_0, %arg0 : i32
    %mul3A_1 = arith.constant 104 : i32
    %mul3A_2 = arith.muli %add3A, %mul3A_1 : i32
    "tpu.region"() ({
      %run_scoped3A = tpu.sem_alloc : memref<!tpu.dma_semaphore, #tpu.memory_space<semaphore_mem>>
      %dma_start3A = arith.constant 0 : i32
      %dma_start3A_8 = tpu.memref_slice %arg2[%mul3A_2, %dma_start3A] : memref<3328x64xi32, #tpu.memory_space<hbm>> -> memref<104x64xi32, #tpu.memory_space<hbm>>
      %dma_start3A_9 = arith.constant 0 : i32
      %dma_start3A_10 = tpu.memref_slice %arg2[%mul3A_2, %dma_start3A_9] : memref<3328x64xi32, #tpu.memory_space<hbm>> -> memref<104x64xi32, #tpu.memory_space<hbm>>
      tpu.enqueue_dma source(%dma_start3A_10 : memref<104x64xi32, #tpu.memory_space<hbm>>) target(%arg5 : memref<104x64xi32, #tpu.memory_space<vmem>>) target_semaphore(%run_scoped3A : memref<!tpu.dma_semaphore, #tpu.memory_space<semaphore_mem>>)
      %dma_wait3A = arith.constant 0 : i32
      %dma_wait3A_11 = tpu.memref_slice %arg2[%mul3A_2, %dma_wait3A] : memref<3328x64xi32, #tpu.memory_space<hbm>> -> memref<104x64xi32, #tpu.memory_space<hbm>>
      %dma_wait3A_12 = arith.constant 0 : i32
      %dma_wait3A_13 = tpu.memref_slice %arg2[%mul3A_2, %dma_wait3A_12] : memref<3328x64xi32, #tpu.memory_space<hbm>> -> memref<104x64xi32, #tpu.memory_space<hbm>>
      tpu.wait_dma2 semaphore(%run_scoped3A : memref<!tpu.dma_semaphore, #tpu.memory_space<semaphore_mem>>) src(%dma_wait3A_13 : memref<104x64xi32, #tpu.memory_space<hbm>>) dst(%arg5 : memref<104x64xi32, #tpu.memory_space<vmem>>)
      tpu.yield
    }) : () -> ()
    %scan3A = arith.constant 0 : i32
    %scan3A_3 = arith.constant 0 : i32
    %scan3A_4 = arith.constant 13 : i32
    %scan3A_5 = arith.addi %scan3A_3, %scan3A_4 : i32
    %scan3A_6 = arith.constant 1 : i32
    scf.for %scan3A_8 = %scan3A_3 to %scan3A_5 step %scan3A_6  : i32 {
      %mul3A_9 = arith.constant 8 : i32
      %mul3A_10 = arith.muli %scan3A_8, %mul3A_9 : i32
      %add3A_11 = arith.constant 0 : i32
      %add3A_12 = arith.addi %mul3A_10, %add3A_11 : i32
      %dma_start3A = arith.constant 0 : i32
      %dma_start3A_13 = arith.constant 0 : i32
      %dma_start3A_14 = arith.constant 0 : i32
      %dma_start3A_15 = tpu.memref_slice %arg6[%dma_start3A, %dma_start3A_13, %dma_start3A_14] : memref<8x64x32xf32, #tpu.memory_space<vmem>> -> memref<1x64x32xf32, #tpu.memory_space<vmem>>
      %dma_start3A_16 = tpu.memref_squeeze %dma_start3A_15 : memref<1x64x32xf32, #tpu.memory_space<vmem>> -> memref<64x32xf32, #tpu.memory_space<vmem>>
      %dma_start3A_17 = arith.constant 0 : i32
      %dma_start3A_18 = tpu.memref_slice %arg5[%add3A_12, %dma_start3A_17] : memref<104x64xi32, #tpu.memory_space<vmem>> -> memref<1x64xi32, #tpu.memory_space<vmem>>
      %dma_start3A_19 = tpu.memref_squeeze %dma_start3A_18 : memref<1x64xi32, #tpu.memory_space<vmem>> -> memref<64xi32, #tpu.memory_space<vmem>>
      %dma_start3A_20 = arith.constant 0 : i32
      %dma_start3A_21 = arith.constant 0 : i32
      %dma_start3A_22 = tpu.memref_slice %arg3[%dma_start3A_20, %dma_start3A_21] : memref<2600x32xf32, #tpu.memory_space<hbm>> -> memref<2600x32xf32, #tpu.memory_space<hbm>>
      tpu.enqueue_indirect_dma source(%dma_start3A_22 : memref<2600x32xf32, #tpu.memory_space<hbm>>) target(%dma_start3A_16 : memref<64x32xf32, #tpu.memory_space<vmem>>) offsets(%dma_start3A_19 : memref<64xi32, #tpu.memory_space<vmem>>) semaphore(%arg7 : memref<!tpu.dma_semaphore, #tpu.memory_space<semaphore_mem>>)
      %mul3A_23 = arith.constant 8 : i32
      %mul3A_24 = arith.muli %scan3A_8, %mul3A_23 : i32
      %add3A_25 = arith.constant 1 : i32
      %add3A_26 = arith.addi %mul3A_24, %add3A_25 : i32
      %dma_start3A_27 = arith.constant 1 : i32
      %dma_start3A_28 = arith.constant 0 : i32
      %dma_start3A_29 = arith.constant 0 : i32
      %dma_start3A_30 = tpu.memref_slice %arg6[%dma_start3A_27, %dma_start3A_28, %dma_start3A_29] : memref<8x64x32xf32, #tpu.memory_space<vmem>> -> memref<1x64x32xf32, #tpu.memory_space<vmem>>
      %dma_start3A_31 = tpu.memref_squeeze %dma_start3A_30 : memref<1x64x32xf32, #tpu.memory_space<vmem>> -> memref<64x32xf32, #tpu.memory_space<vmem>>
      %dma_start3A_32 = arith.constant 0 : i32
      %dma_start3A_33 = tpu.memref_slice %arg5[%add3A_26, %dma_start3A_32] : memref<104x64xi32, #tpu.memory_space<vmem>> -> memref<1x64xi32, #tpu.memory_space<vmem>>
      %dma_start3A_34 = tpu.memref_squeeze %dma_start3A_33 : memref<1x64xi32, #tpu.memory_space<vmem>> -> memref<64xi32, #tpu.memory_space<vmem>>
      %dma_start3A_35 = arith.constant 0 : i32
      %dma_start3A_36 = arith.constant 0 : i32
      %dma_start3A_37 = tpu.memref_slice %arg3[%dma_start3A_35, %dma_start3A_36] : memref<2600x32xf32, #tpu.memory_space<hbm>> -> memref<2600x32xf32, #tpu.memory_space<hbm>>
      tpu.enqueue_indirect_dma source(%dma_start3A_37 : memref<2600x32xf32, #tpu.memory_space<hbm>>) target(%dma_start3A_31 : memref<64x32xf32, #tpu.memory_space<vmem>>) offsets(%dma_start3A_34 : memref<64xi32, #tpu.memory_space<vmem>>) semaphore(%arg7 : memref<!tpu.dma_semaphore, #tpu.memory_space<semaphore_mem>>)
      %mul3A_38 = arith.constant 8 : i32
      %mul3A_39 = arith.muli %scan3A_8, %mul3A_38 : i32
      %add3A_40 = arith.constant 2 : i32
      %add3A_41 = arith.addi %mul3A_39, %add3A_40 : i32
      %dma_start3A_42 = arith.constant 2 : i32
      %dma_start3A_43 = arith.constant 0 : i32
      %dma_start3A_44 = arith.constant 0 : i32
      %dma_start3A_45 = tpu.memref_slice %arg6[%dma_start3A_42, %dma_start3A_43, %dma_start3A_44] : memref<8x64x32xf32, #tpu.memory_space<vmem>> -> memref<1x64x32xf32, #tpu.memory_space<vmem>>
      %dma_start3A_46 = tpu.memref_squeeze %dma_start3A_45 : memref<1x64x32xf32, #tpu.memory_space<vmem>> -> memref<64x32xf32, #tpu.memory_space<vmem>>
      %dma_start3A_47 = arith.constant 0 : i32
      %dma_start3A_48 = tpu.memref_slice %arg5[%add3A_41, %dma_start3A_47] : memref<104x64xi32, #tpu.memory_space<vmem>> -> memref<1x64xi32, #tpu.memory_space<vmem>>
      %dma_start3A_49 = tpu.memref_squeeze %dma_start3A_48 : memref<1x64xi32, #tpu.memory_space<vmem>> -> memref<64xi32, #tpu.memory_space<vmem>>
      %dma_start3A_50 = arith.constant 0 : i32
      %dma_start3A_51 = arith.constant 0 : i32
      %dma_start3A_52 = tpu.memref_slice %arg3[%dma_start3A_50, %dma_start3A_51] : memref<2600x32xf32, #tpu.memory_space<hbm>> -> memref<2600x32xf32, #tpu.memory_space<hbm>>
      tpu.enqueue_indirect_dma source(%dma_start3A_52 : memref<2600x32xf32, #tpu.memory_space<hbm>>) target(%dma_start3A_46 : memref<64x32xf32, #tpu.memory_space<vmem>>) offsets(%dma_start3A_49 : memref<64xi32, #tpu.memory_space<vmem>>) semaphore(%arg7 : memref<!tpu.dma_semaphore, #tpu.memory_space<semaphore_mem>>)
      %mul3A_53 = arith.constant 8 : i32
      %mul3A_54 = arith.muli %scan3A_8, %mul3A_53 : i32
      %add3A_55 = arith.constant 3 : i32
      %add3A_56 = arith.addi %mul3A_54, %add3A_55 : i32
      %dma_start3A_57 = arith.constant 3 : i32
      %dma_start3A_58 = arith.constant 0 : i32
      %dma_start3A_59 = arith.constant 0 : i32
      %dma_start3A_60 = tpu.memref_slice %arg6[%dma_start3A_57, %dma_start3A_58, %dma_start3A_59] : memref<8x64x32xf32, #tpu.memory_space<vmem>> -> memref<1x64x32xf32, #tpu.memory_space<vmem>>
      %dma_start3A_61 = tpu.memref_squeeze %dma_start3A_60 : memref<1x64x32xf32, #tpu.memory_space<vmem>> -> memref<64x32xf32, #tpu.memory_space<vmem>>
      %dma_start3A_62 = arith.constant 0 : i32
      %dma_start3A_63 = tpu.memref_slice %arg5[%add3A_56, %dma_start3A_62] : memref<104x64xi32, #tpu.memory_space<vmem>> -> memref<1x64xi32, #tpu.memory_space<vmem>>
      %dma_start3A_64 = tpu.memref_squeeze %dma_start3A_63 : memref<1x64xi32, #tpu.memory_space<vmem>> -> memref<64xi32, #tpu.memory_space<vmem>>
      %dma_start3A_65 = arith.constant 0 : i32
      %dma_start3A_66 = arith.constant 0 : i32
      %dma_start3A_67 = tpu.memref_slice %arg3[%dma_start3A_65, %dma_start3A_66] : memref<2600x32xf32, #tpu.memory_space<hbm>> -> memref<2600x32xf32, #tpu.memory_space<hbm>>
      tpu.enqueue_indirect_dma source(%dma_start3A_67 : memref<2600x32xf32, #tpu.memory_space<hbm>>) target(%dma_start3A_61 : memref<64x32xf32, #tpu.memory_space<vmem>>) offsets(%dma_start3A_64 : memref<64xi32, #tpu.memory_space<vmem>>) semaphore(%arg7 : memref<!tpu.dma_semaphore, #tpu.memory_space<semaphore_mem>>)
      %mul3A_68 = arith.constant 8 : i32
      %mul3A_69 = arith.muli %scan3A_8, %mul3A_68 : i32
      %add3A_70 = arith.constant 4 : i32
      %add3A_71 = arith.addi %mul3A_69, %add3A_70 : i32
      %dma_start3A_72 = arith.constant 4 : i32
      %dma_start3A_73 = arith.constant 0 : i32
      %dma_start3A_74 = arith.constant 0 : i32
      %dma_start3A_75 = tpu.memref_slice %arg6[%dma_start3A_72, %dma_start3A_73, %dma_start3A_74] : memref<8x64x32xf32, #tpu.memory_space<vmem>> -> memref<1x64x32xf32, #tpu.memory_space<vmem>>
      %dma_start3A_76 = tpu.memref_squeeze %dma_start3A_75 : memref<1x64x32xf32, #tpu.memory_space<vmem>> -> memref<64x32xf32, #tpu.memory_space<vmem>>
      %dma_start3A_77 = arith.constant 0 : i32
      %dma_start3A_78 = tpu.memref_slice %arg5[%add3A_71, %dma_start3A_77] : memref<104x64xi32, #tpu.memory_space<vmem>> -> memref<1x64xi32, #tpu.memory_space<vmem>>
      %dma_start3A_79 = tpu.memref_squeeze %dma_start3A_78 : memref<1x64xi32, #tpu.memory_space<vmem>> -> memref<64xi32, #tpu.memory_space<vmem>>
      %dma_start3A_80 = arith.constant 0 : i32
      %dma_start3A_81 = arith.constant 0 : i32
      %dma_start3A_82 = tpu.memref_slice %arg3[%dma_start3A_80, %dma_start3A_81] : memref<2600x32xf32, #tpu.memory_space<hbm>> -> memref<2600x32xf32, #tpu.memory_space<hbm>>
      tpu.enqueue_indirect_dma source(%dma_start3A_82 : memref<2600x32xf32, #tpu.memory_space<hbm>>) target(%dma_start3A_76 : memref<64x32xf32, #tpu.memory_space<vmem>>) offsets(%dma_start3A_79 : memref<64xi32, #tpu.memory_space<vmem>>) semaphore(%arg7 : memref<!tpu.dma_semaphore, #tpu.memory_space<semaphore_mem>>)
      %mul3A_83 = arith.constant 8 : i32
      %mul3A_84 = arith.muli %scan3A_8, %mul3A_83 : i32
      %add3A_85 = arith.constant 5 : i32
      %add3A_86 = arith.addi %mul3A_84, %add3A_85 : i32
      %dma_start3A_87 = arith.constant 5 : i32
      %dma_start3A_88 = arith.constant 0 : i32
      %dma_start3A_89 = arith.constant 0 : i32
      %dma_start3A_90 = tpu.memref_slice %arg6[%dma_start3A_87, %dma_start3A_88, %dma_start3A_89] : memref<8x64x32xf32, #tpu.memory_space<vmem>> -> memref<1x64x32xf32, #tpu.memory_space<vmem>>
      %dma_start3A_91 = tpu.memref_squeeze %dma_start3A_90 : memref<1x64x32xf32, #tpu.memory_space<vmem>> -> memref<64x32xf32, #tpu.memory_space<vmem>>
      %dma_start3A_92 = arith.constant 0 : i32
      %dma_start3A_93 = tpu.memref_slice %arg5[%add3A_86, %dma_start3A_92] : memref<104x64xi32, #tpu.memory_space<vmem>> -> memref<1x64xi32, #tpu.memory_space<vmem>>
      %dma_start3A_94 = tpu.memref_squeeze %dma_start3A_93 : memref<1x64xi32, #tpu.memory_space<vmem>> -> memref<64xi32, #tpu.memory_space<vmem>>
      %dma_start3A_95 = arith.constant 0 : i32
      %dma_start3A_96 = arith.constant 0 : i32
      %dma_start3A_97 = tpu.memref_slice %arg3[%dma_start3A_95, %dma_start3A_96] : memref<2600x32xf32, #tpu.memory_space<hbm>> -> memref<2600x32xf32, #tpu.memory_space<hbm>>
      tpu.enqueue_indirect_dma source(%dma_start3A_97 : memref<2600x32xf32, #tpu.memory_space<hbm>>) target(%dma_start3A_91 : memref<64x32xf32, #tpu.memory_space<vmem>>) offsets(%dma_start3A_94 : memref<64xi32, #tpu.memory_space<vmem>>) semaphore(%arg7 : memref<!tpu.dma_semaphore, #tpu.memory_space<semaphore_mem>>)
      %mul3A_98 = arith.constant 8 : i32
      %mul3A_99 = arith.muli %scan3A_8, %mul3A_98 : i32
      %add3A_100 = arith.constant 6 : i32
      %add3A_101 = arith.addi %mul3A_99, %add3A_100 : i32
      %dma_start3A_102 = arith.constant 6 : i32
      %dma_start3A_103 = arith.constant 0 : i32
      %dma_start3A_104 = arith.constant 0 : i32
      %dma_start3A_105 = tpu.memref_slice %arg6[%dma_start3A_102, %dma_start3A_103, %dma_start3A_104] : memref<8x64x32xf32, #tpu.memory_space<vmem>> -> memref<1x64x32xf32, #tpu.memory_space<vmem>>
      %dma_start3A_106 = tpu.memref_squeeze %dma_start3A_105 : memref<1x64x32xf32, #tpu.memory_space<vmem>> -> memref<64x32xf32, #tpu.memory_space<vmem>>
      %dma_start3A_107 = arith.constant 0 : i32
      %dma_start3A_108 = tpu.memref_slice %arg5[%add3A_101, %dma_start3A_107] : memref<104x64xi32, #tpu.memory_space<vmem>> -> memref<1x64xi32, #tpu.memory_space<vmem>>
      %dma_start3A_109 = tpu.memref_squeeze %dma_start3A_108 : memref<1x64xi32, #tpu.memory_space<vmem>> -> memref<64xi32, #tpu.memory_space<vmem>>
      %dma_start3A_110 = arith.constant 0 : i32
      %dma_start3A_111 = arith.constant 0 : i32
      %dma_start3A_112 = tpu.memref_slice %arg3[%dma_start3A_110, %dma_start3A_111] : memref<2600x32xf32, #tpu.memory_space<hbm>> -> memref<2600x32xf32, #tpu.memory_space<hbm>>
      tpu.enqueue_indirect_dma source(%dma_start3A_112 : memref<2600x32xf32, #tpu.memory_space<hbm>>) target(%dma_start3A_106 : memref<64x32xf32, #tpu.memory_space<vmem>>) offsets(%dma_start3A_109 : memref<64xi32, #tpu.memory_space<vmem>>) semaphore(%arg7 : memref<!tpu.dma_semaphore, #tpu.memory_space<semaphore_mem>>)
      %mul3A_113 = arith.constant 8 : i32
      %mul3A_114 = arith.muli %scan3A_8, %mul3A_113 : i32
      %add3A_115 = arith.constant 7 : i32
      %add3A_116 = arith.addi %mul3A_114, %add3A_115 : i32
      %dma_start3A_117 = arith.constant 7 : i32
      %dma_start3A_118 = arith.constant 0 : i32
      %dma_start3A_119 = arith.constant 0 : i32
      %dma_start3A_120 = tpu.memref_slice %arg6[%dma_start3A_117, %dma_start3A_118, %dma_start3A_119] : memref<8x64x32xf32, #tpu.memory_space<vmem>> -> memref<1x64x32xf32, #tpu.memory_space<vmem>>
      %dma_start3A_121 = tpu.memref_squeeze %dma_start3A_120 : memref<1x64x32xf32, #tpu.memory_space<vmem>> -> memref<64x32xf32, #tpu.memory_space<vmem>>
      %dma_start3A_122 = arith.constant 0 : i32
      %dma_start3A_123 = tpu.memref_slice %arg5[%add3A_116, %dma_start3A_122] : memref<104x64xi32, #tpu.memory_space<vmem>> -> memref<1x64xi32, #tpu.memory_space<vmem>>
      %dma_start3A_124 = tpu.memref_squeeze %dma_start3A_123 : memref<1x64xi32, #tpu.memory_space<vmem>> -> memref<64xi32, #tpu.memory_space<vmem>>
      %dma_start3A_125 = arith.constant 0 : i32
      %dma_start3A_126 = arith.constant 0 : i32
      %dma_start3A_127 = tpu.memref_slice %arg3[%dma_start3A_125, %dma_start3A_126] : memref<2600x32xf32, #tpu.memory_space<hbm>> -> memref<2600x32xf32, #tpu.memory_space<hbm>>
      tpu.enqueue_indirect_dma source(%dma_start3A_127 : memref<2600x32xf32, #tpu.memory_space<hbm>>) target(%dma_start3A_121 : memref<64x32xf32, #tpu.memory_space<vmem>>) offsets(%dma_start3A_124 : memref<64xi32, #tpu.memory_space<vmem>>) semaphore(%arg7 : memref<!tpu.dma_semaphore, #tpu.memory_space<semaphore_mem>>)
      %dma_wait3A = arith.constant 0 : i32
      %dma_wait3A_128 = arith.constant 0 : i32
      %dma_wait3A_129 = arith.constant 0 : i32
      %dma_wait3A_130 = tpu.memref_slice %arg6[%dma_wait3A, %dma_wait3A_128, %dma_wait3A_129] : memref<8x64x32xf32, #tpu.memory_space<vmem>> -> memref<1x64x32xf32, #tpu.memory_space<vmem>>
      %dma_wait3A_131 = tpu.memref_squeeze %dma_wait3A_130 : memref<1x64x32xf32, #tpu.memory_space<vmem>> -> memref<64x32xf32, #tpu.memory_space<vmem>>
      %dma_wait3A_132 = arith.constant 0 : i32
      %dma_wait3A_133 = tpu.memref_slice %arg5[%add3A_12, %dma_wait3A_132] : memref<104x64xi32, #tpu.memory_space<vmem>> -> memref<1x64xi32, #tpu.memory_space<vmem>>
      %dma_wait3A_134 = tpu.memref_squeeze %dma_wait3A_133 : memref<1x64xi32, #tpu.memory_space<vmem>> -> memref<64xi32, #tpu.memory_space<vmem>>
      %dma_wait3A_135 = arith.constant 0 : i32
      %dma_wait3A_136 = arith.constant 0 : i32
      %dma_wait3A_137 = tpu.memref_slice %arg3[%dma_wait3A_135, %dma_wait3A_136] : memref<2600x32xf32, #tpu.memory_space<hbm>> -> memref<2600x32xf32, #tpu.memory_space<hbm>>
      tpu.wait_indirect_dma semaphore(%arg7 : memref<!tpu.dma_semaphore, #tpu.memory_space<semaphore_mem>>) src(%dma_wait3A_137 : memref<2600x32xf32, #tpu.memory_space<hbm>>) dst(%dma_wait3A_131 : memref<64x32xf32, #tpu.memory_space<vmem>>)
      %dma_wait3A_138 = arith.constant 1 : i32
      %dma_wait3A_139 = arith.constant 0 : i32
      %dma_wait3A_140 = arith.constant 0 : i32
      %dma_wait3A_141 = tpu.memref_slice %arg6[%dma_wait3A_138, %dma_wait3A_139, %dma_wait3A_140] : memref<8x64x32xf32, #tpu.memory_space<vmem>> -> memref<1x64x32xf32, #tpu.memory_space<vmem>>
      %dma_wait3A_142 = tpu.memref_squeeze %dma_wait3A_141 : memref<1x64x32xf32, #tpu.memory_space<vmem>> -> memref<64x32xf32, #tpu.memory_space<vmem>>
      %dma_wait3A_143 = arith.constant 0 : i32
      %dma_wait3A_144 = tpu.memref_slice %arg5[%add3A_26, %dma_wait3A_143] : memref<104x64xi32, #tpu.memory_space<vmem>> -> memref<1x64xi32, #tpu.memory_space<vmem>>
      %dma_wait3A_145 = tpu.memref_squeeze %dma_wait3A_144 : memref<1x64xi32, #tpu.memory_space<vmem>> -> memref<64xi32, #tpu.memory_space<vmem>>
      %dma_wait3A_146 = arith.constant 0 : i32
      %dma_wait3A_147 = arith.constant 0 : i32
      %dma_wait3A_148 = tpu.memref_slice %arg3[%dma_wait3A_146, %dma_wait3A_147] : memref<2600x32xf32, #tpu.memory_space<hbm>> -> memref<2600x32xf32, #tpu.memory_space<hbm>>
      tpu.wait_indirect_dma semaphore(%arg7 : memref<!tpu.dma_semaphore, #tpu.memory_space<semaphore_mem>>) src(%dma_wait3A_148 : memref<2600x32xf32, #tpu.memory_space<hbm>>) dst(%dma_wait3A_142 : memref<64x32xf32, #tpu.memory_space<vmem>>)
      %dma_wait3A_149 = arith.constant 2 : i32
      %dma_wait3A_150 = arith.constant 0 : i32
      %dma_wait3A_151 = arith.constant 0 : i32
      %dma_wait3A_152 = tpu.memref_slice %arg6[%dma_wait3A_149, %dma_wait3A_150, %dma_wait3A_151] : memref<8x64x32xf32, #tpu.memory_space<vmem>> -> memref<1x64x32xf32, #tpu.memory_space<vmem>>
      %dma_wait3A_153 = tpu.memref_squeeze %dma_wait3A_152 : memref<1x64x32xf32, #tpu.memory_space<vmem>> -> memref<64x32xf32, #tpu.memory_space<vmem>>
      %dma_wait3A_154 = arith.constant 0 : i32
      %dma_wait3A_155 = tpu.memref_slice %arg5[%add3A_41, %dma_wait3A_154] : memref<104x64xi32, #tpu.memory_space<vmem>> -> memref<1x64xi32, #tpu.memory_space<vmem>>
      %dma_wait3A_156 = tpu.memref_squeeze %dma_wait3A_155 : memref<1x64xi32, #tpu.memory_space<vmem>> -> memref<64xi32, #tpu.memory_space<vmem>>
      %dma_wait3A_157 = arith.constant 0 : i32
      %dma_wait3A_158 = arith.constant 0 : i32
      %dma_wait3A_159 = tpu.memref_slice %arg3[%dma_wait3A_157, %dma_wait3A_158] : memref<2600x32xf32, #tpu.memory_space<hbm>> -> memref<2600x32xf32, #tpu.memory_space<hbm>>
      tpu.wait_indirect_dma semaphore(%arg7 : memref<!tpu.dma_semaphore, #tpu.memory_space<semaphore_mem>>) src(%dma_wait3A_159 : memref<2600x32xf32, #tpu.memory_space<hbm>>) dst(%dma_wait3A_153 : memref<64x32xf32, #tpu.memory_space<vmem>>)
      %dma_wait3A_160 = arith.constant 3 : i32
      %dma_wait3A_161 = arith.constant 0 : i32
      %dma_wait3A_162 = arith.constant 0 : i32
      %dma_wait3A_163 = tpu.memref_slice %arg6[%dma_wait3A_160, %dma_wait3A_161, %dma_wait3A_162] : memref<8x64x32xf32, #tpu.memory_space<vmem>> -> memref<1x64x32xf32, #tpu.memory_space<vmem>>
      %dma_wait3A_164 = tpu.memref_squeeze %dma_wait3A_163 : memref<1x64x32xf32, #tpu.memory_space<vmem>> -> memref<64x32xf32, #tpu.memory_space<vmem>>
      %dma_wait3A_165 = arith.constant 0 : i32
      %dma_wait3A_166 = tpu.memref_slice %arg5[%add3A_56, %dma_wait3A_165] : memref<104x64xi32, #tpu.memory_space<vmem>> -> memref<1x64xi32, #tpu.memory_space<vmem>>
      %dma_wait3A_167 = tpu.memref_squeeze %dma_wait3A_166 : memref<1x64xi32, #tpu.memory_space<vmem>> -> memref<64xi32, #tpu.memory_space<vmem>>
      %dma_wait3A_168 = arith.constant 0 : i32
      %dma_wait3A_169 = arith.constant 0 : i32
      %dma_wait3A_170 = tpu.memref_slice %arg3[%dma_wait3A_168, %dma_wait3A_169] : memref<2600x32xf32, #tpu.memory_space<hbm>> -> memref<2600x32xf32, #tpu.memory_space<hbm>>
      tpu.wait_indirect_dma semaphore(%arg7 : memref<!tpu.dma_semaphore, #tpu.memory_space<semaphore_mem>>) src(%dma_wait3A_170 : memref<2600x32xf32, #tpu.memory_space<hbm>>) dst(%dma_wait3A_164 : memref<64x32xf32, #tpu.memory_space<vmem>>)
      %dma_wait3A_171 = arith.constant 4 : i32
      %dma_wait3A_172 = arith.constant 0 : i32
      %dma_wait3A_173 = arith.constant 0 : i32
      %dma_wait3A_174 = tpu.memref_slice %arg6[%dma_wait3A_171, %dma_wait3A_172, %dma_wait3A_173] : memref<8x64x32xf32, #tpu.memory_space<vmem>> -> memref<1x64x32xf32, #tpu.memory_space<vmem>>
      %dma_wait3A_175 = tpu.memref_squeeze %dma_wait3A_174 : memref<1x64x32xf32, #tpu.memory_space<vmem>> -> memref<64x32xf32, #tpu.memory_space<vmem>>
      %dma_wait3A_176 = arith.constant 0 : i32
      %dma_wait3A_177 = tpu.memref_slice %arg5[%add3A_71, %dma_wait3A_176] : memref<104x64xi32, #tpu.memory_space<vmem>> -> memref<1x64xi32, #tpu.memory_space<vmem>>
      %dma_wait3A_178 = tpu.memref_squeeze %dma_wait3A_177 : memref<1x64xi32, #tpu.memory_space<vmem>> -> memref<64xi32, #tpu.memory_space<vmem>>
      %dma_wait3A_179 = arith.constant 0 : i32
      %dma_wait3A_180 = arith.constant 0 : i32
      %dma_wait3A_181 = tpu.memref_slice %arg3[%dma_wait3A_179, %dma_wait3A_180] : memref<2600x32xf32, #tpu.memory_space<hbm>> -> memref<2600x32xf32, #tpu.memory_space<hbm>>
      tpu.wait_indirect_dma semaphore(%arg7 : memref<!tpu.dma_semaphore, #tpu.memory_space<semaphore_mem>>) src(%dma_wait3A_181 : memref<2600x32xf32, #tpu.memory_space<hbm>>) dst(%dma_wait3A_175 : memref<64x32xf32, #tpu.memory_space<vmem>>)
      %dma_wait3A_182 = arith.constant 5 : i32
      %dma_wait3A_183 = arith.constant 0 : i32
      %dma_wait3A_184 = arith.constant 0 : i32
      %dma_wait3A_185 = tpu.memref_slice %arg6[%dma_wait3A_182, %dma_wait3A_183, %dma_wait3A_184] : memref<8x64x32xf32, #tpu.memory_space<vmem>> -> memref<1x64x32xf32, #tpu.memory_space<vmem>>
      %dma_wait3A_186 = tpu.memref_squeeze %dma_wait3A_185 : memref<1x64x32xf32, #tpu.memory_space<vmem>> -> memref<64x32xf32, #tpu.memory_space<vmem>>
      %dma_wait3A_187 = arith.constant 0 : i32
      %dma_wait3A_188 = tpu.memref_slice %arg5[%add3A_86, %dma_wait3A_187] : memref<104x64xi32, #tpu.memory_space<vmem>> -> memref<1x64xi32, #tpu.memory_space<vmem>>
      %dma_wait3A_189 = tpu.memref_squeeze %dma_wait3A_188 : memref<1x64xi32, #tpu.memory_space<vmem>> -> memref<64xi32, #tpu.memory_space<vmem>>
      %dma_wait3A_190 = arith.constant 0 : i32
      %dma_wait3A_191 = arith.constant 0 : i32
      %dma_wait3A_192 = tpu.memref_slice %arg3[%dma_wait3A_190, %dma_wait3A_191] : memref<2600x32xf32, #tpu.memory_space<hbm>> -> memref<2600x32xf32, #tpu.memory_space<hbm>>
      tpu.wait_indirect_dma semaphore(%arg7 : memref<!tpu.dma_semaphore, #tpu.memory_space<semaphore_mem>>) src(%dma_wait3A_192 : memref<2600x32xf32, #tpu.memory_space<hbm>>) dst(%dma_wait3A_186 : memref<64x32xf32, #tpu.memory_space<vmem>>)
      %dma_wait3A_193 = arith.constant 6 : i32
      %dma_wait3A_194 = arith.constant 0 : i32
      %dma_wait3A_195 = arith.constant 0 : i32
      %dma_wait3A_196 = tpu.memref_slice %arg6[%dma_wait3A_193, %dma_wait3A_194, %dma_wait3A_195] : memref<8x64x32xf32, #tpu.memory_space<vmem>> -> memref<1x64x32xf32, #tpu.memory_space<vmem>>
      %dma_wait3A_197 = tpu.memref_squeeze %dma_wait3A_196 : memref<1x64x32xf32, #tpu.memory_space<vmem>> -> memref<64x32xf32, #tpu.memory_space<vmem>>
      %dma_wait3A_198 = arith.constant 0 : i32
      %dma_wait3A_199 = tpu.memref_slice %arg5[%add3A_101, %dma_wait3A_198] : memref<104x64xi32, #tpu.memory_space<vmem>> -> memref<1x64xi32, #tpu.memory_space<vmem>>
      %dma_wait3A_200 = tpu.memref_squeeze %dma_wait3A_199 : memref<1x64xi32, #tpu.memory_space<vmem>> -> memref<64xi32, #tpu.memory_space<vmem>>
      %dma_wait3A_201 = arith.constant 0 : i32
      %dma_wait3A_202 = arith.constant 0 : i32
      %dma_wait3A_203 = tpu.memref_slice %arg3[%dma_wait3A_201, %dma_wait3A_202] : memref<2600x32xf32, #tpu.memory_space<hbm>> -> memref<2600x32xf32, #tpu.memory_space<hbm>>
      tpu.wait_indirect_dma semaphore(%arg7 : memref<!tpu.dma_semaphore, #tpu.memory_space<semaphore_mem>>) src(%dma_wait3A_203 : memref<2600x32xf32, #tpu.memory_space<hbm>>) dst(%dma_wait3A_197 : memref<64x32xf32, #tpu.memory_space<vmem>>)
      %dma_wait3A_204 = arith.constant 7 : i32
      %dma_wait3A_205 = arith.constant 0 : i32
      %dma_wait3A_206 = arith.constant 0 : i32
      %dma_wait3A_207 = tpu.memref_slice %arg6[%dma_wait3A_204, %dma_wait3A_205, %dma_wait3A_206] : memref<8x64x32xf32, #tpu.memory_space<vmem>> -> memref<1x64x32xf32, #tpu.memory_space<vmem>>
      %dma_wait3A_208 = tpu.memref_squeeze %dma_wait3A_207 : memref<1x64x32xf32, #tpu.memory_space<vmem>> -> memref<64x32xf32, #tpu.memory_space<vmem>>
      %dma_wait3A_209 = arith.constant 0 : i32
      %dma_wait3A_210 = tpu.memref_slice %arg5[%add3A_116, %dma_wait3A_209] : memref<104x64xi32, #tpu.memory_space<vmem>> -> memref<1x64xi32, #tpu.memory_space<vmem>>
      %dma_wait3A_211 = tpu.memref_squeeze %dma_wait3A_210 : memref<1x64xi32, #tpu.memory_space<vmem>> -> memref<64xi32, #tpu.memory_space<vmem>>
      %dma_wait3A_212 = arith.constant 0 : i32
      %dma_wait3A_213 = arith.constant 0 : i32
      %dma_wait3A_214 = tpu.memref_slice %arg3[%dma_wait3A_212, %dma_wait3A_213] : memref<2600x32xf32, #tpu.memory_space<hbm>> -> memref<2600x32xf32, #tpu.memory_space<hbm>>
      tpu.wait_indirect_dma semaphore(%arg7 : memref<!tpu.dma_semaphore, #tpu.memory_space<semaphore_mem>>) src(%dma_wait3A_214 : memref<2600x32xf32, #tpu.memory_space<hbm>>) dst(%dma_wait3A_208 : memref<64x32xf32, #tpu.memory_space<vmem>>)
      %mul3A_215 = arith.constant 8 : i32
      %mul3A_216 = arith.muli %scan3A_8, %mul3A_215 : i32
      %add3A_217 = arith.addi %mul3A_2, %mul3A_216 : i32
      "tpu.region"() ({
        %run_scoped3A = tpu.sem_alloc : memref<!tpu.dma_semaphore, #tpu.memory_space<semaphore_mem>>
        %dma_start3A_218 = arith.constant 0 : i32
        %dma_start3A_219 = arith.constant 0 : i32
        %dma_start3A_220 = tpu.memref_slice %arg4[%add3A_217, %dma_start3A_218, %dma_start3A_219] : memref<3328x64x32xf32, #tpu.memory_space<hbm>> -> memref<8x64x32xf32, #tpu.memory_space<hbm>>
        %dma_start3A_221 = arith.constant 0 : i32
        %dma_start3A_222 = arith.constant 0 : i32
        %dma_start3A_223 = tpu.memref_slice %arg4[%add3A_217, %dma_start3A_221, %dma_start3A_222] : memref<3328x64x32xf32, #tpu.memory_space<hbm>> -> memref<8x64x32xf32, #tpu.memory_space<hbm>>
        tpu.enqueue_dma source(%arg6 : memref<8x64x32xf32, #tpu.memory_space<vmem>>) target(%dma_start3A_223 : memref<8x64x32xf32, #tpu.memory_space<hbm>>) target_semaphore(%run_scoped3A : memref<!tpu.dma_semaphore, #tpu.memory_space<semaphore_mem>>)
        %dma_wait3A_224 = arith.constant 0 : i32
        %dma_wait3A_225 = arith.constant 0 : i32
        %dma_wait3A_226 = tpu.memref_slice %arg4[%add3A_217, %dma_wait3A_224, %dma_wait3A_225] : memref<3328x64x32xf32, #tpu.memory_space<hbm>> -> memref<8x64x32xf32, #tpu.memory_space<hbm>>
        %dma_wait3A_227 = arith.constant 0 : i32
        %dma_wait3A_228 = arith.constant 0 : i32
        %dma_wait3A_229 = tpu.memref_slice %arg4[%add3A_217, %dma_wait3A_227, %dma_wait3A_228] : memref<3328x64x32xf32, #tpu.memory_space<hbm>> -> memref<8x64x32xf32, #tpu.memory_space<hbm>>
        tpu.wait_dma2 semaphore(%run_scoped3A : memref<!tpu.dma_semaphore, #tpu.memory_space<semaphore_mem>>) src(%arg6 : memref<8x64x32xf32, #tpu.memory_space<vmem>>) dst(%dma_wait3A_229 : memref<8x64x32xf32, #tpu.memory_space<hbm>>)
        tpu.yield
      }) : () -> ()
    }
    %scan3A_7 = arith.constant 13 : i32
    return
  }
}

#map = affine_map<(d0, d1) -> (0, 0)>
#map1 = affine_map<(d0, d1) -> (0, 0, 0)>
module attributes {stable_mosaic.version = 14 : i64} {
  func.func @_sc_gather(%arg0: i32, %arg1: i32, %arg2: memref<3328x64xi32, #tpu.memory_space<hbm>>, %arg3: memref<2600x32xf32, #tpu.memory_space<hbm>>, %arg4: memref<3328x64x32xf32, #tpu.memory_space<hbm>>, %arg5: memref<104x64xi32, #tpu.memory_space<vmem>>, %arg6: memref<8x64x32xf32, #tpu.memory_space<vmem>>, %arg7: memref<!tpu.dma_semaphore, #tpu.memory_space<semaphore_mem>>) attributes {dimension_semantics = [#tpu.dimension_semantics<core_parallel>, #tpu.dimension_semantics<subcore_parallel>], iteration_bounds = array<i64: 2, 16>, scalar_prefetch = 0 : i64, scratch_operands = 3 : i64, tpu.core_type = #tpu.core_type<sc_vector_subcore>, window_params = [{transform_indices = #map}, {transform_indices = #map}, {transform_indices = #map1}]} {
    %mul3A = arith.constant 2 : i32
    %mul3A_0 = arith.muli %arg1, %mul3A : i32
    %add3A = arith.addi %mul3A_0, %arg0 : i32
    %mul3A_1 = arith.constant 104 : i32
    %mul3A_2 = arith.muli %add3A, %mul3A_1 : i32
    "tpu.region"() ({
      %run_scoped3A = tpu.sem_alloc : memref<!tpu.dma_semaphore, #tpu.memory_space<semaphore_mem>>
      %dma_start3A = arith.constant 0 : i32
      %dma_start3A_8 = tpu.memref_slice %arg2[%mul3A_2, %dma_start3A] : memref<3328x64xi32, #tpu.memory_space<hbm>> -> memref<104x64xi32, #tpu.memory_space<hbm>>
      %dma_start3A_9 = arith.constant 0 : i32
      %dma_start3A_10 = tpu.memref_slice %arg2[%mul3A_2, %dma_start3A_9] : memref<3328x64xi32, #tpu.memory_space<hbm>> -> memref<104x64xi32, #tpu.memory_space<hbm>>
      tpu.enqueue_dma source(%dma_start3A_10 : memref<104x64xi32, #tpu.memory_space<hbm>>) target(%arg5 : memref<104x64xi32, #tpu.memory_space<vmem>>) target_semaphore(%run_scoped3A : memref<!tpu.dma_semaphore, #tpu.memory_space<semaphore_mem>>)
      %dma_wait3A = arith.constant 0 : i32
      %dma_wait3A_11 = tpu.memref_slice %arg2[%mul3A_2, %dma_wait3A] : memref<3328x64xi32, #tpu.memory_space<hbm>> -> memref<104x64xi32, #tpu.memory_space<hbm>>
      %dma_wait3A_12 = arith.constant 0 : i32
      %dma_wait3A_13 = tpu.memref_slice %arg2[%mul3A_2, %dma_wait3A_12] : memref<3328x64xi32, #tpu.memory_space<hbm>> -> memref<104x64xi32, #tpu.memory_space<hbm>>
      tpu.wait_dma2 semaphore(%run_scoped3A : memref<!tpu.dma_semaphore, #tpu.memory_space<semaphore_mem>>) src(%dma_wait3A_13 : memref<104x64xi32, #tpu.memory_space<hbm>>) dst(%arg5 : memref<104x64xi32, #tpu.memory_space<vmem>>)
      tpu.yield
    }) : () -> ()
    %scan3A = arith.constant 0 : i32
    %scan3A_3 = arith.constant 0 : i32
    %scan3A_4 = arith.constant 13 : i32
    %scan3A_5 = arith.addi %scan3A_3, %scan3A_4 : i32
    %scan3A_6 = arith.constant 1 : i32
    scf.for %scan3A_8 = %scan3A_3 to %scan3A_5 step %scan3A_6  : i32 {
      %mul3A_9 = arith.constant 8 : i32
      %mul3A_10 = arith.muli %scan3A_8, %mul3A_9 : i32
      %add3A_11 = arith.constant 0 : i32
      %add3A_12 = arith.addi %mul3A_10, %add3A_11 : i32
      %dma_start3A = arith.constant 0 : i32
      %dma_start3A_13 = arith.constant 0 : i32
      %dma_start3A_14 = arith.constant 0 : i32
      %dma_start3A_15 = tpu.memref_slice %arg6[%dma_start3A, %dma_start3A_13, %dma_start3A_14] : memref<8x64x32xf32, #tpu.memory_space<vmem>> -> memref<1x64x32xf32, #tpu.memory_space<vmem>>
      %dma_start3A_16 = tpu.memref_squeeze %dma_start3A_15 : memref<1x64x32xf32, #tpu.memory_space<vmem>> -> memref<64x32xf32, #tpu.memory_space<vmem>>
      %dma_start3A_17 = arith.constant 0 : i32
      %dma_start3A_18 = tpu.memref_slice %arg5[%add3A_12, %dma_start3A_17] : memref<104x64xi32, #tpu.memory_space<vmem>> -> memref<1x64xi32, #tpu.memory_space<vmem>>
      %dma_start3A_19 = tpu.memref_squeeze %dma_start3A_18 : memref<1x64xi32, #tpu.memory_space<vmem>> -> memref<64xi32, #tpu.memory_space<vmem>>
      %dma_start3A_20 = arith.constant 0 : i32
      %dma_start3A_21 = arith.constant 0 : i32
      %dma_start3A_22 = tpu.memref_slice %arg3[%dma_start3A_20, %dma_start3A_21] : memref<2600x32xf32, #tpu.memory_space<hbm>> -> memref<2600x32xf32, #tpu.memory_space<hbm>>
      tpu.enqueue_indirect_dma source(%dma_start3A_22 : memref<2600x32xf32, #tpu.memory_space<hbm>>) target(%dma_start3A_16 : memref<64x32xf32, #tpu.memory_space<vmem>>) offsets(%dma_start3A_19 : memref<64xi32, #tpu.memory_space<vmem>>) semaphore(%arg7 : memref<!tpu.dma_semaphore, #tpu.memory_space<semaphore_mem>>)
      %mul3A_23 = arith.constant 8 : i32
      %mul3A_24 = arith.muli %scan3A_8, %mul3A_23 : i32
      %add3A_25 = arith.constant 1 : i32
      %add3A_26 = arith.addi %mul3A_24, %add3A_25 : i32
      %dma_start3A_27 = arith.constant 1 : i32
      %dma_start3A_28 = arith.constant 0 : i32
      %dma_start3A_29 = arith.constant 0 : i32
      %dma_start3A_30 = tpu.memref_slice %arg6[%dma_start3A_27, %dma_start3A_28, %dma_start3A_29] : memref<8x64x32xf32, #tpu.memory_space<vmem>> -> memref<1x64x32xf32, #tpu.memory_space<vmem>>
      %dma_start3A_31 = tpu.memref_squeeze %dma_start3A_30 : memref<1x64x32xf32, #tpu.memory_space<vmem>> -> memref<64x32xf32, #tpu.memory_space<vmem>>
      %dma_start3A_32 = arith.constant 0 : i32
      %dma_start3A_33 = tpu.memref_slice %arg5[%add3A_26, %dma_start3A_32] : memref<104x64xi32, #tpu.memory_space<vmem>> -> memref<1x64xi32, #tpu.memory_space<vmem>>
      %dma_start3A_34 = tpu.memref_squeeze %dma_start3A_33 : memref<1x64xi32, #tpu.memory_space<vmem>> -> memref<64xi32, #tpu.memory_space<vmem>>
      %dma_start3A_35 = arith.constant 0 : i32
      %dma_start3A_36 = arith.constant 0 : i32
      %dma_start3A_37 = tpu.memref_slice %arg3[%dma_start3A_35, %dma_start3A_36] : memref<2600x32xf32, #tpu.memory_space<hbm>> -> memref<2600x32xf32, #tpu.memory_space<hbm>>
      tpu.enqueue_indirect_dma source(%dma_start3A_37 : memref<2600x32xf32, #tpu.memory_space<hbm>>) target(%dma_start3A_31 : memref<64x32xf32, #tpu.memory_space<vmem>>) offsets(%dma_start3A_34 : memref<64xi32, #tpu.memory_space<vmem>>) semaphore(%arg7 : memref<!tpu.dma_semaphore, #tpu.memory_space<semaphore_mem>>)
      %mul3A_38 = arith.constant 8 : i32
      %mul3A_39 = arith.muli %scan3A_8, %mul3A_38 : i32
      %add3A_40 = arith.constant 2 : i32
      %add3A_41 = arith.addi %mul3A_39, %add3A_40 : i32
      %dma_start3A_42 = arith.constant 2 : i32
      %dma_start3A_43 = arith.constant 0 : i32
      %dma_start3A_44 = arith.constant 0 : i32
      %dma_start3A_45 = tpu.memref_slice %arg6[%dma_start3A_42, %dma_start3A_43, %dma_start3A_44] : memref<8x64x32xf32, #tpu.memory_space<vmem>> -> memref<1x64x32xf32, #tpu.memory_space<vmem>>
      %dma_start3A_46 = tpu.memref_squeeze %dma_start3A_45 : memref<1x64x32xf32, #tpu.memory_space<vmem>> -> memref<64x32xf32, #tpu.memory_space<vmem>>
      %dma_start3A_47 = arith.constant 0 : i32
      %dma_start3A_48 = tpu.memref_slice %arg5[%add3A_41, %dma_start3A_47] : memref<104x64xi32, #tpu.memory_space<vmem>> -> memref<1x64xi32, #tpu.memory_space<vmem>>
      %dma_start3A_49 = tpu.memref_squeeze %dma_start3A_48 : memref<1x64xi32, #tpu.memory_space<vmem>> -> memref<64xi32, #tpu.memory_space<vmem>>
      %dma_start3A_50 = arith.constant 0 : i32
      %dma_start3A_51 = arith.constant 0 : i32
      %dma_start3A_52 = tpu.memref_slice %arg3[%dma_start3A_50, %dma_start3A_51] : memref<2600x32xf32, #tpu.memory_space<hbm>> -> memref<2600x32xf32, #tpu.memory_space<hbm>>
      tpu.enqueue_indirect_dma source(%dma_start3A_52 : memref<2600x32xf32, #tpu.memory_space<hbm>>) target(%dma_start3A_46 : memref<64x32xf32, #tpu.memory_space<vmem>>) offsets(%dma_start3A_49 : memref<64xi32, #tpu.memory_space<vmem>>) semaphore(%arg7 : memref<!tpu.dma_semaphore, #tpu.memory_space<semaphore_mem>>)
      %mul3A_53 = arith.constant 8 : i32
      %mul3A_54 = arith.muli %scan3A_8, %mul3A_53 : i32
      %add3A_55 = arith.constant 3 : i32
      %add3A_56 = arith.addi %mul3A_54, %add3A_55 : i32
      %dma_start3A_57 = arith.constant 3 : i32
      %dma_start3A_58 = arith.constant 0 : i32
      %dma_start3A_59 = arith.constant 0 : i32
      %dma_start3A_60 = tpu.memref_slice %arg6[%dma_start3A_57, %dma_start3A_58, %dma_start3A_59] : memref<8x64x32xf32, #tpu.memory_space<vmem>> -> memref<1x64x32xf32, #tpu.memory_space<vmem>>
      %dma_start3A_61 = tpu.memref_squeeze %dma_start3A_60 : memref<1x64x32xf32, #tpu.memory_space<vmem>> -> memref<64x32xf32, #tpu.memory_space<vmem>>
      %dma_start3A_62 = arith.constant 0 : i32
      %dma_start3A_63 = tpu.memref_slice %arg5[%add3A_56, %dma_start3A_62] : memref<104x64xi32, #tpu.memory_space<vmem>> -> memref<1x64xi32, #tpu.memory_space<vmem>>
      %dma_start3A_64 = tpu.memref_squeeze %dma_start3A_63 : memref<1x64xi32, #tpu.memory_space<vmem>> -> memref<64xi32, #tpu.memory_space<vmem>>
      %dma_start3A_65 = arith.constant 0 : i32
      %dma_start3A_66 = arith.constant 0 : i32
      %dma_start3A_67 = tpu.memref_slice %arg3[%dma_start3A_65, %dma_start3A_66] : memref<2600x32xf32, #tpu.memory_space<hbm>> -> memref<2600x32xf32, #tpu.memory_space<hbm>>
      tpu.enqueue_indirect_dma source(%dma_start3A_67 : memref<2600x32xf32, #tpu.memory_space<hbm>>) target(%dma_start3A_61 : memref<64x32xf32, #tpu.memory_space<vmem>>) offsets(%dma_start3A_64 : memref<64xi32, #tpu.memory_space<vmem>>) semaphore(%arg7 : memref<!tpu.dma_semaphore, #tpu.memory_space<semaphore_mem>>)
      %mul3A_68 = arith.constant 8 : i32
      %mul3A_69 = arith.muli %scan3A_8, %mul3A_68 : i32
      %add3A_70 = arith.constant 4 : i32
      %add3A_71 = arith.addi %mul3A_69, %add3A_70 : i32
      %dma_start3A_72 = arith.constant 4 : i32
      %dma_start3A_73 = arith.constant 0 : i32
      %dma_start3A_74 = arith.constant 0 : i32
      %dma_start3A_75 = tpu.memref_slice %arg6[%dma_start3A_72, %dma_start3A_73, %dma_start3A_74] : memref<8x64x32xf32, #tpu.memory_space<vmem>> -> memref<1x64x32xf32, #tpu.memory_space<vmem>>
      %dma_start3A_76 = tpu.memref_squeeze %dma_start3A_75 : memref<1x64x32xf32, #tpu.memory_space<vmem>> -> memref<64x32xf32, #tpu.memory_space<vmem>>
      %dma_start3A_77 = arith.constant 0 : i32
      %dma_start3A_78 = tpu.memref_slice %arg5[%add3A_71, %dma_start3A_77] : memref<104x64xi32, #tpu.memory_space<vmem>> -> memref<1x64xi32, #tpu.memory_space<vmem>>
      %dma_start3A_79 = tpu.memref_squeeze %dma_start3A_78 : memref<1x64xi32, #tpu.memory_space<vmem>> -> memref<64xi32, #tpu.memory_space<vmem>>
      %dma_start3A_80 = arith.constant 0 : i32
      %dma_start3A_81 = arith.constant 0 : i32
      %dma_start3A_82 = tpu.memref_slice %arg3[%dma_start3A_80, %dma_start3A_81] : memref<2600x32xf32, #tpu.memory_space<hbm>> -> memref<2600x32xf32, #tpu.memory_space<hbm>>
      tpu.enqueue_indirect_dma source(%dma_start3A_82 : memref<2600x32xf32, #tpu.memory_space<hbm>>) target(%dma_start3A_76 : memref<64x32xf32, #tpu.memory_space<vmem>>) offsets(%dma_start3A_79 : memref<64xi32, #tpu.memory_space<vmem>>) semaphore(%arg7 : memref<!tpu.dma_semaphore, #tpu.memory_space<semaphore_mem>>)
      %mul3A_83 = arith.constant 8 : i32
      %mul3A_84 = arith.muli %scan3A_8, %mul3A_83 : i32
      %add3A_85 = arith.constant 5 : i32
      %add3A_86 = arith.addi %mul3A_84, %add3A_85 : i32
      %dma_start3A_87 = arith.constant 5 : i32
      %dma_start3A_88 = arith.constant 0 : i32
      %dma_start3A_89 = arith.constant 0 : i32
      %dma_start3A_90 = tpu.memref_slice %arg6[%dma_start3A_87, %dma_start3A_88, %dma_start3A_89] : memref<8x64x32xf32, #tpu.memory_space<vmem>> -> memref<1x64x32xf32, #tpu.memory_space<vmem>>
      %dma_start3A_91 = tpu.memref_squeeze %dma_start3A_90 : memref<1x64x32xf32, #tpu.memory_space<vmem>> -> memref<64x32xf32, #tpu.memory_space<vmem>>
      %dma_start3A_92 = arith.constant 0 : i32
      %dma_start3A_93 = tpu.memref_slice %arg5[%add3A_86, %dma_start3A_92] : memref<104x64xi32, #tpu.memory_space<vmem>> -> memref<1x64xi32, #tpu.memory_space<vmem>>
      %dma_start3A_94 = tpu.memref_squeeze %dma_start3A_93 : memref<1x64xi32, #tpu.memory_space<vmem>> -> memref<64xi32, #tpu.memory_space<vmem>>
      %dma_start3A_95 = arith.constant 0 : i32
      %dma_start3A_96 = arith.constant 0 : i32
      %dma_start3A_97 = tpu.memref_slice %arg3[%dma_start3A_95, %dma_start3A_96] : memref<2600x32xf32, #tpu.memory_space<hbm>> -> memref<2600x32xf32, #tpu.memory_space<hbm>>
      tpu.enqueue_indirect_dma source(%dma_start3A_97 : memref<2600x32xf32, #tpu.memory_space<hbm>>) target(%dma_start3A_91 : memref<64x32xf32, #tpu.memory_space<vmem>>) offsets(%dma_start3A_94 : memref<64xi32, #tpu.memory_space<vmem>>) semaphore(%arg7 : memref<!tpu.dma_semaphore, #tpu.memory_space<semaphore_mem>>)
      %mul3A_98 = arith.constant 8 : i32
      %mul3A_99 = arith.muli %scan3A_8, %mul3A_98 : i32
      %add3A_100 = arith.constant 6 : i32
      %add3A_101 = arith.addi %mul3A_99, %add3A_100 : i32
      %dma_start3A_102 = arith.constant 6 : i32
      %dma_start3A_103 = arith.constant 0 : i32
      %dma_start3A_104 = arith.constant 0 : i32
      %dma_start3A_105 = tpu.memref_slice %arg6[%dma_start3A_102, %dma_start3A_103, %dma_start3A_104] : memref<8x64x32xf32, #tpu.memory_space<vmem>> -> memref<1x64x32xf32, #tpu.memory_space<vmem>>
      %dma_start3A_106 = tpu.memref_squeeze %dma_start3A_105 : memref<1x64x32xf32, #tpu.memory_space<vmem>> -> memref<64x32xf32, #tpu.memory_space<vmem>>
      %dma_start3A_107 = arith.constant 0 : i32
      %dma_start3A_108 = tpu.memref_slice %arg5[%add3A_101, %dma_start3A_107] : memref<104x64xi32, #tpu.memory_space<vmem>> -> memref<1x64xi32, #tpu.memory_space<vmem>>
      %dma_start3A_109 = tpu.memref_squeeze %dma_start3A_108 : memref<1x64xi32, #tpu.memory_space<vmem>> -> memref<64xi32, #tpu.memory_space<vmem>>
      %dma_start3A_110 = arith.constant 0 : i32
      %dma_start3A_111 = arith.constant 0 : i32
      %dma_start3A_112 = tpu.memref_slice %arg3[%dma_start3A_110, %dma_start3A_111] : memref<2600x32xf32, #tpu.memory_space<hbm>> -> memref<2600x32xf32, #tpu.memory_space<hbm>>
      tpu.enqueue_indirect_dma source(%dma_start3A_112 : memref<2600x32xf32, #tpu.memory_space<hbm>>) target(%dma_start3A_106 : memref<64x32xf32, #tpu.memory_space<vmem>>) offsets(%dma_start3A_109 : memref<64xi32, #tpu.memory_space<vmem>>) semaphore(%arg7 : memref<!tpu.dma_semaphore, #tpu.memory_space<semaphore_mem>>)
      %mul3A_113 = arith.constant 8 : i32
      %mul3A_114 = arith.muli %scan3A_8, %mul3A_113 : i32
      %add3A_115 = arith.constant 7 : i32
      %add3A_116 = arith.addi %mul3A_114, %add3A_115 : i32
      %dma_start3A_117 = arith.constant 7 : i32
      %dma_start3A_118 = arith.constant 0 : i32
      %dma_start3A_119 = arith.constant 0 : i32
      %dma_start3A_120 = tpu.memref_slice %arg6[%dma_start3A_117, %dma_start3A_118, %dma_start3A_119] : memref<8x64x32xf32, #tpu.memory_space<vmem>> -> memref<1x64x32xf32, #tpu.memory_space<vmem>>
      %dma_start3A_121 = tpu.memref_squeeze %dma_start3A_120 : memref<1x64x32xf32, #tpu.memory_space<vmem>> -> memref<64x32xf32, #tpu.memory_space<vmem>>
      %dma_start3A_122 = arith.constant 0 : i32
      %dma_start3A_123 = tpu.memref_slice %arg5[%add3A_116, %dma_start3A_122] : memref<104x64xi32, #tpu.memory_space<vmem>> -> memref<1x64xi32, #tpu.memory_space<vmem>>
      %dma_start3A_124 = tpu.memref_squeeze %dma_start3A_123 : memref<1x64xi32, #tpu.memory_space<vmem>> -> memref<64xi32, #tpu.memory_space<vmem>>
      %dma_start3A_125 = arith.constant 0 : i32
      %dma_start3A_126 = arith.constant 0 : i32
      %dma_start3A_127 = tpu.memref_slice %arg3[%dma_start3A_125, %dma_start3A_126] : memref<2600x32xf32, #tpu.memory_space<hbm>> -> memref<2600x32xf32, #tpu.memory_space<hbm>>
      tpu.enqueue_indirect_dma source(%dma_start3A_127 : memref<2600x32xf32, #tpu.memory_space<hbm>>) target(%dma_start3A_121 : memref<64x32xf32, #tpu.memory_space<vmem>>) offsets(%dma_start3A_124 : memref<64xi32, #tpu.memory_space<vmem>>) semaphore(%arg7 : memref<!tpu.dma_semaphore, #tpu.memory_space<semaphore_mem>>)
      %dma_wait3A = arith.constant 0 : i32
      %dma_wait3A_128 = arith.constant 0 : i32
      %dma_wait3A_129 = arith.constant 0 : i32
      %dma_wait3A_130 = tpu.memref_slice %arg6[%dma_wait3A, %dma_wait3A_128, %dma_wait3A_129] : memref<8x64x32xf32, #tpu.memory_space<vmem>> -> memref<1x64x32xf32, #tpu.memory_space<vmem>>
      %dma_wait3A_131 = tpu.memref_squeeze %dma_wait3A_130 : memref<1x64x32xf32, #tpu.memory_space<vmem>> -> memref<64x32xf32, #tpu.memory_space<vmem>>
      %dma_wait3A_132 = arith.constant 0 : i32
      %dma_wait3A_133 = tpu.memref_slice %arg5[%add3A_12, %dma_wait3A_132] : memref<104x64xi32, #tpu.memory_space<vmem>> -> memref<1x64xi32, #tpu.memory_space<vmem>>
      %dma_wait3A_134 = tpu.memref_squeeze %dma_wait3A_133 : memref<1x64xi32, #tpu.memory_space<vmem>> -> memref<64xi32, #tpu.memory_space<vmem>>
      %dma_wait3A_135 = arith.constant 0 : i32
      %dma_wait3A_136 = arith.constant 0 : i32
      %dma_wait3A_137 = tpu.memref_slice %arg3[%dma_wait3A_135, %dma_wait3A_136] : memref<2600x32xf32, #tpu.memory_space<hbm>> -> memref<2600x32xf32, #tpu.memory_space<hbm>>
      tpu.wait_indirect_dma semaphore(%arg7 : memref<!tpu.dma_semaphore, #tpu.memory_space<semaphore_mem>>) src(%dma_wait3A_137 : memref<2600x32xf32, #tpu.memory_space<hbm>>) dst(%dma_wait3A_131 : memref<64x32xf32, #tpu.memory_space<vmem>>)
      %dma_wait3A_138 = arith.constant 1 : i32
      %dma_wait3A_139 = arith.constant 0 : i32
      %dma_wait3A_140 = arith.constant 0 : i32
      %dma_wait3A_141 = tpu.memref_slice %arg6[%dma_wait3A_138, %dma_wait3A_139, %dma_wait3A_140] : memref<8x64x32xf32, #tpu.memory_space<vmem>> -> memref<1x64x32xf32, #tpu.memory_space<vmem>>
      %dma_wait3A_142 = tpu.memref_squeeze %dma_wait3A_141 : memref<1x64x32xf32, #tpu.memory_space<vmem>> -> memref<64x32xf32, #tpu.memory_space<vmem>>
      %dma_wait3A_143 = arith.constant 0 : i32
      %dma_wait3A_144 = tpu.memref_slice %arg5[%add3A_26, %dma_wait3A_143] : memref<104x64xi32, #tpu.memory_space<vmem>> -> memref<1x64xi32, #tpu.memory_space<vmem>>
      %dma_wait3A_145 = tpu.memref_squeeze %dma_wait3A_144 : memref<1x64xi32, #tpu.memory_space<vmem>> -> memref<64xi32, #tpu.memory_space<vmem>>
      %dma_wait3A_146 = arith.constant 0 : i32
      %dma_wait3A_147 = arith.constant 0 : i32
      %dma_wait3A_148 = tpu.memref_slice %arg3[%dma_wait3A_146, %dma_wait3A_147] : memref<2600x32xf32, #tpu.memory_space<hbm>> -> memref<2600x32xf32, #tpu.memory_space<hbm>>
      tpu.wait_indirect_dma semaphore(%arg7 : memref<!tpu.dma_semaphore, #tpu.memory_space<semaphore_mem>>) src(%dma_wait3A_148 : memref<2600x32xf32, #tpu.memory_space<hbm>>) dst(%dma_wait3A_142 : memref<64x32xf32, #tpu.memory_space<vmem>>)
      %dma_wait3A_149 = arith.constant 2 : i32
      %dma_wait3A_150 = arith.constant 0 : i32
      %dma_wait3A_151 = arith.constant 0 : i32
      %dma_wait3A_152 = tpu.memref_slice %arg6[%dma_wait3A_149, %dma_wait3A_150, %dma_wait3A_151] : memref<8x64x32xf32, #tpu.memory_space<vmem>> -> memref<1x64x32xf32, #tpu.memory_space<vmem>>
      %dma_wait3A_153 = tpu.memref_squeeze %dma_wait3A_152 : memref<1x64x32xf32, #tpu.memory_space<vmem>> -> memref<64x32xf32, #tpu.memory_space<vmem>>
      %dma_wait3A_154 = arith.constant 0 : i32
      %dma_wait3A_155 = tpu.memref_slice %arg5[%add3A_41, %dma_wait3A_154] : memref<104x64xi32, #tpu.memory_space<vmem>> -> memref<1x64xi32, #tpu.memory_space<vmem>>
      %dma_wait3A_156 = tpu.memref_squeeze %dma_wait3A_155 : memref<1x64xi32, #tpu.memory_space<vmem>> -> memref<64xi32, #tpu.memory_space<vmem>>
      %dma_wait3A_157 = arith.constant 0 : i32
      %dma_wait3A_158 = arith.constant 0 : i32
      %dma_wait3A_159 = tpu.memref_slice %arg3[%dma_wait3A_157, %dma_wait3A_158] : memref<2600x32xf32, #tpu.memory_space<hbm>> -> memref<2600x32xf32, #tpu.memory_space<hbm>>
      tpu.wait_indirect_dma semaphore(%arg7 : memref<!tpu.dma_semaphore, #tpu.memory_space<semaphore_mem>>) src(%dma_wait3A_159 : memref<2600x32xf32, #tpu.memory_space<hbm>>) dst(%dma_wait3A_153 : memref<64x32xf32, #tpu.memory_space<vmem>>)
      %dma_wait3A_160 = arith.constant 3 : i32
      %dma_wait3A_161 = arith.constant 0 : i32
      %dma_wait3A_162 = arith.constant 0 : i32
      %dma_wait3A_163 = tpu.memref_slice %arg6[%dma_wait3A_160, %dma_wait3A_161, %dma_wait3A_162] : memref<8x64x32xf32, #tpu.memory_space<vmem>> -> memref<1x64x32xf32, #tpu.memory_space<vmem>>
      %dma_wait3A_164 = tpu.memref_squeeze %dma_wait3A_163 : memref<1x64x32xf32, #tpu.memory_space<vmem>> -> memref<64x32xf32, #tpu.memory_space<vmem>>
      %dma_wait3A_165 = arith.constant 0 : i32
      %dma_wait3A_166 = tpu.memref_slice %arg5[%add3A_56, %dma_wait3A_165] : memref<104x64xi32, #tpu.memory_space<vmem>> -> memref<1x64xi32, #tpu.memory_space<vmem>>
      %dma_wait3A_167 = tpu.memref_squeeze %dma_wait3A_166 : memref<1x64xi32, #tpu.memory_space<vmem>> -> memref<64xi32, #tpu.memory_space<vmem>>
      %dma_wait3A_168 = arith.constant 0 : i32
      %dma_wait3A_169 = arith.constant 0 : i32
      %dma_wait3A_170 = tpu.memref_slice %arg3[%dma_wait3A_168, %dma_wait3A_169] : memref<2600x32xf32, #tpu.memory_space<hbm>> -> memref<2600x32xf32, #tpu.memory_space<hbm>>
      tpu.wait_indirect_dma semaphore(%arg7 : memref<!tpu.dma_semaphore, #tpu.memory_space<semaphore_mem>>) src(%dma_wait3A_170 : memref<2600x32xf32, #tpu.memory_space<hbm>>) dst(%dma_wait3A_164 : memref<64x32xf32, #tpu.memory_space<vmem>>)
      %dma_wait3A_171 = arith.constant 4 : i32
      %dma_wait3A_172 = arith.constant 0 : i32
      %dma_wait3A_173 = arith.constant 0 : i32
      %dma_wait3A_174 = tpu.memref_slice %arg6[%dma_wait3A_171, %dma_wait3A_172, %dma_wait3A_173] : memref<8x64x32xf32, #tpu.memory_space<vmem>> -> memref<1x64x32xf32, #tpu.memory_space<vmem>>
      %dma_wait3A_175 = tpu.memref_squeeze %dma_wait3A_174 : memref<1x64x32xf32, #tpu.memory_space<vmem>> -> memref<64x32xf32, #tpu.memory_space<vmem>>
      %dma_wait3A_176 = arith.constant 0 : i32
      %dma_wait3A_177 = tpu.memref_slice %arg5[%add3A_71, %dma_wait3A_176] : memref<104x64xi32, #tpu.memory_space<vmem>> -> memref<1x64xi32, #tpu.memory_space<vmem>>
      %dma_wait3A_178 = tpu.memref_squeeze %dma_wait3A_177 : memref<1x64xi32, #tpu.memory_space<vmem>> -> memref<64xi32, #tpu.memory_space<vmem>>
      %dma_wait3A_179 = arith.constant 0 : i32
      %dma_wait3A_180 = arith.constant 0 : i32
      %dma_wait3A_181 = tpu.memref_slice %arg3[%dma_wait3A_179, %dma_wait3A_180] : memref<2600x32xf32, #tpu.memory_space<hbm>> -> memref<2600x32xf32, #tpu.memory_space<hbm>>
      tpu.wait_indirect_dma semaphore(%arg7 : memref<!tpu.dma_semaphore, #tpu.memory_space<semaphore_mem>>) src(%dma_wait3A_181 : memref<2600x32xf32, #tpu.memory_space<hbm>>) dst(%dma_wait3A_175 : memref<64x32xf32, #tpu.memory_space<vmem>>)
      %dma_wait3A_182 = arith.constant 5 : i32
      %dma_wait3A_183 = arith.constant 0 : i32
      %dma_wait3A_184 = arith.constant 0 : i32
      %dma_wait3A_185 = tpu.memref_slice %arg6[%dma_wait3A_182, %dma_wait3A_183, %dma_wait3A_184] : memref<8x64x32xf32, #tpu.memory_space<vmem>> -> memref<1x64x32xf32, #tpu.memory_space<vmem>>
      %dma_wait3A_186 = tpu.memref_squeeze %dma_wait3A_185 : memref<1x64x32xf32, #tpu.memory_space<vmem>> -> memref<64x32xf32, #tpu.memory_space<vmem>>
      %dma_wait3A_187 = arith.constant 0 : i32
      %dma_wait3A_188 = tpu.memref_slice %arg5[%add3A_86, %dma_wait3A_187] : memref<104x64xi32, #tpu.memory_space<vmem>> -> memref<1x64xi32, #tpu.memory_space<vmem>>
      %dma_wait3A_189 = tpu.memref_squeeze %dma_wait3A_188 : memref<1x64xi32, #tpu.memory_space<vmem>> -> memref<64xi32, #tpu.memory_space<vmem>>
      %dma_wait3A_190 = arith.constant 0 : i32
      %dma_wait3A_191 = arith.constant 0 : i32
      %dma_wait3A_192 = tpu.memref_slice %arg3[%dma_wait3A_190, %dma_wait3A_191] : memref<2600x32xf32, #tpu.memory_space<hbm>> -> memref<2600x32xf32, #tpu.memory_space<hbm>>
      tpu.wait_indirect_dma semaphore(%arg7 : memref<!tpu.dma_semaphore, #tpu.memory_space<semaphore_mem>>) src(%dma_wait3A_192 : memref<2600x32xf32, #tpu.memory_space<hbm>>) dst(%dma_wait3A_186 : memref<64x32xf32, #tpu.memory_space<vmem>>)
      %dma_wait3A_193 = arith.constant 6 : i32
      %dma_wait3A_194 = arith.constant 0 : i32
      %dma_wait3A_195 = arith.constant 0 : i32
      %dma_wait3A_196 = tpu.memref_slice %arg6[%dma_wait3A_193, %dma_wait3A_194, %dma_wait3A_195] : memref<8x64x32xf32, #tpu.memory_space<vmem>> -> memref<1x64x32xf32, #tpu.memory_space<vmem>>
      %dma_wait3A_197 = tpu.memref_squeeze %dma_wait3A_196 : memref<1x64x32xf32, #tpu.memory_space<vmem>> -> memref<64x32xf32, #tpu.memory_space<vmem>>
      %dma_wait3A_198 = arith.constant 0 : i32
      %dma_wait3A_199 = tpu.memref_slice %arg5[%add3A_101, %dma_wait3A_198] : memref<104x64xi32, #tpu.memory_space<vmem>> -> memref<1x64xi32, #tpu.memory_space<vmem>>
      %dma_wait3A_200 = tpu.memref_squeeze %dma_wait3A_199 : memref<1x64xi32, #tpu.memory_space<vmem>> -> memref<64xi32, #tpu.memory_space<vmem>>
      %dma_wait3A_201 = arith.constant 0 : i32
      %dma_wait3A_202 = arith.constant 0 : i32
      %dma_wait3A_203 = tpu.memref_slice %arg3[%dma_wait3A_201, %dma_wait3A_202] : memref<2600x32xf32, #tpu.memory_space<hbm>> -> memref<2600x32xf32, #tpu.memory_space<hbm>>
      tpu.wait_indirect_dma semaphore(%arg7 : memref<!tpu.dma_semaphore, #tpu.memory_space<semaphore_mem>>) src(%dma_wait3A_203 : memref<2600x32xf32, #tpu.memory_space<hbm>>) dst(%dma_wait3A_197 : memref<64x32xf32, #tpu.memory_space<vmem>>)
      %dma_wait3A_204 = arith.constant 7 : i32
      %dma_wait3A_205 = arith.constant 0 : i32
      %dma_wait3A_206 = arith.constant 0 : i32
      %dma_wait3A_207 = tpu.memref_slice %arg6[%dma_wait3A_204, %dma_wait3A_205, %dma_wait3A_206] : memref<8x64x32xf32, #tpu.memory_space<vmem>> -> memref<1x64x32xf32, #tpu.memory_space<vmem>>
      %dma_wait3A_208 = tpu.memref_squeeze %dma_wait3A_207 : memref<1x64x32xf32, #tpu.memory_space<vmem>> -> memref<64x32xf32, #tpu.memory_space<vmem>>
      %dma_wait3A_209 = arith.constant 0 : i32
      %dma_wait3A_210 = tpu.memref_slice %arg5[%add3A_116, %dma_wait3A_209] : memref<104x64xi32, #tpu.memory_space<vmem>> -> memref<1x64xi32, #tpu.memory_space<vmem>>
      %dma_wait3A_211 = tpu.memref_squeeze %dma_wait3A_210 : memref<1x64xi32, #tpu.memory_space<vmem>> -> memref<64xi32, #tpu.memory_space<vmem>>
      %dma_wait3A_212 = arith.constant 0 : i32
      %dma_wait3A_213 = arith.constant 0 : i32
      %dma_wait3A_214 = tpu.memref_slice %arg3[%dma_wait3A_212, %dma_wait3A_213] : memref<2600x32xf32, #tpu.memory_space<hbm>> -> memref<2600x32xf32, #tpu.memory_space<hbm>>
      tpu.wait_indirect_dma semaphore(%arg7 : memref<!tpu.dma_semaphore, #tpu.memory_space<semaphore_mem>>) src(%dma_wait3A_214 : memref<2600x32xf32, #tpu.memory_space<hbm>>) dst(%dma_wait3A_208 : memref<64x32xf32, #tpu.memory_space<vmem>>)
      %mul3A_215 = arith.constant 8 : i32
      %mul3A_216 = arith.muli %scan3A_8, %mul3A_215 : i32
      %add3A_217 = arith.addi %mul3A_2, %mul3A_216 : i32
      "tpu.region"() ({
        %run_scoped3A = tpu.sem_alloc : memref<!tpu.dma_semaphore, #tpu.memory_space<semaphore_mem>>
        %dma_start3A_218 = arith.constant 0 : i32
        %dma_start3A_219 = arith.constant 0 : i32
        %dma_start3A_220 = tpu.memref_slice %arg4[%add3A_217, %dma_start3A_218, %dma_start3A_219] : memref<3328x64x32xf32, #tpu.memory_space<hbm>> -> memref<8x64x32xf32, #tpu.memory_space<hbm>>
        %dma_start3A_221 = arith.constant 0 : i32
        %dma_start3A_222 = arith.constant 0 : i32
        %dma_start3A_223 = tpu.memref_slice %arg4[%add3A_217, %dma_start3A_221, %dma_start3A_222] : memref<3328x64x32xf32, #tpu.memory_space<hbm>> -> memref<8x64x32xf32, #tpu.memory_space<hbm>>
        tpu.enqueue_dma source(%arg6 : memref<8x64x32xf32, #tpu.memory_space<vmem>>) target(%dma_start3A_223 : memref<8x64x32xf32, #tpu.memory_space<hbm>>) target_semaphore(%run_scoped3A : memref<!tpu.dma_semaphore, #tpu.memory_space<semaphore_mem>>)
        %dma_wait3A_224 = arith.constant 0 : i32
        %dma_wait3A_225 = arith.constant 0 : i32
        %dma_wait3A_226 = tpu.memref_slice %arg4[%add3A_217, %dma_wait3A_224, %dma_wait3A_225] : memref<3328x64x32xf32, #tpu.memory_space<hbm>> -> memref<8x64x32xf32, #tpu.memory_space<hbm>>
        %dma_wait3A_227 = arith.constant 0 : i32
        %dma_wait3A_228 = arith.constant 0 : i32
        %dma_wait3A_229 = tpu.memref_slice %arg4[%add3A_217, %dma_wait3A_227, %dma_wait3A_228] : memref<3328x64x32xf32, #tpu.memory_space<hbm>> -> memref<8x64x32xf32, #tpu.memory_space<hbm>>
        tpu.wait_dma2 semaphore(%run_scoped3A : memref<!tpu.dma_semaphore, #tpu.memory_space<semaphore_mem>>) src(%arg6 : memref<8x64x32xf32, #tpu.memory_space<vmem>>) dst(%dma_wait3A_229 : memref<8x64x32xf32, #tpu.memory_space<hbm>>)
        tpu.yield
      }) : () -> ()
    }
    %scan3A_7 = arith.constant 13 : i32
    return
  }
}

module attributes {stable_mosaic.version = 14 : i64} {
  func.func @_argmax_body(%arg0: i32, %arg1: memref<256x2600xf32, #tpu.memory_space<vmem>>, %arg2: memref<256x26xi32, #tpu.memory_space<vmem>>) attributes {dimension_semantics = [#tpu.dimension_semantics<arbitrary>], iteration_bounds = array<i64: 32>, scalar_prefetch = 0 : i64, scratch_operands = 0 : i64, tpu.core_type = #tpu.core_type<tc>, window_params = [{transform_indices = @transform_0, window_bounds = array<i64: 256, 2600>}, {transform_indices = @transform_1, window_bounds = array<i64: 256, 26>}]} {
    %iota3A = tpu.iota {dimensions = array<i32: 1>} : vector<256x128xi32>
    %get3A = arith.constant 0 : index
    %get3A_0 = arith.constant 0 : index
    %get3A_1 = vector.load %arg1[%get3A, %get3A_0] : memref<256x2600xf32, #tpu.memory_space<vmem>>, vector<256x128xf32>
    %get3A_2 = arith.constant 0 : index
    %get3A_3 = arith.constant 128 : index
    %get3A_4 = vector.load %arg1[%get3A_2, %get3A_3] : memref<256x2600xf32, #tpu.memory_space<vmem>>, vector<256x128xf32>
    %get3A_5 = arith.constant 0 : index
    %get3A_6 = arith.constant 256 : index
    %get3A_7 = vector.load %arg1[%get3A_5, %get3A_6] : memref<256x2600xf32, #tpu.memory_space<vmem>>, vector<256x128xf32>
    %get3A_8 = arith.constant 0 : index
    %get3A_9 = arith.constant 384 : index
    %get3A_10 = vector.load %arg1[%get3A_8, %get3A_9] : memref<256x2600xf32, #tpu.memory_space<vmem>>, vector<256x128xf32>
    %get3A_11 = arith.constant 0 : index
    %get3A_12 = arith.constant 512 : index
    %get3A_13 = vector.load %arg1[%get3A_11, %get3A_12] : memref<256x2600xf32, #tpu.memory_space<vmem>>, vector<256x128xf32>
    %get3A_14 = arith.constant 0 : index
    %get3A_15 = arith.constant 640 : index
    %get3A_16 = vector.load %arg1[%get3A_14, %get3A_15] : memref<256x2600xf32, #tpu.memory_space<vmem>>, vector<256x128xf32>
    %get3A_17 = arith.constant 0 : index
    %get3A_18 = arith.constant 768 : index
    %get3A_19 = vector.load %arg1[%get3A_17, %get3A_18] : memref<256x2600xf32, #tpu.memory_space<vmem>>, vector<256x128xf32>
    %get3A_20 = arith.constant 0 : index
    %get3A_21 = arith.constant 896 : index
    %get3A_22 = vector.load %arg1[%get3A_20, %get3A_21] : memref<256x2600xf32, #tpu.memory_space<vmem>>, vector<256x128xf32>
    %get3A_23 = arith.constant 0 : index
    %get3A_24 = arith.constant 1024 : index
    %get3A_25 = vector.load %arg1[%get3A_23, %get3A_24] : memref<256x2600xf32, #tpu.memory_space<vmem>>, vector<256x128xf32>
    %get3A_26 = arith.constant 0 : index
    %get3A_27 = arith.constant 1152 : index
    %get3A_28 = vector.load %arg1[%get3A_26, %get3A_27] : memref<256x2600xf32, #tpu.memory_space<vmem>>, vector<256x128xf32>
    %get3A_29 = arith.constant 0 : index
    %get3A_30 = arith.constant 1280 : index
    %get3A_31 = vector.load %arg1[%get3A_29, %get3A_30] : memref<256x2600xf32, #tpu.memory_space<vmem>>, vector<256x128xf32>
    %get3A_32 = arith.constant 0 : index
    %get3A_33 = arith.constant 1408 : index
    %get3A_34 = vector.load %arg1[%get3A_32, %get3A_33] : memref<256x2600xf32, #tpu.memory_space<vmem>>, vector<256x128xf32>
    %get3A_35 = arith.constant 0 : index
    %get3A_36 = arith.constant 1536 : index
    %get3A_37 = vector.load %arg1[%get3A_35, %get3A_36] : memref<256x2600xf32, #tpu.memory_space<vmem>>, vector<256x128xf32>
    %get3A_38 = arith.constant 0 : index
    %get3A_39 = arith.constant 1664 : index
    %get3A_40 = vector.load %arg1[%get3A_38, %get3A_39] : memref<256x2600xf32, #tpu.memory_space<vmem>>, vector<256x128xf32>
    %get3A_41 = arith.constant 0 : index
    %get3A_42 = arith.constant 1792 : index
    %get3A_43 = vector.load %arg1[%get3A_41, %get3A_42] : memref<256x2600xf32, #tpu.memory_space<vmem>>, vector<256x128xf32>
    %get3A_44 = arith.constant 0 : index
    %get3A_45 = arith.constant 1920 : index
    %get3A_46 = vector.load %arg1[%get3A_44, %get3A_45] : memref<256x2600xf32, #tpu.memory_space<vmem>>, vector<256x128xf32>
    %get3A_47 = arith.constant 0 : index
    %get3A_48 = arith.constant 2048 : index
    %get3A_49 = vector.load %arg1[%get3A_47, %get3A_48] : memref<256x2600xf32, #tpu.memory_space<vmem>>, vector<256x128xf32>
    %get3A_50 = arith.constant 0 : index
    %get3A_51 = arith.constant 2176 : index
    %get3A_52 = vector.load %arg1[%get3A_50, %get3A_51] : memref<256x2600xf32, #tpu.memory_space<vmem>>, vector<256x128xf32>
    %get3A_53 = arith.constant 0 : index
    %get3A_54 = arith.constant 2304 : index
    %get3A_55 = vector.load %arg1[%get3A_53, %get3A_54] : memref<256x2600xf32, #tpu.memory_space<vmem>>, vector<256x128xf32>
    %get3A_56 = arith.constant 0 : index
    %get3A_57 = arith.constant 2432 : index
    %get3A_58 = vector.load %arg1[%get3A_56, %get3A_57] : memref<256x2600xf32, #tpu.memory_space<vmem>>, vector<256x128xf32>
    %get3A_59 = arith.constant 0 : index
    %get3A_60 = arith.constant 2560 : index
    %get3A_61 = vector.load %arg1[%get3A_59, %get3A_60] : memref<256x2600xf32, #tpu.memory_space<vmem>>, vector<256x40xf32>
    %jit3A = arith.constant -3.400000e+38 : f32
    %pad3A = vector.broadcast %jit3A : f32 to vector<256x88xf32>
    %pad3A_62 = tpu.concatenate %get3A_61, %pad3A in 1 : vector<256x40xf32>, vector<256x88xf32> -> vector<256x128xf32>
    %lt3A = arith.constant 100 : i32
    %lt3A_63 = vector.broadcast %lt3A : i32 to vector<256x128xi32>
    %lt3A_64 = arith.cmpi slt, %iota3A, %lt3A_63 : vector<256x128xi32>
    %jit3A_65 = arith.constant -3.400000e+38 : f32
    %broadcast_in_dim3A = vector.broadcast %jit3A_65 : f32 to vector<256x128xf32>
    %select_n3A = arith.select %lt3A_64, %get3A_1, %broadcast_in_dim3A : vector<256x128xi1>, vector<256x128xf32>
    %argmax3A = tpu.reduce_index %select_n3A {axis = 1 : i32, kind = #tpu.reduction_kind<arg_max>} : vector<256x128xf32> -> vector<256xi32>
    %add3A = arith.constant 0 : i32
    %add3A_66 = vector.broadcast %add3A : i32 to vector<256xi32>
    %add3A_67 = arith.addi %argmax3A, %add3A_66 : vector<256xi32>
    %slice3A = vector.extract_strided_slice %get3A_1 {offsets = [0, 100], sizes = [256, 28], strides = [1, 1]} : vector<256x128xf32> to vector<256x28xf32>
    %slice3A_68 = vector.extract_strided_slice %get3A_1 {offsets = [0, 0], sizes = [256, 100], strides = [1, 1]} : vector<256x128xf32> to vector<256x100xf32>
    %concatenate3A = tpu.concatenate %slice3A, %slice3A_68 in 1 : vector<256x28xf32>, vector<256x100xf32> -> vector<256x128xf32>
    %slice3A_69 = vector.extract_strided_slice %get3A_4 {offsets = [0, 100], sizes = [256, 28], strides = [1, 1]} : vector<256x128xf32> to vector<256x28xf32>
    %slice3A_70 = vector.extract_strided_slice %get3A_4 {offsets = [0, 0], sizes = [256, 100], strides = [1, 1]} : vector<256x128xf32> to vector<256x100xf32>
    %concatenate3A_71 = tpu.concatenate %slice3A_69, %slice3A_70 in 1 : vector<256x28xf32>, vector<256x100xf32> -> vector<256x128xf32>
    %lt3A_72 = arith.constant 28 : i32
    %lt3A_73 = vector.broadcast %lt3A_72 : i32 to vector<256x128xi32>
    %lt3A_74 = arith.cmpi slt, %iota3A, %lt3A_73 : vector<256x128xi32>
    %lt3A_75 = arith.constant 100 : i32
    %lt3A_76 = vector.broadcast %lt3A_75 : i32 to vector<256x128xi32>
    %lt3A_77 = arith.cmpi slt, %iota3A, %lt3A_76 : vector<256x128xi32>
    %jit3A_78 = arith.constant -3.400000e+38 : f32
    %broadcast_in_dim3A_79 = vector.broadcast %jit3A_78 : f32 to vector<256x128xf32>
    %select_n3A_80 = arith.select %lt3A_77, %concatenate3A_71, %broadcast_in_dim3A_79 : vector<256x128xi1>, vector<256x128xf32>
    %select_n3A_81 = arith.select %lt3A_74, %concatenate3A, %select_n3A_80 : vector<256x128xi1>, vector<256x128xf32>
    %argmax3A_82 = tpu.reduce_index %select_n3A_81 {axis = 1 : i32, kind = #tpu.reduction_kind<arg_max>} : vector<256x128xf32> -> vector<256xi32>
    %add3A_83 = arith.constant 100 : i32
    %add3A_84 = vector.broadcast %add3A_83 : i32 to vector<256xi32>
    %add3A_85 = arith.addi %argmax3A_82, %add3A_84 : vector<256xi32>
    %slice3A_86 = vector.extract_strided_slice %get3A_4 {offsets = [0, 72], sizes = [256, 56], strides = [1, 1]} : vector<256x128xf32> to vector<256x56xf32>
    %slice3A_87 = vector.extract_strided_slice %get3A_4 {offsets = [0, 0], sizes = [256, 72], strides = [1, 1]} : vector<256x128xf32> to vector<256x72xf32>
    %concatenate3A_88 = tpu.concatenate %slice3A_86, %slice3A_87 in 1 : vector<256x56xf32>, vector<256x72xf32> -> vector<256x128xf32>
    %slice3A_89 = vector.extract_strided_slice %get3A_7 {offsets = [0, 72], sizes = [256, 56], strides = [1, 1]} : vector<256x128xf32> to vector<256x56xf32>
    %slice3A_90 = vector.extract_strided_slice %get3A_7 {offsets = [0, 0], sizes = [256, 72], strides = [1, 1]} : vector<256x128xf32> to vector<256x72xf32>
    %concatenate3A_91 = tpu.concatenate %slice3A_89, %slice3A_90 in 1 : vector<256x56xf32>, vector<256x72xf32> -> vector<256x128xf32>
    %lt3A_92 = arith.constant 56 : i32
    %lt3A_93 = vector.broadcast %lt3A_92 : i32 to vector<256x128xi32>
    %lt3A_94 = arith.cmpi slt, %iota3A, %lt3A_93 : vector<256x128xi32>
    %lt3A_95 = arith.constant 100 : i32
    %lt3A_96 = vector.broadcast %lt3A_95 : i32 to vector<256x128xi32>
    %lt3A_97 = arith.cmpi slt, %iota3A, %lt3A_96 : vector<256x128xi32>
    %jit3A_98 = arith.constant -3.400000e+38 : f32
    %broadcast_in_dim3A_99 = vector.broadcast %jit3A_98 : f32 to vector<256x128xf32>
    %select_n3A_100 = arith.select %lt3A_97, %concatenate3A_91, %broadcast_in_dim3A_99 : vector<256x128xi1>, vector<256x128xf32>
    %select_n3A_101 = arith.select %lt3A_94, %concatenate3A_88, %select_n3A_100 : vector<256x128xi1>, vector<256x128xf32>
    %argmax3A_102 = tpu.reduce_index %select_n3A_101 {axis = 1 : i32, kind = #tpu.reduction_kind<arg_max>} : vector<256x128xf32> -> vector<256xi32>
    %add3A_103 = arith.constant 200 : i32
    %add3A_104 = vector.broadcast %add3A_103 : i32 to vector<256xi32>
    %add3A_105 = arith.addi %argmax3A_102, %add3A_104 : vector<256xi32>
    %slice3A_106 = vector.extract_strided_slice %get3A_7 {offsets = [0, 44], sizes = [256, 84], strides = [1, 1]} : vector<256x128xf32> to vector<256x84xf32>
    %slice3A_107 = vector.extract_strided_slice %get3A_7 {offsets = [0, 0], sizes = [256, 44], strides = [1, 1]} : vector<256x128xf32> to vector<256x44xf32>
    %concatenate3A_108 = tpu.concatenate %slice3A_106, %slice3A_107 in 1 : vector<256x84xf32>, vector<256x44xf32> -> vector<256x128xf32>
    %slice3A_109 = vector.extract_strided_slice %get3A_10 {offsets = [0, 44], sizes = [256, 84], strides = [1, 1]} : vector<256x128xf32> to vector<256x84xf32>
    %slice3A_110 = vector.extract_strided_slice %get3A_10 {offsets = [0, 0], sizes = [256, 44], strides = [1, 1]} : vector<256x128xf32> to vector<256x44xf32>
    %concatenate3A_111 = tpu.concatenate %slice3A_109, %slice3A_110 in 1 : vector<256x84xf32>, vector<256x44xf32> -> vector<256x128xf32>
    %lt3A_112 = arith.constant 84 : i32
    %lt3A_113 = vector.broadcast %lt3A_112 : i32 to vector<256x128xi32>
    %lt3A_114 = arith.cmpi slt, %iota3A, %lt3A_113 : vector<256x128xi32>
    %lt3A_115 = arith.constant 100 : i32
    %lt3A_116 = vector.broadcast %lt3A_115 : i32 to vector<256x128xi32>
    %lt3A_117 = arith.cmpi slt, %iota3A, %lt3A_116 : vector<256x128xi32>
    %jit3A_118 = arith.constant -3.400000e+38 : f32
    %broadcast_in_dim3A_119 = vector.broadcast %jit3A_118 : f32 to vector<256x128xf32>
    %select_n3A_120 = arith.select %lt3A_117, %concatenate3A_111, %broadcast_in_dim3A_119 : vector<256x128xi1>, vector<256x128xf32>
    %select_n3A_121 = arith.select %lt3A_114, %concatenate3A_108, %select_n3A_120 : vector<256x128xi1>, vector<256x128xf32>
    %argmax3A_122 = tpu.reduce_index %select_n3A_121 {axis = 1 : i32, kind = #tpu.reduction_kind<arg_max>} : vector<256x128xf32> -> vector<256xi32>
    %add3A_123 = arith.constant 300 : i32
    %add3A_124 = vector.broadcast %add3A_123 : i32 to vector<256xi32>
    %add3A_125 = arith.addi %argmax3A_122, %add3A_124 : vector<256xi32>
    %slice3A_126 = vector.extract_strided_slice %get3A_10 {offsets = [0, 16], sizes = [256, 112], strides = [1, 1]} : vector<256x128xf32> to vector<256x112xf32>
    %slice3A_127 = vector.extract_strided_slice %get3A_10 {offsets = [0, 0], sizes = [256, 16], strides = [1, 1]} : vector<256x128xf32> to vector<256x16xf32>
    %concatenate3A_128 = tpu.concatenate %slice3A_126, %slice3A_127 in 1 : vector<256x112xf32>, vector<256x16xf32> -> vector<256x128xf32>
    %lt3A_129 = arith.constant 100 : i32
    %lt3A_130 = vector.broadcast %lt3A_129 : i32 to vector<256x128xi32>
    %lt3A_131 = arith.cmpi slt, %iota3A, %lt3A_130 : vector<256x128xi32>
    %jit3A_132 = arith.constant -3.400000e+38 : f32
    %broadcast_in_dim3A_133 = vector.broadcast %jit3A_132 : f32 to vector<256x128xf32>
    %select_n3A_134 = arith.select %lt3A_131, %concatenate3A_128, %broadcast_in_dim3A_133 : vector<256x128xi1>, vector<256x128xf32>
    %argmax3A_135 = tpu.reduce_index %select_n3A_134 {axis = 1 : i32, kind = #tpu.reduction_kind<arg_max>} : vector<256x128xf32> -> vector<256xi32>
    %add3A_136 = arith.constant 400 : i32
    %add3A_137 = vector.broadcast %add3A_136 : i32 to vector<256xi32>
    %add3A_138 = arith.addi %argmax3A_135, %add3A_137 : vector<256xi32>
    %slice3A_139 = vector.extract_strided_slice %get3A_10 {offsets = [0, 116], sizes = [256, 12], strides = [1, 1]} : vector<256x128xf32> to vector<256x12xf32>
    %slice3A_140 = vector.extract_strided_slice %get3A_10 {offsets = [0, 0], sizes = [256, 116], strides = [1, 1]} : vector<256x128xf32> to vector<256x116xf32>
    %concatenate3A_141 = tpu.concatenate %slice3A_139, %slice3A_140 in 1 : vector<256x12xf32>, vector<256x116xf32> -> vector<256x128xf32>
    %slice3A_142 = vector.extract_strided_slice %get3A_13 {offsets = [0, 116], sizes = [256, 12], strides = [1, 1]} : vector<256x128xf32> to vector<256x12xf32>
    %slice3A_143 = vector.extract_strided_slice %get3A_13 {offsets = [0, 0], sizes = [256, 116], strides = [1, 1]} : vector<256x128xf32> to vector<256x116xf32>
    %concatenate3A_144 = tpu.concatenate %slice3A_142, %slice3A_143 in 1 : vector<256x12xf32>, vector<256x116xf32> -> vector<256x128xf32>
    %lt3A_145 = arith.constant 12 : i32
    %lt3A_146 = vector.broadcast %lt3A_145 : i32 to vector<256x128xi32>
    %lt3A_147 = arith.cmpi slt, %iota3A, %lt3A_146 : vector<256x128xi32>
    %lt3A_148 = arith.constant 100 : i32
    %lt3A_149 = vector.broadcast %lt3A_148 : i32 to vector<256x128xi32>
    %lt3A_150 = arith.cmpi slt, %iota3A, %lt3A_149 : vector<256x128xi32>
    %jit3A_151 = arith.constant -3.400000e+38 : f32
    %broadcast_in_dim3A_152 = vector.broadcast %jit3A_151 : f32 to vector<256x128xf32>
    %select_n3A_153 = arith.select %lt3A_150, %concatenate3A_144, %broadcast_in_dim3A_152 : vector<256x128xi1>, vector<256x128xf32>
    %select_n3A_154 = arith.select %lt3A_147, %concatenate3A_141, %select_n3A_153 : vector<256x128xi1>, vector<256x128xf32>
    %argmax3A_155 = tpu.reduce_index %select_n3A_154 {axis = 1 : i32, kind = #tpu.reduction_kind<arg_max>} : vector<256x128xf32> -> vector<256xi32>
    %add3A_156 = arith.constant 500 : i32
    %add3A_157 = vector.broadcast %add3A_156 : i32 to vector<256xi32>
    %add3A_158 = arith.addi %argmax3A_155, %add3A_157 : vector<256xi32>
    %slice3A_159 = vector.extract_strided_slice %get3A_13 {offsets = [0, 88], sizes = [256, 40], strides = [1, 1]} : vector<256x128xf32> to vector<256x40xf32>
    %slice3A_160 = vector.extract_strided_slice %get3A_13 {offsets = [0, 0], sizes = [256, 88], strides = [1, 1]} : vector<256x128xf32> to vector<256x88xf32>
    %concatenate3A_161 = tpu.concatenate %slice3A_159, %slice3A_160 in 1 : vector<256x40xf32>, vector<256x88xf32> -> vector<256x128xf32>
    %slice3A_162 = vector.extract_strided_slice %get3A_16 {offsets = [0, 88], sizes = [256, 40], strides = [1, 1]} : vector<256x128xf32> to vector<256x40xf32>
    %slice3A_163 = vector.extract_strided_slice %get3A_16 {offsets = [0, 0], sizes = [256, 88], strides = [1, 1]} : vector<256x128xf32> to vector<256x88xf32>
    %concatenate3A_164 = tpu.concatenate %slice3A_162, %slice3A_163 in 1 : vector<256x40xf32>, vector<256x88xf32> -> vector<256x128xf32>
    %lt3A_165 = arith.constant 40 : i32
    %lt3A_166 = vector.broadcast %lt3A_165 : i32 to vector<256x128xi32>
    %lt3A_167 = arith.cmpi slt, %iota3A, %lt3A_166 : vector<256x128xi32>
    %lt3A_168 = arith.constant 100 : i32
    %lt3A_169 = vector.broadcast %lt3A_168 : i32 to vector<256x128xi32>
    %lt3A_170 = arith.cmpi slt, %iota3A, %lt3A_169 : vector<256x128xi32>
    %jit3A_171 = arith.constant -3.400000e+38 : f32
    %broadcast_in_dim3A_172 = vector.broadcast %jit3A_171 : f32 to vector<256x128xf32>
    %select_n3A_173 = arith.select %lt3A_170, %concatenate3A_164, %broadcast_in_dim3A_172 : vector<256x128xi1>, vector<256x128xf32>
    %select_n3A_174 = arith.select %lt3A_167, %concatenate3A_161, %select_n3A_173 : vector<256x128xi1>, vector<256x128xf32>
    %argmax3A_175 = tpu.reduce_index %select_n3A_174 {axis = 1 : i32, kind = #tpu.reduction_kind<arg_max>} : vector<256x128xf32> -> vector<256xi32>
    %add3A_176 = arith.constant 600 : i32
    %add3A_177 = vector.broadcast %add3A_176 : i32 to vector<256xi32>
    %add3A_178 = arith.addi %argmax3A_175, %add3A_177 : vector<256xi32>
    %slice3A_179 = vector.extract_strided_slice %get3A_16 {offsets = [0, 60], sizes = [256, 68], strides = [1, 1]} : vector<256x128xf32> to vector<256x68xf32>
    %slice3A_180 = vector.extract_strided_slice %get3A_16 {offsets = [0, 0], sizes = [256, 60], strides = [1, 1]} : vector<256x128xf32> to vector<256x60xf32>
    %concatenate3A_181 = tpu.concatenate %slice3A_179, %slice3A_180 in 1 : vector<256x68xf32>, vector<256x60xf32> -> vector<256x128xf32>
    %slice3A_182 = vector.extract_strided_slice %get3A_19 {offsets = [0, 60], sizes = [256, 68], strides = [1, 1]} : vector<256x128xf32> to vector<256x68xf32>
    %slice3A_183 = vector.extract_strided_slice %get3A_19 {offsets = [0, 0], sizes = [256, 60], strides = [1, 1]} : vector<256x128xf32> to vector<256x60xf32>
    %concatenate3A_184 = tpu.concatenate %slice3A_182, %slice3A_183 in 1 : vector<256x68xf32>, vector<256x60xf32> -> vector<256x128xf32>
    %lt3A_185 = arith.constant 68 : i32
    %lt3A_186 = vector.broadcast %lt3A_185 : i32 to vector<256x128xi32>
    %lt3A_187 = arith.cmpi slt, %iota3A, %lt3A_186 : vector<256x128xi32>
    %lt3A_188 = arith.constant 100 : i32
    %lt3A_189 = vector.broadcast %lt3A_188 : i32 to vector<256x128xi32>
    %lt3A_190 = arith.cmpi slt, %iota3A, %lt3A_189 : vector<256x128xi32>
    %jit3A_191 = arith.constant -3.400000e+38 : f32
    %broadcast_in_dim3A_192 = vector.broadcast %jit3A_191 : f32 to vector<256x128xf32>
    %select_n3A_193 = arith.select %lt3A_190, %concatenate3A_184, %broadcast_in_dim3A_192 : vector<256x128xi1>, vector<256x128xf32>
    %select_n3A_194 = arith.select %lt3A_187, %concatenate3A_181, %select_n3A_193 : vector<256x128xi1>, vector<256x128xf32>
    %argmax3A_195 = tpu.reduce_index %select_n3A_194 {axis = 1 : i32, kind = #tpu.reduction_kind<arg_max>} : vector<256x128xf32> -> vector<256xi32>
    %add3A_196 = arith.constant 700 : i32
    %add3A_197 = vector.broadcast %add3A_196 : i32 to vector<256xi32>
    %add3A_198 = arith.addi %argmax3A_195, %add3A_197 : vector<256xi32>
    %slice3A_199 = vector.extract_strided_slice %get3A_19 {offsets = [0, 32], sizes = [256, 96], strides = [1, 1]} : vector<256x128xf32> to vector<256x96xf32>
    %slice3A_200 = vector.extract_strided_slice %get3A_19 {offsets = [0, 0], sizes = [256, 32], strides = [1, 1]} : vector<256x128xf32> to vector<256x32xf32>
    %concatenate3A_201 = tpu.concatenate %slice3A_199, %slice3A_200 in 1 : vector<256x96xf32>, vector<256x32xf32> -> vector<256x128xf32>
    %slice3A_202 = vector.extract_strided_slice %get3A_22 {offsets = [0, 32], sizes = [256, 96], strides = [1, 1]} : vector<256x128xf32> to vector<256x96xf32>
    %slice3A_203 = vector.extract_strided_slice %get3A_22 {offsets = [0, 0], sizes = [256, 32], strides = [1, 1]} : vector<256x128xf32> to vector<256x32xf32>
    %concatenate3A_204 = tpu.concatenate %slice3A_202, %slice3A_203 in 1 : vector<256x96xf32>, vector<256x32xf32> -> vector<256x128xf32>
    %lt3A_205 = arith.constant 96 : i32
    %lt3A_206 = vector.broadcast %lt3A_205 : i32 to vector<256x128xi32>
    %lt3A_207 = arith.cmpi slt, %iota3A, %lt3A_206 : vector<256x128xi32>
    %lt3A_208 = arith.constant 100 : i32
    %lt3A_209 = vector.broadcast %lt3A_208 : i32 to vector<256x128xi32>
    %lt3A_210 = arith.cmpi slt, %iota3A, %lt3A_209 : vector<256x128xi32>
    %jit3A_211 = arith.constant -3.400000e+38 : f32
    %broadcast_in_dim3A_212 = vector.broadcast %jit3A_211 : f32 to vector<256x128xf32>
    %select_n3A_213 = arith.select %lt3A_210, %concatenate3A_204, %broadcast_in_dim3A_212 : vector<256x128xi1>, vector<256x128xf32>
    %select_n3A_214 = arith.select %lt3A_207, %concatenate3A_201, %select_n3A_213 : vector<256x128xi1>, vector<256x128xf32>
    %argmax3A_215 = tpu.reduce_index %select_n3A_214 {axis = 1 : i32, kind = #tpu.reduction_kind<arg_max>} : vector<256x128xf32> -> vector<256xi32>
    %add3A_216 = arith.constant 800 : i32
    %add3A_217 = vector.broadcast %add3A_216 : i32 to vector<256xi32>
    %add3A_218 = arith.addi %argmax3A_215, %add3A_217 : vector<256xi32>
    %slice3A_219 = vector.extract_strided_slice %get3A_22 {offsets = [0, 4], sizes = [256, 124], strides = [1, 1]} : vector<256x128xf32> to vector<256x124xf32>
    %slice3A_220 = vector.extract_strided_slice %get3A_22 {offsets = [0, 0], sizes = [256, 4], strides = [1, 1]} : vector<256x128xf32> to vector<256x4xf32>
    %concatenate3A_221 = tpu.concatenate %slice3A_219, %slice3A_220 in 1 : vector<256x124xf32>, vector<256x4xf32> -> vector<256x128xf32>
    %lt3A_222 = arith.constant 100 : i32
    %lt3A_223 = vector.broadcast %lt3A_222 : i32 to vector<256x128xi32>
    %lt3A_224 = arith.cmpi slt, %iota3A, %lt3A_223 : vector<256x128xi32>
    %jit3A_225 = arith.constant -3.400000e+38 : f32
    %broadcast_in_dim3A_226 = vector.broadcast %jit3A_225 : f32 to vector<256x128xf32>
    %select_n3A_227 = arith.select %lt3A_224, %concatenate3A_221, %broadcast_in_dim3A_226 : vector<256x128xi1>, vector<256x128xf32>
    %argmax3A_228 = tpu.reduce_index %select_n3A_227 {axis = 1 : i32, kind = #tpu.reduction_kind<arg_max>} : vector<256x128xf32> -> vector<256xi32>
    %add3A_229 = arith.constant 900 : i32
    %add3A_230 = vector.broadcast %add3A_229 : i32 to vector<256xi32>
    %add3A_231 = arith.addi %argmax3A_228, %add3A_230 : vector<256xi32>
    %slice3A_232 = vector.extract_strided_slice %get3A_22 {offsets = [0, 104], sizes = [256, 24], strides = [1, 1]} : vector<256x128xf32> to vector<256x24xf32>
    %slice3A_233 = vector.extract_strided_slice %get3A_22 {offsets = [0, 0], sizes = [256, 104], strides = [1, 1]} : vector<256x128xf32> to vector<256x104xf32>
    %concatenate3A_234 = tpu.concatenate %slice3A_232, %slice3A_233 in 1 : vector<256x24xf32>, vector<256x104xf32> -> vector<256x128xf32>
    %slice3A_235 = vector.extract_strided_slice %get3A_25 {offsets = [0, 104], sizes = [256, 24], strides = [1, 1]} : vector<256x128xf32> to vector<256x24xf32>
    %slice3A_236 = vector.extract_strided_slice %get3A_25 {offsets = [0, 0], sizes = [256, 104], strides = [1, 1]} : vector<256x128xf32> to vector<256x104xf32>
    %concatenate3A_237 = tpu.concatenate %slice3A_235, %slice3A_236 in 1 : vector<256x24xf32>, vector<256x104xf32> -> vector<256x128xf32>
    %lt3A_238 = arith.constant 24 : i32
    %lt3A_239 = vector.broadcast %lt3A_238 : i32 to vector<256x128xi32>
    %lt3A_240 = arith.cmpi slt, %iota3A, %lt3A_239 : vector<256x128xi32>
    %lt3A_241 = arith.constant 100 : i32
    %lt3A_242 = vector.broadcast %lt3A_241 : i32 to vector<256x128xi32>
    %lt3A_243 = arith.cmpi slt, %iota3A, %lt3A_242 : vector<256x128xi32>
    %jit3A_244 = arith.constant -3.400000e+38 : f32
    %broadcast_in_dim3A_245 = vector.broadcast %jit3A_244 : f32 to vector<256x128xf32>
    %select_n3A_246 = arith.select %lt3A_243, %concatenate3A_237, %broadcast_in_dim3A_245 : vector<256x128xi1>, vector<256x128xf32>
    %select_n3A_247 = arith.select %lt3A_240, %concatenate3A_234, %select_n3A_246 : vector<256x128xi1>, vector<256x128xf32>
    %argmax3A_248 = tpu.reduce_index %select_n3A_247 {axis = 1 : i32, kind = #tpu.reduction_kind<arg_max>} : vector<256x128xf32> -> vector<256xi32>
    %add3A_249 = arith.constant 1000 : i32
    %add3A_250 = vector.broadcast %add3A_249 : i32 to vector<256xi32>
    %add3A_251 = arith.addi %argmax3A_248, %add3A_250 : vector<256xi32>
    %slice3A_252 = vector.extract_strided_slice %get3A_25 {offsets = [0, 76], sizes = [256, 52], strides = [1, 1]} : vector<256x128xf32> to vector<256x52xf32>
    %slice3A_253 = vector.extract_strided_slice %get3A_25 {offsets = [0, 0], sizes = [256, 76], strides = [1, 1]} : vector<256x128xf32> to vector<256x76xf32>
    %concatenate3A_254 = tpu.concatenate %slice3A_252, %slice3A_253 in 1 : vector<256x52xf32>, vector<256x76xf32> -> vector<256x128xf32>
    %slice3A_255 = vector.extract_strided_slice %get3A_28 {offsets = [0, 76], sizes = [256, 52], strides = [1, 1]} : vector<256x128xf32> to vector<256x52xf32>
    %slice3A_256 = vector.extract_strided_slice %get3A_28 {offsets = [0, 0], sizes = [256, 76], strides = [1, 1]} : vector<256x128xf32> to vector<256x76xf32>
    %concatenate3A_257 = tpu.concatenate %slice3A_255, %slice3A_256 in 1 : vector<256x52xf32>, vector<256x76xf32> -> vector<256x128xf32>
    %lt3A_258 = arith.constant 52 : i32
    %lt3A_259 = vector.broadcast %lt3A_258 : i32 to vector<256x128xi32>
    %lt3A_260 = arith.cmpi slt, %iota3A, %lt3A_259 : vector<256x128xi32>
    %lt3A_261 = arith.constant 100 : i32
    %lt3A_262 = vector.broadcast %lt3A_261 : i32 to vector<256x128xi32>
    %lt3A_263 = arith.cmpi slt, %iota3A, %lt3A_262 : vector<256x128xi32>
    %jit3A_264 = arith.constant -3.400000e+38 : f32
    %broadcast_in_dim3A_265 = vector.broadcast %jit3A_264 : f32 to vector<256x128xf32>
    %select_n3A_266 = arith.select %lt3A_263, %concatenate3A_257, %broadcast_in_dim3A_265 : vector<256x128xi1>, vector<256x128xf32>
    %select_n3A_267 = arith.select %lt3A_260, %concatenate3A_254, %select_n3A_266 : vector<256x128xi1>, vector<256x128xf32>
    %argmax3A_268 = tpu.reduce_index %select_n3A_267 {axis = 1 : i32, kind = #tpu.reduction_kind<arg_max>} : vector<256x128xf32> -> vector<256xi32>
    %add3A_269 = arith.constant 1100 : i32
    %add3A_270 = vector.broadcast %add3A_269 : i32 to vector<256xi32>
    %add3A_271 = arith.addi %argmax3A_268, %add3A_270 : vector<256xi32>
    %slice3A_272 = vector.extract_strided_slice %get3A_28 {offsets = [0, 48], sizes = [256, 80], strides = [1, 1]} : vector<256x128xf32> to vector<256x80xf32>
    %slice3A_273 = vector.extract_strided_slice %get3A_28 {offsets = [0, 0], sizes = [256, 48], strides = [1, 1]} : vector<256x128xf32> to vector<256x48xf32>
    %concatenate3A_274 = tpu.concatenate %slice3A_272, %slice3A_273 in 1 : vector<256x80xf32>, vector<256x48xf32> -> vector<256x128xf32>
    %slice3A_275 = vector.extract_strided_slice %get3A_31 {offsets = [0, 48], sizes = [256, 80], strides = [1, 1]} : vector<256x128xf32> to vector<256x80xf32>
    %slice3A_276 = vector.extract_strided_slice %get3A_31 {offsets = [0, 0], sizes = [256, 48], strides = [1, 1]} : vector<256x128xf32> to vector<256x48xf32>
    %concatenate3A_277 = tpu.concatenate %slice3A_275, %slice3A_276 in 1 : vector<256x80xf32>, vector<256x48xf32> -> vector<256x128xf32>
    %lt3A_278 = arith.constant 80 : i32
    %lt3A_279 = vector.broadcast %lt3A_278 : i32 to vector<256x128xi32>
    %lt3A_280 = arith.cmpi slt, %iota3A, %lt3A_279 : vector<256x128xi32>
    %lt3A_281 = arith.constant 100 : i32
    %lt3A_282 = vector.broadcast %lt3A_281 : i32 to vector<256x128xi32>
    %lt3A_283 = arith.cmpi slt, %iota3A, %lt3A_282 : vector<256x128xi32>
    %jit3A_284 = arith.constant -3.400000e+38 : f32
    %broadcast_in_dim3A_285 = vector.broadcast %jit3A_284 : f32 to vector<256x128xf32>
    %select_n3A_286 = arith.select %lt3A_283, %concatenate3A_277, %broadcast_in_dim3A_285 : vector<256x128xi1>, vector<256x128xf32>
    %select_n3A_287 = arith.select %lt3A_280, %concatenate3A_274, %select_n3A_286 : vector<256x128xi1>, vector<256x128xf32>
    %argmax3A_288 = tpu.reduce_index %select_n3A_287 {axis = 1 : i32, kind = #tpu.reduction_kind<arg_max>} : vector<256x128xf32> -> vector<256xi32>
    %add3A_289 = arith.constant 1200 : i32
    %add3A_290 = vector.broadcast %add3A_289 : i32 to vector<256xi32>
    %add3A_291 = arith.addi %argmax3A_288, %add3A_290 : vector<256xi32>
    %slice3A_292 = vector.extract_strided_slice %get3A_31 {offsets = [0, 20], sizes = [256, 108], strides = [1, 1]} : vector<256x128xf32> to vector<256x108xf32>
    %slice3A_293 = vector.extract_strided_slice %get3A_31 {offsets = [0, 0], sizes = [256, 20], strides = [1, 1]} : vector<256x128xf32> to vector<256x20xf32>
    %concatenate3A_294 = tpu.concatenate %slice3A_292, %slice3A_293 in 1 : vector<256x108xf32>, vector<256x20xf32> -> vector<256x128xf32>
    %lt3A_295 = arith.constant 100 : i32
    %lt3A_296 = vector.broadcast %lt3A_295 : i32 to vector<256x128xi32>
    %lt3A_297 = arith.cmpi slt, %iota3A, %lt3A_296 : vector<256x128xi32>
    %jit3A_298 = arith.constant -3.400000e+38 : f32
    %broadcast_in_dim3A_299 = vector.broadcast %jit3A_298 : f32 to vector<256x128xf32>
    %select_n3A_300 = arith.select %lt3A_297, %concatenate3A_294, %broadcast_in_dim3A_299 : vector<256x128xi1>, vector<256x128xf32>
    %argmax3A_301 = tpu.reduce_index %select_n3A_300 {axis = 1 : i32, kind = #tpu.reduction_kind<arg_max>} : vector<256x128xf32> -> vector<256xi32>
    %add3A_302 = arith.constant 1300 : i32
    %add3A_303 = vector.broadcast %add3A_302 : i32 to vector<256xi32>
    %add3A_304 = arith.addi %argmax3A_301, %add3A_303 : vector<256xi32>
    %slice3A_305 = vector.extract_strided_slice %get3A_31 {offsets = [0, 120], sizes = [256, 8], strides = [1, 1]} : vector<256x128xf32> to vector<256x8xf32>
    %slice3A_306 = vector.extract_strided_slice %get3A_31 {offsets = [0, 0], sizes = [256, 120], strides = [1, 1]} : vector<256x128xf32> to vector<256x120xf32>
    %concatenate3A_307 = tpu.concatenate %slice3A_305, %slice3A_306 in 1 : vector<256x8xf32>, vector<256x120xf32> -> vector<256x128xf32>
    %slice3A_308 = vector.extract_strided_slice %get3A_34 {offsets = [0, 120], sizes = [256, 8], strides = [1, 1]} : vector<256x128xf32> to vector<256x8xf32>
    %slice3A_309 = vector.extract_strided_slice %get3A_34 {offsets = [0, 0], sizes = [256, 120], strides = [1, 1]} : vector<256x128xf32> to vector<256x120xf32>
    %concatenate3A_310 = tpu.concatenate %slice3A_308, %slice3A_309 in 1 : vector<256x8xf32>, vector<256x120xf32> -> vector<256x128xf32>
    %lt3A_311 = arith.constant 8 : i32
    %lt3A_312 = vector.broadcast %lt3A_311 : i32 to vector<256x128xi32>
    %lt3A_313 = arith.cmpi slt, %iota3A, %lt3A_312 : vector<256x128xi32>
    %lt3A_314 = arith.constant 100 : i32
    %lt3A_315 = vector.broadcast %lt3A_314 : i32 to vector<256x128xi32>
    %lt3A_316 = arith.cmpi slt, %iota3A, %lt3A_315 : vector<256x128xi32>
    %jit3A_317 = arith.constant -3.400000e+38 : f32
    %broadcast_in_dim3A_318 = vector.broadcast %jit3A_317 : f32 to vector<256x128xf32>
    %select_n3A_319 = arith.select %lt3A_316, %concatenate3A_310, %broadcast_in_dim3A_318 : vector<256x128xi1>, vector<256x128xf32>
    %select_n3A_320 = arith.select %lt3A_313, %concatenate3A_307, %select_n3A_319 : vector<256x128xi1>, vector<256x128xf32>
    %argmax3A_321 = tpu.reduce_index %select_n3A_320 {axis = 1 : i32, kind = #tpu.reduction_kind<arg_max>} : vector<256x128xf32> -> vector<256xi32>
    %add3A_322 = arith.constant 1400 : i32
    %add3A_323 = vector.broadcast %add3A_322 : i32 to vector<256xi32>
    %add3A_324 = arith.addi %argmax3A_321, %add3A_323 : vector<256xi32>
    %slice3A_325 = vector.extract_strided_slice %get3A_34 {offsets = [0, 92], sizes = [256, 36], strides = [1, 1]} : vector<256x128xf32> to vector<256x36xf32>
    %slice3A_326 = vector.extract_strided_slice %get3A_34 {offsets = [0, 0], sizes = [256, 92], strides = [1, 1]} : vector<256x128xf32> to vector<256x92xf32>
    %concatenate3A_327 = tpu.concatenate %slice3A_325, %slice3A_326 in 1 : vector<256x36xf32>, vector<256x92xf32> -> vector<256x128xf32>
    %slice3A_328 = vector.extract_strided_slice %get3A_37 {offsets = [0, 92], sizes = [256, 36], strides = [1, 1]} : vector<256x128xf32> to vector<256x36xf32>
    %slice3A_329 = vector.extract_strided_slice %get3A_37 {offsets = [0, 0], sizes = [256, 92], strides = [1, 1]} : vector<256x128xf32> to vector<256x92xf32>
    %concatenate3A_330 = tpu.concatenate %slice3A_328, %slice3A_329 in 1 : vector<256x36xf32>, vector<256x92xf32> -> vector<256x128xf32>
    %lt3A_331 = arith.constant 36 : i32
    %lt3A_332 = vector.broadcast %lt3A_331 : i32 to vector<256x128xi32>
    %lt3A_333 = arith.cmpi slt, %iota3A, %lt3A_332 : vector<256x128xi32>
    %lt3A_334 = arith.constant 100 : i32
    %lt3A_335 = vector.broadcast %lt3A_334 : i32 to vector<256x128xi32>
    %lt3A_336 = arith.cmpi slt, %iota3A, %lt3A_335 : vector<256x128xi32>
    %jit3A_337 = arith.constant -3.400000e+38 : f32
    %broadcast_in_dim3A_338 = vector.broadcast %jit3A_337 : f32 to vector<256x128xf32>
    %select_n3A_339 = arith.select %lt3A_336, %concatenate3A_330, %broadcast_in_dim3A_338 : vector<256x128xi1>, vector<256x128xf32>
    %select_n3A_340 = arith.select %lt3A_333, %concatenate3A_327, %select_n3A_339 : vector<256x128xi1>, vector<256x128xf32>
    %argmax3A_341 = tpu.reduce_index %select_n3A_340 {axis = 1 : i32, kind = #tpu.reduction_kind<arg_max>} : vector<256x128xf32> -> vector<256xi32>
    %add3A_342 = arith.constant 1500 : i32
    %add3A_343 = vector.broadcast %add3A_342 : i32 to vector<256xi32>
    %add3A_344 = arith.addi %argmax3A_341, %add3A_343 : vector<256xi32>
    %slice3A_345 = vector.extract_strided_slice %get3A_37 {offsets = [0, 64], sizes = [256, 64], strides = [1, 1]} : vector<256x128xf32> to vector<256x64xf32>
    %slice3A_346 = vector.extract_strided_slice %get3A_37 {offsets = [0, 0], sizes = [256, 64], strides = [1, 1]} : vector<256x128xf32> to vector<256x64xf32>
    %concatenate3A_347 = tpu.concatenate %slice3A_345, %slice3A_346 in 1 : vector<256x64xf32>, vector<256x64xf32> -> vector<256x128xf32>
    %slice3A_348 = vector.extract_strided_slice %get3A_40 {offsets = [0, 64], sizes = [256, 64], strides = [1, 1]} : vector<256x128xf32> to vector<256x64xf32>
    %slice3A_349 = vector.extract_strided_slice %get3A_40 {offsets = [0, 0], sizes = [256, 64], strides = [1, 1]} : vector<256x128xf32> to vector<256x64xf32>
    %concatenate3A_350 = tpu.concatenate %slice3A_348, %slice3A_349 in 1 : vector<256x64xf32>, vector<256x64xf32> -> vector<256x128xf32>
    %lt3A_351 = arith.constant 64 : i32
    %lt3A_352 = vector.broadcast %lt3A_351 : i32 to vector<256x128xi32>
    %lt3A_353 = arith.cmpi slt, %iota3A, %lt3A_352 : vector<256x128xi32>
    %lt3A_354 = arith.constant 100 : i32
    %lt3A_355 = vector.broadcast %lt3A_354 : i32 to vector<256x128xi32>
    %lt3A_356 = arith.cmpi slt, %iota3A, %lt3A_355 : vector<256x128xi32>
    %jit3A_357 = arith.constant -3.400000e+38 : f32
    %broadcast_in_dim3A_358 = vector.broadcast %jit3A_357 : f32 to vector<256x128xf32>
    %select_n3A_359 = arith.select %lt3A_356, %concatenate3A_350, %broadcast_in_dim3A_358 : vector<256x128xi1>, vector<256x128xf32>
    %select_n3A_360 = arith.select %lt3A_353, %concatenate3A_347, %select_n3A_359 : vector<256x128xi1>, vector<256x128xf32>
    %argmax3A_361 = tpu.reduce_index %select_n3A_360 {axis = 1 : i32, kind = #tpu.reduction_kind<arg_max>} : vector<256x128xf32> -> vector<256xi32>
    %add3A_362 = arith.constant 1600 : i32
    %add3A_363 = vector.broadcast %add3A_362 : i32 to vector<256xi32>
    %add3A_364 = arith.addi %argmax3A_361, %add3A_363 : vector<256xi32>
    %slice3A_365 = vector.extract_strided_slice %get3A_40 {offsets = [0, 36], sizes = [256, 92], strides = [1, 1]} : vector<256x128xf32> to vector<256x92xf32>
    %slice3A_366 = vector.extract_strided_slice %get3A_40 {offsets = [0, 0], sizes = [256, 36], strides = [1, 1]} : vector<256x128xf32> to vector<256x36xf32>
    %concatenate3A_367 = tpu.concatenate %slice3A_365, %slice3A_366 in 1 : vector<256x92xf32>, vector<256x36xf32> -> vector<256x128xf32>
    %slice3A_368 = vector.extract_strided_slice %get3A_43 {offsets = [0, 36], sizes = [256, 92], strides = [1, 1]} : vector<256x128xf32> to vector<256x92xf32>
    %slice3A_369 = vector.extract_strided_slice %get3A_43 {offsets = [0, 0], sizes = [256, 36], strides = [1, 1]} : vector<256x128xf32> to vector<256x36xf32>
    %concatenate3A_370 = tpu.concatenate %slice3A_368, %slice3A_369 in 1 : vector<256x92xf32>, vector<256x36xf32> -> vector<256x128xf32>
    %lt3A_371 = arith.constant 92 : i32
    %lt3A_372 = vector.broadcast %lt3A_371 : i32 to vector<256x128xi32>
    %lt3A_373 = arith.cmpi slt, %iota3A, %lt3A_372 : vector<256x128xi32>
    %lt3A_374 = arith.constant 100 : i32
    %lt3A_375 = vector.broadcast %lt3A_374 : i32 to vector<256x128xi32>
    %lt3A_376 = arith.cmpi slt, %iota3A, %lt3A_375 : vector<256x128xi32>
    %jit3A_377 = arith.constant -3.400000e+38 : f32
    %broadcast_in_dim3A_378 = vector.broadcast %jit3A_377 : f32 to vector<256x128xf32>
    %select_n3A_379 = arith.select %lt3A_376, %concatenate3A_370, %broadcast_in_dim3A_378 : vector<256x128xi1>, vector<256x128xf32>
    %select_n3A_380 = arith.select %lt3A_373, %concatenate3A_367, %select_n3A_379 : vector<256x128xi1>, vector<256x128xf32>
    %argmax3A_381 = tpu.reduce_index %select_n3A_380 {axis = 1 : i32, kind = #tpu.reduction_kind<arg_max>} : vector<256x128xf32> -> vector<256xi32>
    %add3A_382 = arith.constant 1700 : i32
    %add3A_383 = vector.broadcast %add3A_382 : i32 to vector<256xi32>
    %add3A_384 = arith.addi %argmax3A_381, %add3A_383 : vector<256xi32>
    %slice3A_385 = vector.extract_strided_slice %get3A_43 {offsets = [0, 8], sizes = [256, 120], strides = [1, 1]} : vector<256x128xf32> to vector<256x120xf32>
    %slice3A_386 = vector.extract_strided_slice %get3A_43 {offsets = [0, 0], sizes = [256, 8], strides = [1, 1]} : vector<256x128xf32> to vector<256x8xf32>
    %concatenate3A_387 = tpu.concatenate %slice3A_385, %slice3A_386 in 1 : vector<256x120xf32>, vector<256x8xf32> -> vector<256x128xf32>
    %lt3A_388 = arith.constant 100 : i32
    %lt3A_389 = vector.broadcast %lt3A_388 : i32 to vector<256x128xi32>
    %lt3A_390 = arith.cmpi slt, %iota3A, %lt3A_389 : vector<256x128xi32>
    %jit3A_391 = arith.constant -3.400000e+38 : f32
    %broadcast_in_dim3A_392 = vector.broadcast %jit3A_391 : f32 to vector<256x128xf32>
    %select_n3A_393 = arith.select %lt3A_390, %concatenate3A_387, %broadcast_in_dim3A_392 : vector<256x128xi1>, vector<256x128xf32>
    %argmax3A_394 = tpu.reduce_index %select_n3A_393 {axis = 1 : i32, kind = #tpu.reduction_kind<arg_max>} : vector<256x128xf32> -> vector<256xi32>
    %add3A_395 = arith.constant 1800 : i32
    %add3A_396 = vector.broadcast %add3A_395 : i32 to vector<256xi32>
    %add3A_397 = arith.addi %argmax3A_394, %add3A_396 : vector<256xi32>
    %slice3A_398 = vector.extract_strided_slice %get3A_43 {offsets = [0, 108], sizes = [256, 20], strides = [1, 1]} : vector<256x128xf32> to vector<256x20xf32>
    %slice3A_399 = vector.extract_strided_slice %get3A_43 {offsets = [0, 0], sizes = [256, 108], strides = [1, 1]} : vector<256x128xf32> to vector<256x108xf32>
    %concatenate3A_400 = tpu.concatenate %slice3A_398, %slice3A_399 in 1 : vector<256x20xf32>, vector<256x108xf32> -> vector<256x128xf32>
    %slice3A_401 = vector.extract_strided_slice %get3A_46 {offsets = [0, 108], sizes = [256, 20], strides = [1, 1]} : vector<256x128xf32> to vector<256x20xf32>
    %slice3A_402 = vector.extract_strided_slice %get3A_46 {offsets = [0, 0], sizes = [256, 108], strides = [1, 1]} : vector<256x128xf32> to vector<256x108xf32>
    %concatenate3A_403 = tpu.concatenate %slice3A_401, %slice3A_402 in 1 : vector<256x20xf32>, vector<256x108xf32> -> vector<256x128xf32>
    %lt3A_404 = arith.constant 20 : i32
    %lt3A_405 = vector.broadcast %lt3A_404 : i32 to vector<256x128xi32>
    %lt3A_406 = arith.cmpi slt, %iota3A, %lt3A_405 : vector<256x128xi32>
    %lt3A_407 = arith.constant 100 : i32
    %lt3A_408 = vector.broadcast %lt3A_407 : i32 to vector<256x128xi32>
    %lt3A_409 = arith.cmpi slt, %iota3A, %lt3A_408 : vector<256x128xi32>
    %jit3A_410 = arith.constant -3.400000e+38 : f32
    %broadcast_in_dim3A_411 = vector.broadcast %jit3A_410 : f32 to vector<256x128xf32>
    %select_n3A_412 = arith.select %lt3A_409, %concatenate3A_403, %broadcast_in_dim3A_411 : vector<256x128xi1>, vector<256x128xf32>
    %select_n3A_413 = arith.select %lt3A_406, %concatenate3A_400, %select_n3A_412 : vector<256x128xi1>, vector<256x128xf32>
    %argmax3A_414 = tpu.reduce_index %select_n3A_413 {axis = 1 : i32, kind = #tpu.reduction_kind<arg_max>} : vector<256x128xf32> -> vector<256xi32>
    %add3A_415 = arith.constant 1900 : i32
    %add3A_416 = vector.broadcast %add3A_415 : i32 to vector<256xi32>
    %add3A_417 = arith.addi %argmax3A_414, %add3A_416 : vector<256xi32>
    %slice3A_418 = vector.extract_strided_slice %get3A_46 {offsets = [0, 80], sizes = [256, 48], strides = [1, 1]} : vector<256x128xf32> to vector<256x48xf32>
    %slice3A_419 = vector.extract_strided_slice %get3A_46 {offsets = [0, 0], sizes = [256, 80], strides = [1, 1]} : vector<256x128xf32> to vector<256x80xf32>
    %concatenate3A_420 = tpu.concatenate %slice3A_418, %slice3A_419 in 1 : vector<256x48xf32>, vector<256x80xf32> -> vector<256x128xf32>
    %slice3A_421 = vector.extract_strided_slice %get3A_49 {offsets = [0, 80], sizes = [256, 48], strides = [1, 1]} : vector<256x128xf32> to vector<256x48xf32>
    %slice3A_422 = vector.extract_strided_slice %get3A_49 {offsets = [0, 0], sizes = [256, 80], strides = [1, 1]} : vector<256x128xf32> to vector<256x80xf32>
    %concatenate3A_423 = tpu.concatenate %slice3A_421, %slice3A_422 in 1 : vector<256x48xf32>, vector<256x80xf32> -> vector<256x128xf32>
    %lt3A_424 = arith.constant 48 : i32
    %lt3A_425 = vector.broadcast %lt3A_424 : i32 to vector<256x128xi32>
    %lt3A_426 = arith.cmpi slt, %iota3A, %lt3A_425 : vector<256x128xi32>
    %lt3A_427 = arith.constant 100 : i32
    %lt3A_428 = vector.broadcast %lt3A_427 : i32 to vector<256x128xi32>
    %lt3A_429 = arith.cmpi slt, %iota3A, %lt3A_428 : vector<256x128xi32>
    %jit3A_430 = arith.constant -3.400000e+38 : f32
    %broadcast_in_dim3A_431 = vector.broadcast %jit3A_430 : f32 to vector<256x128xf32>
    %select_n3A_432 = arith.select %lt3A_429, %concatenate3A_423, %broadcast_in_dim3A_431 : vector<256x128xi1>, vector<256x128xf32>
    %select_n3A_433 = arith.select %lt3A_426, %concatenate3A_420, %select_n3A_432 : vector<256x128xi1>, vector<256x128xf32>
    %argmax3A_434 = tpu.reduce_index %select_n3A_433 {axis = 1 : i32, kind = #tpu.reduction_kind<arg_max>} : vector<256x128xf32> -> vector<256xi32>
    %add3A_435 = arith.constant 2000 : i32
    %add3A_436 = vector.broadcast %add3A_435 : i32 to vector<256xi32>
    %add3A_437 = arith.addi %argmax3A_434, %add3A_436 : vector<256xi32>
    %slice3A_438 = vector.extract_strided_slice %get3A_49 {offsets = [0, 52], sizes = [256, 76], strides = [1, 1]} : vector<256x128xf32> to vector<256x76xf32>
    %slice3A_439 = vector.extract_strided_slice %get3A_49 {offsets = [0, 0], sizes = [256, 52], strides = [1, 1]} : vector<256x128xf32> to vector<256x52xf32>
    %concatenate3A_440 = tpu.concatenate %slice3A_438, %slice3A_439 in 1 : vector<256x76xf32>, vector<256x52xf32> -> vector<256x128xf32>
    %slice3A_441 = vector.extract_strided_slice %get3A_52 {offsets = [0, 52], sizes = [256, 76], strides = [1, 1]} : vector<256x128xf32> to vector<256x76xf32>
    %slice3A_442 = vector.extract_strided_slice %get3A_52 {offsets = [0, 0], sizes = [256, 52], strides = [1, 1]} : vector<256x128xf32> to vector<256x52xf32>
    %concatenate3A_443 = tpu.concatenate %slice3A_441, %slice3A_442 in 1 : vector<256x76xf32>, vector<256x52xf32> -> vector<256x128xf32>
    %lt3A_444 = arith.constant 76 : i32
    %lt3A_445 = vector.broadcast %lt3A_444 : i32 to vector<256x128xi32>
    %lt3A_446 = arith.cmpi slt, %iota3A, %lt3A_445 : vector<256x128xi32>
    %lt3A_447 = arith.constant 100 : i32
    %lt3A_448 = vector.broadcast %lt3A_447 : i32 to vector<256x128xi32>
    %lt3A_449 = arith.cmpi slt, %iota3A, %lt3A_448 : vector<256x128xi32>
    %jit3A_450 = arith.constant -3.400000e+38 : f32
    %broadcast_in_dim3A_451 = vector.broadcast %jit3A_450 : f32 to vector<256x128xf32>
    %select_n3A_452 = arith.select %lt3A_449, %concatenate3A_443, %broadcast_in_dim3A_451 : vector<256x128xi1>, vector<256x128xf32>
    %select_n3A_453 = arith.select %lt3A_446, %concatenate3A_440, %select_n3A_452 : vector<256x128xi1>, vector<256x128xf32>
    %argmax3A_454 = tpu.reduce_index %select_n3A_453 {axis = 1 : i32, kind = #tpu.reduction_kind<arg_max>} : vector<256x128xf32> -> vector<256xi32>
    %add3A_455 = arith.constant 2100 : i32
    %add3A_456 = vector.broadcast %add3A_455 : i32 to vector<256xi32>
    %add3A_457 = arith.addi %argmax3A_454, %add3A_456 : vector<256xi32>
    %slice3A_458 = vector.extract_strided_slice %get3A_52 {offsets = [0, 24], sizes = [256, 104], strides = [1, 1]} : vector<256x128xf32> to vector<256x104xf32>
    %slice3A_459 = vector.extract_strided_slice %get3A_52 {offsets = [0, 0], sizes = [256, 24], strides = [1, 1]} : vector<256x128xf32> to vector<256x24xf32>
    %concatenate3A_460 = tpu.concatenate %slice3A_458, %slice3A_459 in 1 : vector<256x104xf32>, vector<256x24xf32> -> vector<256x128xf32>
    %lt3A_461 = arith.constant 100 : i32
    %lt3A_462 = vector.broadcast %lt3A_461 : i32 to vector<256x128xi32>
    %lt3A_463 = arith.cmpi slt, %iota3A, %lt3A_462 : vector<256x128xi32>
    %jit3A_464 = arith.constant -3.400000e+38 : f32
    %broadcast_in_dim3A_465 = vector.broadcast %jit3A_464 : f32 to vector<256x128xf32>
    %select_n3A_466 = arith.select %lt3A_463, %concatenate3A_460, %broadcast_in_dim3A_465 : vector<256x128xi1>, vector<256x128xf32>
    %argmax3A_467 = tpu.reduce_index %select_n3A_466 {axis = 1 : i32, kind = #tpu.reduction_kind<arg_max>} : vector<256x128xf32> -> vector<256xi32>
    %add3A_468 = arith.constant 2200 : i32
    %add3A_469 = vector.broadcast %add3A_468 : i32 to vector<256xi32>
    %add3A_470 = arith.addi %argmax3A_467, %add3A_469 : vector<256xi32>
    %slice3A_471 = vector.extract_strided_slice %get3A_52 {offsets = [0, 124], sizes = [256, 4], strides = [1, 1]} : vector<256x128xf32> to vector<256x4xf32>
    %slice3A_472 = vector.extract_strided_slice %get3A_52 {offsets = [0, 0], sizes = [256, 124], strides = [1, 1]} : vector<256x128xf32> to vector<256x124xf32>
    %concatenate3A_473 = tpu.concatenate %slice3A_471, %slice3A_472 in 1 : vector<256x4xf32>, vector<256x124xf32> -> vector<256x128xf32>
    %slice3A_474 = vector.extract_strided_slice %get3A_55 {offsets = [0, 124], sizes = [256, 4], strides = [1, 1]} : vector<256x128xf32> to vector<256x4xf32>
    %slice3A_475 = vector.extract_strided_slice %get3A_55 {offsets = [0, 0], sizes = [256, 124], strides = [1, 1]} : vector<256x128xf32> to vector<256x124xf32>
    %concatenate3A_476 = tpu.concatenate %slice3A_474, %slice3A_475 in 1 : vector<256x4xf32>, vector<256x124xf32> -> vector<256x128xf32>
    %lt3A_477 = arith.constant 4 : i32
    %lt3A_478 = vector.broadcast %lt3A_477 : i32 to vector<256x128xi32>
    %lt3A_479 = arith.cmpi slt, %iota3A, %lt3A_478 : vector<256x128xi32>
    %lt3A_480 = arith.constant 100 : i32
    %lt3A_481 = vector.broadcast %lt3A_480 : i32 to vector<256x128xi32>
    %lt3A_482 = arith.cmpi slt, %iota3A, %lt3A_481 : vector<256x128xi32>
    %jit3A_483 = arith.constant -3.400000e+38 : f32
    %broadcast_in_dim3A_484 = vector.broadcast %jit3A_483 : f32 to vector<256x128xf32>
    %select_n3A_485 = arith.select %lt3A_482, %concatenate3A_476, %broadcast_in_dim3A_484 : vector<256x128xi1>, vector<256x128xf32>
    %select_n3A_486 = arith.select %lt3A_479, %concatenate3A_473, %select_n3A_485 : vector<256x128xi1>, vector<256x128xf32>
    %argmax3A_487 = tpu.reduce_index %select_n3A_486 {axis = 1 : i32, kind = #tpu.reduction_kind<arg_max>} : vector<256x128xf32> -> vector<256xi32>
    %add3A_488 = arith.constant 2300 : i32
    %add3A_489 = vector.broadcast %add3A_488 : i32 to vector<256xi32>
    %add3A_490 = arith.addi %argmax3A_487, %add3A_489 : vector<256xi32>
    %slice3A_491 = vector.extract_strided_slice %get3A_55 {offsets = [0, 96], sizes = [256, 32], strides = [1, 1]} : vector<256x128xf32> to vector<256x32xf32>
    %slice3A_492 = vector.extract_strided_slice %get3A_55 {offsets = [0, 0], sizes = [256, 96], strides = [1, 1]} : vector<256x128xf32> to vector<256x96xf32>
    %concatenate3A_493 = tpu.concatenate %slice3A_491, %slice3A_492 in 1 : vector<256x32xf32>, vector<256x96xf32> -> vector<256x128xf32>
    %slice3A_494 = vector.extract_strided_slice %get3A_58 {offsets = [0, 96], sizes = [256, 32], strides = [1, 1]} : vector<256x128xf32> to vector<256x32xf32>
    %slice3A_495 = vector.extract_strided_slice %get3A_58 {offsets = [0, 0], sizes = [256, 96], strides = [1, 1]} : vector<256x128xf32> to vector<256x96xf32>
    %concatenate3A_496 = tpu.concatenate %slice3A_494, %slice3A_495 in 1 : vector<256x32xf32>, vector<256x96xf32> -> vector<256x128xf32>
    %lt3A_497 = arith.constant 32 : i32
    %lt3A_498 = vector.broadcast %lt3A_497 : i32 to vector<256x128xi32>
    %lt3A_499 = arith.cmpi slt, %iota3A, %lt3A_498 : vector<256x128xi32>
    %lt3A_500 = arith.constant 100 : i32
    %lt3A_501 = vector.broadcast %lt3A_500 : i32 to vector<256x128xi32>
    %lt3A_502 = arith.cmpi slt, %iota3A, %lt3A_501 : vector<256x128xi32>
    %jit3A_503 = arith.constant -3.400000e+38 : f32
    %broadcast_in_dim3A_504 = vector.broadcast %jit3A_503 : f32 to vector<256x128xf32>
    %select_n3A_505 = arith.select %lt3A_502, %concatenate3A_496, %broadcast_in_dim3A_504 : vector<256x128xi1>, vector<256x128xf32>
    %select_n3A_506 = arith.select %lt3A_499, %concatenate3A_493, %select_n3A_505 : vector<256x128xi1>, vector<256x128xf32>
    %argmax3A_507 = tpu.reduce_index %select_n3A_506 {axis = 1 : i32, kind = #tpu.reduction_kind<arg_max>} : vector<256x128xf32> -> vector<256xi32>
    %add3A_508 = arith.constant 2400 : i32
    %add3A_509 = vector.broadcast %add3A_508 : i32 to vector<256xi32>
    %add3A_510 = arith.addi %argmax3A_507, %add3A_509 : vector<256xi32>
    %slice3A_511 = vector.extract_strided_slice %get3A_58 {offsets = [0, 68], sizes = [256, 60], strides = [1, 1]} : vector<256x128xf32> to vector<256x60xf32>
    %slice3A_512 = vector.extract_strided_slice %get3A_58 {offsets = [0, 0], sizes = [256, 68], strides = [1, 1]} : vector<256x128xf32> to vector<256x68xf32>
    %concatenate3A_513 = tpu.concatenate %slice3A_511, %slice3A_512 in 1 : vector<256x60xf32>, vector<256x68xf32> -> vector<256x128xf32>
    %slice3A_514 = vector.extract_strided_slice %pad3A_62 {offsets = [0, 68], sizes = [256, 60], strides = [1, 1]} : vector<256x128xf32> to vector<256x60xf32>
    %slice3A_515 = vector.extract_strided_slice %pad3A_62 {offsets = [0, 0], sizes = [256, 68], strides = [1, 1]} : vector<256x128xf32> to vector<256x68xf32>
    %concatenate3A_516 = tpu.concatenate %slice3A_514, %slice3A_515 in 1 : vector<256x60xf32>, vector<256x68xf32> -> vector<256x128xf32>
    %lt3A_517 = arith.constant 60 : i32
    %lt3A_518 = vector.broadcast %lt3A_517 : i32 to vector<256x128xi32>
    %lt3A_519 = arith.cmpi slt, %iota3A, %lt3A_518 : vector<256x128xi32>
    %lt3A_520 = arith.constant 100 : i32
    %lt3A_521 = vector.broadcast %lt3A_520 : i32 to vector<256x128xi32>
    %lt3A_522 = arith.cmpi slt, %iota3A, %lt3A_521 : vector<256x128xi32>
    %jit3A_523 = arith.constant -3.400000e+38 : f32
    %broadcast_in_dim3A_524 = vector.broadcast %jit3A_523 : f32 to vector<256x128xf32>
    %select_n3A_525 = arith.select %lt3A_522, %concatenate3A_516, %broadcast_in_dim3A_524 : vector<256x128xi1>, vector<256x128xf32>
    %select_n3A_526 = arith.select %lt3A_519, %concatenate3A_513, %select_n3A_525 : vector<256x128xi1>, vector<256x128xf32>
    %argmax3A_527 = tpu.reduce_index %select_n3A_526 {axis = 1 : i32, kind = #tpu.reduction_kind<arg_max>} : vector<256x128xf32> -> vector<256xi32>
    %add3A_528 = arith.constant 2500 : i32
    %add3A_529 = vector.broadcast %add3A_528 : i32 to vector<256xi32>
    %add3A_530 = arith.addi %argmax3A_527, %add3A_529 : vector<256xi32>
    %stack3A = vector.shape_cast %add3A_67 : vector<256xi32> to vector<256x1xi32>
    %stack3A_531 = vector.shape_cast %add3A_85 : vector<256xi32> to vector<256x1xi32>
    %stack3A_532 = vector.shape_cast %add3A_105 : vector<256xi32> to vector<256x1xi32>
    %stack3A_533 = vector.shape_cast %add3A_125 : vector<256xi32> to vector<256x1xi32>
    %stack3A_534 = vector.shape_cast %add3A_138 : vector<256xi32> to vector<256x1xi32>
    %stack3A_535 = vector.shape_cast %add3A_158 : vector<256xi32> to vector<256x1xi32>
    %stack3A_536 = vector.shape_cast %add3A_178 : vector<256xi32> to vector<256x1xi32>
    %stack3A_537 = vector.shape_cast %add3A_198 : vector<256xi32> to vector<256x1xi32>
    %stack3A_538 = vector.shape_cast %add3A_218 : vector<256xi32> to vector<256x1xi32>
    %stack3A_539 = vector.shape_cast %add3A_231 : vector<256xi32> to vector<256x1xi32>
    %stack3A_540 = vector.shape_cast %add3A_251 : vector<256xi32> to vector<256x1xi32>
    %stack3A_541 = vector.shape_cast %add3A_271 : vector<256xi32> to vector<256x1xi32>
    %stack3A_542 = vector.shape_cast %add3A_291 : vector<256xi32> to vector<256x1xi32>
    %stack3A_543 = vector.shape_cast %add3A_304 : vector<256xi32> to vector<256x1xi32>
    %stack3A_544 = vector.shape_cast %add3A_324 : vector<256xi32> to vector<256x1xi32>
    %stack3A_545 = vector.shape_cast %add3A_344 : vector<256xi32> to vector<256x1xi32>
    %stack3A_546 = vector.shape_cast %add3A_364 : vector<256xi32> to vector<256x1xi32>
    %stack3A_547 = vector.shape_cast %add3A_384 : vector<256xi32> to vector<256x1xi32>
    %stack3A_548 = vector.shape_cast %add3A_397 : vector<256xi32> to vector<256x1xi32>
    %stack3A_549 = vector.shape_cast %add3A_417 : vector<256xi32> to vector<256x1xi32>
    %stack3A_550 = vector.shape_cast %add3A_437 : vector<256xi32> to vector<256x1xi32>
    %stack3A_551 = vector.shape_cast %add3A_457 : vector<256xi32> to vector<256x1xi32>
    %stack3A_552 = vector.shape_cast %add3A_470 : vector<256xi32> to vector<256x1xi32>
    %stack3A_553 = vector.shape_cast %add3A_490 : vector<256xi32> to vector<256x1xi32>
    %stack3A_554 = vector.shape_cast %add3A_510 : vector<256xi32> to vector<256x1xi32>
    %stack3A_555 = vector.shape_cast %add3A_530 : vector<256xi32> to vector<256x1xi32>
    %stack3A_556 = tpu.concatenate %stack3A, %stack3A_531, %stack3A_532, %stack3A_533, %stack3A_534, %stack3A_535, %stack3A_536, %stack3A_537, %stack3A_538, %stack3A_539, %stack3A_540, %stack3A_541, %stack3A_542, %stack3A_543, %stack3A_544, %stack3A_545, %stack3A_546, %stack3A_547, %stack3A_548, %stack3A_549, %stack3A_550, %stack3A_551, %stack3A_552, %stack3A_553, %stack3A_554, %stack3A_555 in 1 : vector<256x1xi32>, vector<256x1xi32>, vector<256x1xi32>, vector<256x1xi32>, vector<256x1xi32>, vector<256x1xi32>, vector<256x1xi32>, vector<256x1xi32>, vector<256x1xi32>, vector<256x1xi32>, vector<256x1xi32>, vector<256x1xi32>, vector<256x1xi32>, vector<256x1xi32>, vector<256x1xi32>, vector<256x1xi32>, vector<256x1xi32>, vector<256x1xi32>, vector<256x1xi32>, vector<256x1xi32>, vector<256x1xi32>, vector<256x1xi32>, vector<256x1xi32>, vector<256x1xi32>, vector<256x1xi32>, vector<256x1xi32> -> vector<256x26xi32>
    %swap3A = arith.constant 0 : index
    %swap3A_557 = arith.constant 0 : index
    %swap3A_558 = vector.load %arg2[%swap3A, %swap3A_557] : memref<256x26xi32, #tpu.memory_space<vmem>>, vector<256x26xi32>
    tpu.vector_store %arg2[%swap3A, %swap3A_557], %stack3A_556 {strides = array<i32>} : memref<256x26xi32, #tpu.memory_space<vmem>>, vector<256x26xi32>,
    return
  }
  func.func @transform_0(%arg0: i32) -> (i32, i32) {
    %add3A = arith.constant 0 : i32
    %add3A_0 = arith.addi %add3A, %arg0 : i32
    %c0_i32 = arith.constant 0 : i32
    %c0_i32_1 = arith.constant 0 : i32
    return %add3A_0, %c0_i32 : i32, i32
  }
  func.func @transform_1(%arg0: i32) -> (i32, i32) {
    %c0_i32 = arith.constant 0 : i32
    %c0_i32_0 = arith.constant 0 : i32
    return %arg0, %c0_i32 : i32, i32
  }
}

module attributes {stable_mosaic.version = 14 : i64} {
  func.func @_argmax_body(%arg0: i32, %arg1: memref<256x2600xf32, #tpu.memory_space<vmem>>, %arg2: memref<256x26xi32, #tpu.memory_space<vmem>>) attributes {dimension_semantics = [#tpu.dimension_semantics<arbitrary>], iteration_bounds = array<i64: 32>, scalar_prefetch = 0 : i64, scratch_operands = 0 : i64, tpu.core_type = #tpu.core_type<tc>, window_params = [{transform_indices = @transform_0, window_bounds = array<i64: 256, 2600>}, {transform_indices = @transform_1, window_bounds = array<i64: 256, 26>}]} {
    %iota3A = tpu.iota {dimensions = array<i32: 1>} : vector<256x128xi32>
    %get3A = arith.constant 0 : index
    %get3A_0 = arith.constant 0 : index
    %get3A_1 = vector.load %arg1[%get3A, %get3A_0] : memref<256x2600xf32, #tpu.memory_space<vmem>>, vector<256x128xf32>
    %get3A_2 = arith.constant 0 : index
    %get3A_3 = arith.constant 128 : index
    %get3A_4 = vector.load %arg1[%get3A_2, %get3A_3] : memref<256x2600xf32, #tpu.memory_space<vmem>>, vector<256x128xf32>
    %get3A_5 = arith.constant 0 : index
    %get3A_6 = arith.constant 256 : index
    %get3A_7 = vector.load %arg1[%get3A_5, %get3A_6] : memref<256x2600xf32, #tpu.memory_space<vmem>>, vector<256x128xf32>
    %get3A_8 = arith.constant 0 : index
    %get3A_9 = arith.constant 384 : index
    %get3A_10 = vector.load %arg1[%get3A_8, %get3A_9] : memref<256x2600xf32, #tpu.memory_space<vmem>>, vector<256x128xf32>
    %get3A_11 = arith.constant 0 : index
    %get3A_12 = arith.constant 512 : index
    %get3A_13 = vector.load %arg1[%get3A_11, %get3A_12] : memref<256x2600xf32, #tpu.memory_space<vmem>>, vector<256x128xf32>
    %get3A_14 = arith.constant 0 : index
    %get3A_15 = arith.constant 640 : index
    %get3A_16 = vector.load %arg1[%get3A_14, %get3A_15] : memref<256x2600xf32, #tpu.memory_space<vmem>>, vector<256x128xf32>
    %get3A_17 = arith.constant 0 : index
    %get3A_18 = arith.constant 768 : index
    %get3A_19 = vector.load %arg1[%get3A_17, %get3A_18] : memref<256x2600xf32, #tpu.memory_space<vmem>>, vector<256x128xf32>
    %get3A_20 = arith.constant 0 : index
    %get3A_21 = arith.constant 896 : index
    %get3A_22 = vector.load %arg1[%get3A_20, %get3A_21] : memref<256x2600xf32, #tpu.memory_space<vmem>>, vector<256x128xf32>
    %get3A_23 = arith.constant 0 : index
    %get3A_24 = arith.constant 1024 : index
    %get3A_25 = vector.load %arg1[%get3A_23, %get3A_24] : memref<256x2600xf32, #tpu.memory_space<vmem>>, vector<256x128xf32>
    %get3A_26 = arith.constant 0 : index
    %get3A_27 = arith.constant 1152 : index
    %get3A_28 = vector.load %arg1[%get3A_26, %get3A_27] : memref<256x2600xf32, #tpu.memory_space<vmem>>, vector<256x128xf32>
    %get3A_29 = arith.constant 0 : index
    %get3A_30 = arith.constant 1280 : index
    %get3A_31 = vector.load %arg1[%get3A_29, %get3A_30] : memref<256x2600xf32, #tpu.memory_space<vmem>>, vector<256x128xf32>
    %get3A_32 = arith.constant 0 : index
    %get3A_33 = arith.constant 1408 : index
    %get3A_34 = vector.load %arg1[%get3A_32, %get3A_33] : memref<256x2600xf32, #tpu.memory_space<vmem>>, vector<256x128xf32>
    %get3A_35 = arith.constant 0 : index
    %get3A_36 = arith.constant 1536 : index
    %get3A_37 = vector.load %arg1[%get3A_35, %get3A_36] : memref<256x2600xf32, #tpu.memory_space<vmem>>, vector<256x128xf32>
    %get3A_38 = arith.constant 0 : index
    %get3A_39 = arith.constant 1664 : index
    %get3A_40 = vector.load %arg1[%get3A_38, %get3A_39] : memref<256x2600xf32, #tpu.memory_space<vmem>>, vector<256x128xf32>
    %get3A_41 = arith.constant 0 : index
    %get3A_42 = arith.constant 1792 : index
    %get3A_43 = vector.load %arg1[%get3A_41, %get3A_42] : memref<256x2600xf32, #tpu.memory_space<vmem>>, vector<256x128xf32>
    %get3A_44 = arith.constant 0 : index
    %get3A_45 = arith.constant 1920 : index
    %get3A_46 = vector.load %arg1[%get3A_44, %get3A_45] : memref<256x2600xf32, #tpu.memory_space<vmem>>, vector<256x128xf32>
    %get3A_47 = arith.constant 0 : index
    %get3A_48 = arith.constant 2048 : index
    %get3A_49 = vector.load %arg1[%get3A_47, %get3A_48] : memref<256x2600xf32, #tpu.memory_space<vmem>>, vector<256x128xf32>
    %get3A_50 = arith.constant 0 : index
    %get3A_51 = arith.constant 2176 : index
    %get3A_52 = vector.load %arg1[%get3A_50, %get3A_51] : memref<256x2600xf32, #tpu.memory_space<vmem>>, vector<256x128xf32>
    %get3A_53 = arith.constant 0 : index
    %get3A_54 = arith.constant 2304 : index
    %get3A_55 = vector.load %arg1[%get3A_53, %get3A_54] : memref<256x2600xf32, #tpu.memory_space<vmem>>, vector<256x128xf32>
    %get3A_56 = arith.constant 0 : index
    %get3A_57 = arith.constant 2432 : index
    %get3A_58 = vector.load %arg1[%get3A_56, %get3A_57] : memref<256x2600xf32, #tpu.memory_space<vmem>>, vector<256x128xf32>
    %get3A_59 = arith.constant 0 : index
    %get3A_60 = arith.constant 2560 : index
    %get3A_61 = vector.load %arg1[%get3A_59, %get3A_60] : memref<256x2600xf32, #tpu.memory_space<vmem>>, vector<256x40xf32>
    %jit3A = arith.constant -3.400000e+38 : f32
    %pad3A = vector.broadcast %jit3A : f32 to vector<256x88xf32>
    %pad3A_62 = tpu.concatenate %get3A_61, %pad3A in 1 : vector<256x40xf32>, vector<256x88xf32> -> vector<256x128xf32>
    %lt3A = arith.constant 100 : i32
    %lt3A_63 = vector.broadcast %lt3A : i32 to vector<256x128xi32>
    %lt3A_64 = arith.cmpi slt, %iota3A, %lt3A_63 : vector<256x128xi32>
    %jit3A_65 = arith.constant -3.400000e+38 : f32
    %broadcast_in_dim3A = vector.broadcast %jit3A_65 : f32 to vector<256x128xf32>
    %select_n3A = arith.select %lt3A_64, %get3A_1, %broadcast_in_dim3A : vector<256x128xi1>, vector<256x128xf32>
    %argmax3A = tpu.reduce_index %select_n3A {axis = 1 : i32, kind = #tpu.reduction_kind<arg_max>} : vector<256x128xf32> -> vector<256xi32>
    %add3A = arith.constant 0 : i32
    %add3A_66 = vector.broadcast %add3A : i32 to vector<256xi32>
    %add3A_67 = arith.addi %argmax3A, %add3A_66 : vector<256xi32>
    %slice3A = vector.extract_strided_slice %get3A_1 {offsets = [0, 100], sizes = [256, 28], strides = [1, 1]} : vector<256x128xf32> to vector<256x28xf32>
    %slice3A_68 = vector.extract_strided_slice %get3A_1 {offsets = [0, 0], sizes = [256, 100], strides = [1, 1]} : vector<256x128xf32> to vector<256x100xf32>
    %concatenate3A = tpu.concatenate %slice3A, %slice3A_68 in 1 : vector<256x28xf32>, vector<256x100xf32> -> vector<256x128xf32>
    %slice3A_69 = vector.extract_strided_slice %get3A_4 {offsets = [0, 100], sizes = [256, 28], strides = [1, 1]} : vector<256x128xf32> to vector<256x28xf32>
    %slice3A_70 = vector.extract_strided_slice %get3A_4 {offsets = [0, 0], sizes = [256, 100], strides = [1, 1]} : vector<256x128xf32> to vector<256x100xf32>
    %concatenate3A_71 = tpu.concatenate %slice3A_69, %slice3A_70 in 1 : vector<256x28xf32>, vector<256x100xf32> -> vector<256x128xf32>
    %lt3A_72 = arith.constant 28 : i32
    %lt3A_73 = vector.broadcast %lt3A_72 : i32 to vector<256x128xi32>
    %lt3A_74 = arith.cmpi slt, %iota3A, %lt3A_73 : vector<256x128xi32>
    %lt3A_75 = arith.constant 100 : i32
    %lt3A_76 = vector.broadcast %lt3A_75 : i32 to vector<256x128xi32>
    %lt3A_77 = arith.cmpi slt, %iota3A, %lt3A_76 : vector<256x128xi32>
    %jit3A_78 = arith.constant -3.400000e+38 : f32
    %broadcast_in_dim3A_79 = vector.broadcast %jit3A_78 : f32 to vector<256x128xf32>
    %select_n3A_80 = arith.select %lt3A_77, %concatenate3A_71, %broadcast_in_dim3A_79 : vector<256x128xi1>, vector<256x128xf32>
    %select_n3A_81 = arith.select %lt3A_74, %concatenate3A, %select_n3A_80 : vector<256x128xi1>, vector<256x128xf32>
    %argmax3A_82 = tpu.reduce_index %select_n3A_81 {axis = 1 : i32, kind = #tpu.reduction_kind<arg_max>} : vector<256x128xf32> -> vector<256xi32>
    %add3A_83 = arith.constant 100 : i32
    %add3A_84 = vector.broadcast %add3A_83 : i32 to vector<256xi32>
    %add3A_85 = arith.addi %argmax3A_82, %add3A_84 : vector<256xi32>
    %slice3A_86 = vector.extract_strided_slice %get3A_4 {offsets = [0, 72], sizes = [256, 56], strides = [1, 1]} : vector<256x128xf32> to vector<256x56xf32>
    %slice3A_87 = vector.extract_strided_slice %get3A_4 {offsets = [0, 0], sizes = [256, 72], strides = [1, 1]} : vector<256x128xf32> to vector<256x72xf32>
    %concatenate3A_88 = tpu.concatenate %slice3A_86, %slice3A_87 in 1 : vector<256x56xf32>, vector<256x72xf32> -> vector<256x128xf32>
    %slice3A_89 = vector.extract_strided_slice %get3A_7 {offsets = [0, 72], sizes = [256, 56], strides = [1, 1]} : vector<256x128xf32> to vector<256x56xf32>
    %slice3A_90 = vector.extract_strided_slice %get3A_7 {offsets = [0, 0], sizes = [256, 72], strides = [1, 1]} : vector<256x128xf32> to vector<256x72xf32>
    %concatenate3A_91 = tpu.concatenate %slice3A_89, %slice3A_90 in 1 : vector<256x56xf32>, vector<256x72xf32> -> vector<256x128xf32>
    %lt3A_92 = arith.constant 56 : i32
    %lt3A_93 = vector.broadcast %lt3A_92 : i32 to vector<256x128xi32>
    %lt3A_94 = arith.cmpi slt, %iota3A, %lt3A_93 : vector<256x128xi32>
    %lt3A_95 = arith.constant 100 : i32
    %lt3A_96 = vector.broadcast %lt3A_95 : i32 to vector<256x128xi32>
    %lt3A_97 = arith.cmpi slt, %iota3A, %lt3A_96 : vector<256x128xi32>
    %jit3A_98 = arith.constant -3.400000e+38 : f32
    %broadcast_in_dim3A_99 = vector.broadcast %jit3A_98 : f32 to vector<256x128xf32>
    %select_n3A_100 = arith.select %lt3A_97, %concatenate3A_91, %broadcast_in_dim3A_99 : vector<256x128xi1>, vector<256x128xf32>
    %select_n3A_101 = arith.select %lt3A_94, %concatenate3A_88, %select_n3A_100 : vector<256x128xi1>, vector<256x128xf32>
    %argmax3A_102 = tpu.reduce_index %select_n3A_101 {axis = 1 : i32, kind = #tpu.reduction_kind<arg_max>} : vector<256x128xf32> -> vector<256xi32>
    %add3A_103 = arith.constant 200 : i32
    %add3A_104 = vector.broadcast %add3A_103 : i32 to vector<256xi32>
    %add3A_105 = arith.addi %argmax3A_102, %add3A_104 : vector<256xi32>
    %slice3A_106 = vector.extract_strided_slice %get3A_7 {offsets = [0, 44], sizes = [256, 84], strides = [1, 1]} : vector<256x128xf32> to vector<256x84xf32>
    %slice3A_107 = vector.extract_strided_slice %get3A_7 {offsets = [0, 0], sizes = [256, 44], strides = [1, 1]} : vector<256x128xf32> to vector<256x44xf32>
    %concatenate3A_108 = tpu.concatenate %slice3A_106, %slice3A_107 in 1 : vector<256x84xf32>, vector<256x44xf32> -> vector<256x128xf32>
    %slice3A_109 = vector.extract_strided_slice %get3A_10 {offsets = [0, 44], sizes = [256, 84], strides = [1, 1]} : vector<256x128xf32> to vector<256x84xf32>
    %slice3A_110 = vector.extract_strided_slice %get3A_10 {offsets = [0, 0], sizes = [256, 44], strides = [1, 1]} : vector<256x128xf32> to vector<256x44xf32>
    %concatenate3A_111 = tpu.concatenate %slice3A_109, %slice3A_110 in 1 : vector<256x84xf32>, vector<256x44xf32> -> vector<256x128xf32>
    %lt3A_112 = arith.constant 84 : i32
    %lt3A_113 = vector.broadcast %lt3A_112 : i32 to vector<256x128xi32>
    %lt3A_114 = arith.cmpi slt, %iota3A, %lt3A_113 : vector<256x128xi32>
    %lt3A_115 = arith.constant 100 : i32
    %lt3A_116 = vector.broadcast %lt3A_115 : i32 to vector<256x128xi32>
    %lt3A_117 = arith.cmpi slt, %iota3A, %lt3A_116 : vector<256x128xi32>
    %jit3A_118 = arith.constant -3.400000e+38 : f32
    %broadcast_in_dim3A_119 = vector.broadcast %jit3A_118 : f32 to vector<256x128xf32>
    %select_n3A_120 = arith.select %lt3A_117, %concatenate3A_111, %broadcast_in_dim3A_119 : vector<256x128xi1>, vector<256x128xf32>
    %select_n3A_121 = arith.select %lt3A_114, %concatenate3A_108, %select_n3A_120 : vector<256x128xi1>, vector<256x128xf32>
    %argmax3A_122 = tpu.reduce_index %select_n3A_121 {axis = 1 : i32, kind = #tpu.reduction_kind<arg_max>} : vector<256x128xf32> -> vector<256xi32>
    %add3A_123 = arith.constant 300 : i32
    %add3A_124 = vector.broadcast %add3A_123 : i32 to vector<256xi32>
    %add3A_125 = arith.addi %argmax3A_122, %add3A_124 : vector<256xi32>
    %slice3A_126 = vector.extract_strided_slice %get3A_10 {offsets = [0, 16], sizes = [256, 112], strides = [1, 1]} : vector<256x128xf32> to vector<256x112xf32>
    %slice3A_127 = vector.extract_strided_slice %get3A_10 {offsets = [0, 0], sizes = [256, 16], strides = [1, 1]} : vector<256x128xf32> to vector<256x16xf32>
    %concatenate3A_128 = tpu.concatenate %slice3A_126, %slice3A_127 in 1 : vector<256x112xf32>, vector<256x16xf32> -> vector<256x128xf32>
    %lt3A_129 = arith.constant 100 : i32
    %lt3A_130 = vector.broadcast %lt3A_129 : i32 to vector<256x128xi32>
    %lt3A_131 = arith.cmpi slt, %iota3A, %lt3A_130 : vector<256x128xi32>
    %jit3A_132 = arith.constant -3.400000e+38 : f32
    %broadcast_in_dim3A_133 = vector.broadcast %jit3A_132 : f32 to vector<256x128xf32>
    %select_n3A_134 = arith.select %lt3A_131, %concatenate3A_128, %broadcast_in_dim3A_133 : vector<256x128xi1>, vector<256x128xf32>
    %argmax3A_135 = tpu.reduce_index %select_n3A_134 {axis = 1 : i32, kind = #tpu.reduction_kind<arg_max>} : vector<256x128xf32> -> vector<256xi32>
    %add3A_136 = arith.constant 400 : i32
    %add3A_137 = vector.broadcast %add3A_136 : i32 to vector<256xi32>
    %add3A_138 = arith.addi %argmax3A_135, %add3A_137 : vector<256xi32>
    %slice3A_139 = vector.extract_strided_slice %get3A_10 {offsets = [0, 116], sizes = [256, 12], strides = [1, 1]} : vector<256x128xf32> to vector<256x12xf32>
    %slice3A_140 = vector.extract_strided_slice %get3A_10 {offsets = [0, 0], sizes = [256, 116], strides = [1, 1]} : vector<256x128xf32> to vector<256x116xf32>
    %concatenate3A_141 = tpu.concatenate %slice3A_139, %slice3A_140 in 1 : vector<256x12xf32>, vector<256x116xf32> -> vector<256x128xf32>
    %slice3A_142 = vector.extract_strided_slice %get3A_13 {offsets = [0, 116], sizes = [256, 12], strides = [1, 1]} : vector<256x128xf32> to vector<256x12xf32>
    %slice3A_143 = vector.extract_strided_slice %get3A_13 {offsets = [0, 0], sizes = [256, 116], strides = [1, 1]} : vector<256x128xf32> to vector<256x116xf32>
    %concatenate3A_144 = tpu.concatenate %slice3A_142, %slice3A_143 in 1 : vector<256x12xf32>, vector<256x116xf32> -> vector<256x128xf32>
    %lt3A_145 = arith.constant 12 : i32
    %lt3A_146 = vector.broadcast %lt3A_145 : i32 to vector<256x128xi32>
    %lt3A_147 = arith.cmpi slt, %iota3A, %lt3A_146 : vector<256x128xi32>
    %lt3A_148 = arith.constant 100 : i32
    %lt3A_149 = vector.broadcast %lt3A_148 : i32 to vector<256x128xi32>
    %lt3A_150 = arith.cmpi slt, %iota3A, %lt3A_149 : vector<256x128xi32>
    %jit3A_151 = arith.constant -3.400000e+38 : f32
    %broadcast_in_dim3A_152 = vector.broadcast %jit3A_151 : f32 to vector<256x128xf32>
    %select_n3A_153 = arith.select %lt3A_150, %concatenate3A_144, %broadcast_in_dim3A_152 : vector<256x128xi1>, vector<256x128xf32>
    %select_n3A_154 = arith.select %lt3A_147, %concatenate3A_141, %select_n3A_153 : vector<256x128xi1>, vector<256x128xf32>
    %argmax3A_155 = tpu.reduce_index %select_n3A_154 {axis = 1 : i32, kind = #tpu.reduction_kind<arg_max>} : vector<256x128xf32> -> vector<256xi32>
    %add3A_156 = arith.constant 500 : i32
    %add3A_157 = vector.broadcast %add3A_156 : i32 to vector<256xi32>
    %add3A_158 = arith.addi %argmax3A_155, %add3A_157 : vector<256xi32>
    %slice3A_159 = vector.extract_strided_slice %get3A_13 {offsets = [0, 88], sizes = [256, 40], strides = [1, 1]} : vector<256x128xf32> to vector<256x40xf32>
    %slice3A_160 = vector.extract_strided_slice %get3A_13 {offsets = [0, 0], sizes = [256, 88], strides = [1, 1]} : vector<256x128xf32> to vector<256x88xf32>
    %concatenate3A_161 = tpu.concatenate %slice3A_159, %slice3A_160 in 1 : vector<256x40xf32>, vector<256x88xf32> -> vector<256x128xf32>
    %slice3A_162 = vector.extract_strided_slice %get3A_16 {offsets = [0, 88], sizes = [256, 40], strides = [1, 1]} : vector<256x128xf32> to vector<256x40xf32>
    %slice3A_163 = vector.extract_strided_slice %get3A_16 {offsets = [0, 0], sizes = [256, 88], strides = [1, 1]} : vector<256x128xf32> to vector<256x88xf32>
    %concatenate3A_164 = tpu.concatenate %slice3A_162, %slice3A_163 in 1 : vector<256x40xf32>, vector<256x88xf32> -> vector<256x128xf32>
    %lt3A_165 = arith.constant 40 : i32
    %lt3A_166 = vector.broadcast %lt3A_165 : i32 to vector<256x128xi32>
    %lt3A_167 = arith.cmpi slt, %iota3A, %lt3A_166 : vector<256x128xi32>
    %lt3A_168 = arith.constant 100 : i32
    %lt3A_169 = vector.broadcast %lt3A_168 : i32 to vector<256x128xi32>
    %lt3A_170 = arith.cmpi slt, %iota3A, %lt3A_169 : vector<256x128xi32>
    %jit3A_171 = arith.constant -3.400000e+38 : f32
    %broadcast_in_dim3A_172 = vector.broadcast %jit3A_171 : f32 to vector<256x128xf32>
    %select_n3A_173 = arith.select %lt3A_170, %concatenate3A_164, %broadcast_in_dim3A_172 : vector<256x128xi1>, vector<256x128xf32>
    %select_n3A_174 = arith.select %lt3A_167, %concatenate3A_161, %select_n3A_173 : vector<256x128xi1>, vector<256x128xf32>
    %argmax3A_175 = tpu.reduce_index %select_n3A_174 {axis = 1 : i32, kind = #tpu.reduction_kind<arg_max>} : vector<256x128xf32> -> vector<256xi32>
    %add3A_176 = arith.constant 600 : i32
    %add3A_177 = vector.broadcast %add3A_176 : i32 to vector<256xi32>
    %add3A_178 = arith.addi %argmax3A_175, %add3A_177 : vector<256xi32>
    %slice3A_179 = vector.extract_strided_slice %get3A_16 {offsets = [0, 60], sizes = [256, 68], strides = [1, 1]} : vector<256x128xf32> to vector<256x68xf32>
    %slice3A_180 = vector.extract_strided_slice %get3A_16 {offsets = [0, 0], sizes = [256, 60], strides = [1, 1]} : vector<256x128xf32> to vector<256x60xf32>
    %concatenate3A_181 = tpu.concatenate %slice3A_179, %slice3A_180 in 1 : vector<256x68xf32>, vector<256x60xf32> -> vector<256x128xf32>
    %slice3A_182 = vector.extract_strided_slice %get3A_19 {offsets = [0, 60], sizes = [256, 68], strides = [1, 1]} : vector<256x128xf32> to vector<256x68xf32>
    %slice3A_183 = vector.extract_strided_slice %get3A_19 {offsets = [0, 0], sizes = [256, 60], strides = [1, 1]} : vector<256x128xf32> to vector<256x60xf32>
    %concatenate3A_184 = tpu.concatenate %slice3A_182, %slice3A_183 in 1 : vector<256x68xf32>, vector<256x60xf32> -> vector<256x128xf32>
    %lt3A_185 = arith.constant 68 : i32
    %lt3A_186 = vector.broadcast %lt3A_185 : i32 to vector<256x128xi32>
    %lt3A_187 = arith.cmpi slt, %iota3A, %lt3A_186 : vector<256x128xi32>
    %lt3A_188 = arith.constant 100 : i32
    %lt3A_189 = vector.broadcast %lt3A_188 : i32 to vector<256x128xi32>
    %lt3A_190 = arith.cmpi slt, %iota3A, %lt3A_189 : vector<256x128xi32>
    %jit3A_191 = arith.constant -3.400000e+38 : f32
    %broadcast_in_dim3A_192 = vector.broadcast %jit3A_191 : f32 to vector<256x128xf32>
    %select_n3A_193 = arith.select %lt3A_190, %concatenate3A_184, %broadcast_in_dim3A_192 : vector<256x128xi1>, vector<256x128xf32>
    %select_n3A_194 = arith.select %lt3A_187, %concatenate3A_181, %select_n3A_193 : vector<256x128xi1>, vector<256x128xf32>
    %argmax3A_195 = tpu.reduce_index %select_n3A_194 {axis = 1 : i32, kind = #tpu.reduction_kind<arg_max>} : vector<256x128xf32> -> vector<256xi32>
    %add3A_196 = arith.constant 700 : i32
    %add3A_197 = vector.broadcast %add3A_196 : i32 to vector<256xi32>
    %add3A_198 = arith.addi %argmax3A_195, %add3A_197 : vector<256xi32>
    %slice3A_199 = vector.extract_strided_slice %get3A_19 {offsets = [0, 32], sizes = [256, 96], strides = [1, 1]} : vector<256x128xf32> to vector<256x96xf32>
    %slice3A_200 = vector.extract_strided_slice %get3A_19 {offsets = [0, 0], sizes = [256, 32], strides = [1, 1]} : vector<256x128xf32> to vector<256x32xf32>
    %concatenate3A_201 = tpu.concatenate %slice3A_199, %slice3A_200 in 1 : vector<256x96xf32>, vector<256x32xf32> -> vector<256x128xf32>
    %slice3A_202 = vector.extract_strided_slice %get3A_22 {offsets = [0, 32], sizes = [256, 96], strides = [1, 1]} : vector<256x128xf32> to vector<256x96xf32>
    %slice3A_203 = vector.extract_strided_slice %get3A_22 {offsets = [0, 0], sizes = [256, 32], strides = [1, 1]} : vector<256x128xf32> to vector<256x32xf32>
    %concatenate3A_204 = tpu.concatenate %slice3A_202, %slice3A_203 in 1 : vector<256x96xf32>, vector<256x32xf32> -> vector<256x128xf32>
    %lt3A_205 = arith.constant 96 : i32
    %lt3A_206 = vector.broadcast %lt3A_205 : i32 to vector<256x128xi32>
    %lt3A_207 = arith.cmpi slt, %iota3A, %lt3A_206 : vector<256x128xi32>
    %lt3A_208 = arith.constant 100 : i32
    %lt3A_209 = vector.broadcast %lt3A_208 : i32 to vector<256x128xi32>
    %lt3A_210 = arith.cmpi slt, %iota3A, %lt3A_209 : vector<256x128xi32>
    %jit3A_211 = arith.constant -3.400000e+38 : f32
    %broadcast_in_dim3A_212 = vector.broadcast %jit3A_211 : f32 to vector<256x128xf32>
    %select_n3A_213 = arith.select %lt3A_210, %concatenate3A_204, %broadcast_in_dim3A_212 : vector<256x128xi1>, vector<256x128xf32>
    %select_n3A_214 = arith.select %lt3A_207, %concatenate3A_201, %select_n3A_213 : vector<256x128xi1>, vector<256x128xf32>
    %argmax3A_215 = tpu.reduce_index %select_n3A_214 {axis = 1 : i32, kind = #tpu.reduction_kind<arg_max>} : vector<256x128xf32> -> vector<256xi32>
    %add3A_216 = arith.constant 800 : i32
    %add3A_217 = vector.broadcast %add3A_216 : i32 to vector<256xi32>
    %add3A_218 = arith.addi %argmax3A_215, %add3A_217 : vector<256xi32>
    %slice3A_219 = vector.extract_strided_slice %get3A_22 {offsets = [0, 4], sizes = [256, 124], strides = [1, 1]} : vector<256x128xf32> to vector<256x124xf32>
    %slice3A_220 = vector.extract_strided_slice %get3A_22 {offsets = [0, 0], sizes = [256, 4], strides = [1, 1]} : vector<256x128xf32> to vector<256x4xf32>
    %concatenate3A_221 = tpu.concatenate %slice3A_219, %slice3A_220 in 1 : vector<256x124xf32>, vector<256x4xf32> -> vector<256x128xf32>
    %lt3A_222 = arith.constant 100 : i32
    %lt3A_223 = vector.broadcast %lt3A_222 : i32 to vector<256x128xi32>
    %lt3A_224 = arith.cmpi slt, %iota3A, %lt3A_223 : vector<256x128xi32>
    %jit3A_225 = arith.constant -3.400000e+38 : f32
    %broadcast_in_dim3A_226 = vector.broadcast %jit3A_225 : f32 to vector<256x128xf32>
    %select_n3A_227 = arith.select %lt3A_224, %concatenate3A_221, %broadcast_in_dim3A_226 : vector<256x128xi1>, vector<256x128xf32>
    %argmax3A_228 = tpu.reduce_index %select_n3A_227 {axis = 1 : i32, kind = #tpu.reduction_kind<arg_max>} : vector<256x128xf32> -> vector<256xi32>
    %add3A_229 = arith.constant 900 : i32
    %add3A_230 = vector.broadcast %add3A_229 : i32 to vector<256xi32>
    %add3A_231 = arith.addi %argmax3A_228, %add3A_230 : vector<256xi32>
    %slice3A_232 = vector.extract_strided_slice %get3A_22 {offsets = [0, 104], sizes = [256, 24], strides = [1, 1]} : vector<256x128xf32> to vector<256x24xf32>
    %slice3A_233 = vector.extract_strided_slice %get3A_22 {offsets = [0, 0], sizes = [256, 104], strides = [1, 1]} : vector<256x128xf32> to vector<256x104xf32>
    %concatenate3A_234 = tpu.concatenate %slice3A_232, %slice3A_233 in 1 : vector<256x24xf32>, vector<256x104xf32> -> vector<256x128xf32>
    %slice3A_235 = vector.extract_strided_slice %get3A_25 {offsets = [0, 104], sizes = [256, 24], strides = [1, 1]} : vector<256x128xf32> to vector<256x24xf32>
    %slice3A_236 = vector.extract_strided_slice %get3A_25 {offsets = [0, 0], sizes = [256, 104], strides = [1, 1]} : vector<256x128xf32> to vector<256x104xf32>
    %concatenate3A_237 = tpu.concatenate %slice3A_235, %slice3A_236 in 1 : vector<256x24xf32>, vector<256x104xf32> -> vector<256x128xf32>
    %lt3A_238 = arith.constant 24 : i32
    %lt3A_239 = vector.broadcast %lt3A_238 : i32 to vector<256x128xi32>
    %lt3A_240 = arith.cmpi slt, %iota3A, %lt3A_239 : vector<256x128xi32>
    %lt3A_241 = arith.constant 100 : i32
    %lt3A_242 = vector.broadcast %lt3A_241 : i32 to vector<256x128xi32>
    %lt3A_243 = arith.cmpi slt, %iota3A, %lt3A_242 : vector<256x128xi32>
    %jit3A_244 = arith.constant -3.400000e+38 : f32
    %broadcast_in_dim3A_245 = vector.broadcast %jit3A_244 : f32 to vector<256x128xf32>
    %select_n3A_246 = arith.select %lt3A_243, %concatenate3A_237, %broadcast_in_dim3A_245 : vector<256x128xi1>, vector<256x128xf32>
    %select_n3A_247 = arith.select %lt3A_240, %concatenate3A_234, %select_n3A_246 : vector<256x128xi1>, vector<256x128xf32>
    %argmax3A_248 = tpu.reduce_index %select_n3A_247 {axis = 1 : i32, kind = #tpu.reduction_kind<arg_max>} : vector<256x128xf32> -> vector<256xi32>
    %add3A_249 = arith.constant 1000 : i32
    %add3A_250 = vector.broadcast %add3A_249 : i32 to vector<256xi32>
    %add3A_251 = arith.addi %argmax3A_248, %add3A_250 : vector<256xi32>
    %slice3A_252 = vector.extract_strided_slice %get3A_25 {offsets = [0, 76], sizes = [256, 52], strides = [1, 1]} : vector<256x128xf32> to vector<256x52xf32>
    %slice3A_253 = vector.extract_strided_slice %get3A_25 {offsets = [0, 0], sizes = [256, 76], strides = [1, 1]} : vector<256x128xf32> to vector<256x76xf32>
    %concatenate3A_254 = tpu.concatenate %slice3A_252, %slice3A_253 in 1 : vector<256x52xf32>, vector<256x76xf32> -> vector<256x128xf32>
    %slice3A_255 = vector.extract_strided_slice %get3A_28 {offsets = [0, 76], sizes = [256, 52], strides = [1, 1]} : vector<256x128xf32> to vector<256x52xf32>
    %slice3A_256 = vector.extract_strided_slice %get3A_28 {offsets = [0, 0], sizes = [256, 76], strides = [1, 1]} : vector<256x128xf32> to vector<256x76xf32>
    %concatenate3A_257 = tpu.concatenate %slice3A_255, %slice3A_256 in 1 : vector<256x52xf32>, vector<256x76xf32> -> vector<256x128xf32>
    %lt3A_258 = arith.constant 52 : i32
    %lt3A_259 = vector.broadcast %lt3A_258 : i32 to vector<256x128xi32>
    %lt3A_260 = arith.cmpi slt, %iota3A, %lt3A_259 : vector<256x128xi32>
    %lt3A_261 = arith.constant 100 : i32
    %lt3A_262 = vector.broadcast %lt3A_261 : i32 to vector<256x128xi32>
    %lt3A_263 = arith.cmpi slt, %iota3A, %lt3A_262 : vector<256x128xi32>
    %jit3A_264 = arith.constant -3.400000e+38 : f32
    %broadcast_in_dim3A_265 = vector.broadcast %jit3A_264 : f32 to vector<256x128xf32>
    %select_n3A_266 = arith.select %lt3A_263, %concatenate3A_257, %broadcast_in_dim3A_265 : vector<256x128xi1>, vector<256x128xf32>
    %select_n3A_267 = arith.select %lt3A_260, %concatenate3A_254, %select_n3A_266 : vector<256x128xi1>, vector<256x128xf32>
    %argmax3A_268 = tpu.reduce_index %select_n3A_267 {axis = 1 : i32, kind = #tpu.reduction_kind<arg_max>} : vector<256x128xf32> -> vector<256xi32>
    %add3A_269 = arith.constant 1100 : i32
    %add3A_270 = vector.broadcast %add3A_269 : i32 to vector<256xi32>
    %add3A_271 = arith.addi %argmax3A_268, %add3A_270 : vector<256xi32>
    %slice3A_272 = vector.extract_strided_slice %get3A_28 {offsets = [0, 48], sizes = [256, 80], strides = [1, 1]} : vector<256x128xf32> to vector<256x80xf32>
    %slice3A_273 = vector.extract_strided_slice %get3A_28 {offsets = [0, 0], sizes = [256, 48], strides = [1, 1]} : vector<256x128xf32> to vector<256x48xf32>
    %concatenate3A_274 = tpu.concatenate %slice3A_272, %slice3A_273 in 1 : vector<256x80xf32>, vector<256x48xf32> -> vector<256x128xf32>
    %slice3A_275 = vector.extract_strided_slice %get3A_31 {offsets = [0, 48], sizes = [256, 80], strides = [1, 1]} : vector<256x128xf32> to vector<256x80xf32>
    %slice3A_276 = vector.extract_strided_slice %get3A_31 {offsets = [0, 0], sizes = [256, 48], strides = [1, 1]} : vector<256x128xf32> to vector<256x48xf32>
    %concatenate3A_277 = tpu.concatenate %slice3A_275, %slice3A_276 in 1 : vector<256x80xf32>, vector<256x48xf32> -> vector<256x128xf32>
    %lt3A_278 = arith.constant 80 : i32
    %lt3A_279 = vector.broadcast %lt3A_278 : i32 to vector<256x128xi32>
    %lt3A_280 = arith.cmpi slt, %iota3A, %lt3A_279 : vector<256x128xi32>
    %lt3A_281 = arith.constant 100 : i32
    %lt3A_282 = vector.broadcast %lt3A_281 : i32 to vector<256x128xi32>
    %lt3A_283 = arith.cmpi slt, %iota3A, %lt3A_282 : vector<256x128xi32>
    %jit3A_284 = arith.constant -3.400000e+38 : f32
    %broadcast_in_dim3A_285 = vector.broadcast %jit3A_284 : f32 to vector<256x128xf32>
    %select_n3A_286 = arith.select %lt3A_283, %concatenate3A_277, %broadcast_in_dim3A_285 : vector<256x128xi1>, vector<256x128xf32>
    %select_n3A_287 = arith.select %lt3A_280, %concatenate3A_274, %select_n3A_286 : vector<256x128xi1>, vector<256x128xf32>
    %argmax3A_288 = tpu.reduce_index %select_n3A_287 {axis = 1 : i32, kind = #tpu.reduction_kind<arg_max>} : vector<256x128xf32> -> vector<256xi32>
    %add3A_289 = arith.constant 1200 : i32
    %add3A_290 = vector.broadcast %add3A_289 : i32 to vector<256xi32>
    %add3A_291 = arith.addi %argmax3A_288, %add3A_290 : vector<256xi32>
    %slice3A_292 = vector.extract_strided_slice %get3A_31 {offsets = [0, 20], sizes = [256, 108], strides = [1, 1]} : vector<256x128xf32> to vector<256x108xf32>
    %slice3A_293 = vector.extract_strided_slice %get3A_31 {offsets = [0, 0], sizes = [256, 20], strides = [1, 1]} : vector<256x128xf32> to vector<256x20xf32>
    %concatenate3A_294 = tpu.concatenate %slice3A_292, %slice3A_293 in 1 : vector<256x108xf32>, vector<256x20xf32> -> vector<256x128xf32>
    %lt3A_295 = arith.constant 100 : i32
    %lt3A_296 = vector.broadcast %lt3A_295 : i32 to vector<256x128xi32>
    %lt3A_297 = arith.cmpi slt, %iota3A, %lt3A_296 : vector<256x128xi32>
    %jit3A_298 = arith.constant -3.400000e+38 : f32
    %broadcast_in_dim3A_299 = vector.broadcast %jit3A_298 : f32 to vector<256x128xf32>
    %select_n3A_300 = arith.select %lt3A_297, %concatenate3A_294, %broadcast_in_dim3A_299 : vector<256x128xi1>, vector<256x128xf32>
    %argmax3A_301 = tpu.reduce_index %select_n3A_300 {axis = 1 : i32, kind = #tpu.reduction_kind<arg_max>} : vector<256x128xf32> -> vector<256xi32>
    %add3A_302 = arith.constant 1300 : i32
    %add3A_303 = vector.broadcast %add3A_302 : i32 to vector<256xi32>
    %add3A_304 = arith.addi %argmax3A_301, %add3A_303 : vector<256xi32>
    %slice3A_305 = vector.extract_strided_slice %get3A_31 {offsets = [0, 120], sizes = [256, 8], strides = [1, 1]} : vector<256x128xf32> to vector<256x8xf32>
    %slice3A_306 = vector.extract_strided_slice %get3A_31 {offsets = [0, 0], sizes = [256, 120], strides = [1, 1]} : vector<256x128xf32> to vector<256x120xf32>
    %concatenate3A_307 = tpu.concatenate %slice3A_305, %slice3A_306 in 1 : vector<256x8xf32>, vector<256x120xf32> -> vector<256x128xf32>
    %slice3A_308 = vector.extract_strided_slice %get3A_34 {offsets = [0, 120], sizes = [256, 8], strides = [1, 1]} : vector<256x128xf32> to vector<256x8xf32>
    %slice3A_309 = vector.extract_strided_slice %get3A_34 {offsets = [0, 0], sizes = [256, 120], strides = [1, 1]} : vector<256x128xf32> to vector<256x120xf32>
    %concatenate3A_310 = tpu.concatenate %slice3A_308, %slice3A_309 in 1 : vector<256x8xf32>, vector<256x120xf32> -> vector<256x128xf32>
    %lt3A_311 = arith.constant 8 : i32
    %lt3A_312 = vector.broadcast %lt3A_311 : i32 to vector<256x128xi32>
    %lt3A_313 = arith.cmpi slt, %iota3A, %lt3A_312 : vector<256x128xi32>
    %lt3A_314 = arith.constant 100 : i32
    %lt3A_315 = vector.broadcast %lt3A_314 : i32 to vector<256x128xi32>
    %lt3A_316 = arith.cmpi slt, %iota3A, %lt3A_315 : vector<256x128xi32>
    %jit3A_317 = arith.constant -3.400000e+38 : f32
    %broadcast_in_dim3A_318 = vector.broadcast %jit3A_317 : f32 to vector<256x128xf32>
    %select_n3A_319 = arith.select %lt3A_316, %concatenate3A_310, %broadcast_in_dim3A_318 : vector<256x128xi1>, vector<256x128xf32>
    %select_n3A_320 = arith.select %lt3A_313, %concatenate3A_307, %select_n3A_319 : vector<256x128xi1>, vector<256x128xf32>
    %argmax3A_321 = tpu.reduce_index %select_n3A_320 {axis = 1 : i32, kind = #tpu.reduction_kind<arg_max>} : vector<256x128xf32> -> vector<256xi32>
    %add3A_322 = arith.constant 1400 : i32
    %add3A_323 = vector.broadcast %add3A_322 : i32 to vector<256xi32>
    %add3A_324 = arith.addi %argmax3A_321, %add3A_323 : vector<256xi32>
    %slice3A_325 = vector.extract_strided_slice %get3A_34 {offsets = [0, 92], sizes = [256, 36], strides = [1, 1]} : vector<256x128xf32> to vector<256x36xf32>
    %slice3A_326 = vector.extract_strided_slice %get3A_34 {offsets = [0, 0], sizes = [256, 92], strides = [1, 1]} : vector<256x128xf32> to vector<256x92xf32>
    %concatenate3A_327 = tpu.concatenate %slice3A_325, %slice3A_326 in 1 : vector<256x36xf32>, vector<256x92xf32> -> vector<256x128xf32>
    %slice3A_328 = vector.extract_strided_slice %get3A_37 {offsets = [0, 92], sizes = [256, 36], strides = [1, 1]} : vector<256x128xf32> to vector<256x36xf32>
    %slice3A_329 = vector.extract_strided_slice %get3A_37 {offsets = [0, 0], sizes = [256, 92], strides = [1, 1]} : vector<256x128xf32> to vector<256x92xf32>
    %concatenate3A_330 = tpu.concatenate %slice3A_328, %slice3A_329 in 1 : vector<256x36xf32>, vector<256x92xf32> -> vector<256x128xf32>
    %lt3A_331 = arith.constant 36 : i32
    %lt3A_332 = vector.broadcast %lt3A_331 : i32 to vector<256x128xi32>
    %lt3A_333 = arith.cmpi slt, %iota3A, %lt3A_332 : vector<256x128xi32>
    %lt3A_334 = arith.constant 100 : i32
    %lt3A_335 = vector.broadcast %lt3A_334 : i32 to vector<256x128xi32>
    %lt3A_336 = arith.cmpi slt, %iota3A, %lt3A_335 : vector<256x128xi32>
    %jit3A_337 = arith.constant -3.400000e+38 : f32
    %broadcast_in_dim3A_338 = vector.broadcast %jit3A_337 : f32 to vector<256x128xf32>
    %select_n3A_339 = arith.select %lt3A_336, %concatenate3A_330, %broadcast_in_dim3A_338 : vector<256x128xi1>, vector<256x128xf32>
    %select_n3A_340 = arith.select %lt3A_333, %concatenate3A_327, %select_n3A_339 : vector<256x128xi1>, vector<256x128xf32>
    %argmax3A_341 = tpu.reduce_index %select_n3A_340 {axis = 1 : i32, kind = #tpu.reduction_kind<arg_max>} : vector<256x128xf32> -> vector<256xi32>
    %add3A_342 = arith.constant 1500 : i32
    %add3A_343 = vector.broadcast %add3A_342 : i32 to vector<256xi32>
    %add3A_344 = arith.addi %argmax3A_341, %add3A_343 : vector<256xi32>
    %slice3A_345 = vector.extract_strided_slice %get3A_37 {offsets = [0, 64], sizes = [256, 64], strides = [1, 1]} : vector<256x128xf32> to vector<256x64xf32>
    %slice3A_346 = vector.extract_strided_slice %get3A_37 {offsets = [0, 0], sizes = [256, 64], strides = [1, 1]} : vector<256x128xf32> to vector<256x64xf32>
    %concatenate3A_347 = tpu.concatenate %slice3A_345, %slice3A_346 in 1 : vector<256x64xf32>, vector<256x64xf32> -> vector<256x128xf32>
    %slice3A_348 = vector.extract_strided_slice %get3A_40 {offsets = [0, 64], sizes = [256, 64], strides = [1, 1]} : vector<256x128xf32> to vector<256x64xf32>
    %slice3A_349 = vector.extract_strided_slice %get3A_40 {offsets = [0, 0], sizes = [256, 64], strides = [1, 1]} : vector<256x128xf32> to vector<256x64xf32>
    %concatenate3A_350 = tpu.concatenate %slice3A_348, %slice3A_349 in 1 : vector<256x64xf32>, vector<256x64xf32> -> vector<256x128xf32>
    %lt3A_351 = arith.constant 64 : i32
    %lt3A_352 = vector.broadcast %lt3A_351 : i32 to vector<256x128xi32>
    %lt3A_353 = arith.cmpi slt, %iota3A, %lt3A_352 : vector<256x128xi32>
    %lt3A_354 = arith.constant 100 : i32
    %lt3A_355 = vector.broadcast %lt3A_354 : i32 to vector<256x128xi32>
    %lt3A_356 = arith.cmpi slt, %iota3A, %lt3A_355 : vector<256x128xi32>
    %jit3A_357 = arith.constant -3.400000e+38 : f32
    %broadcast_in_dim3A_358 = vector.broadcast %jit3A_357 : f32 to vector<256x128xf32>
    %select_n3A_359 = arith.select %lt3A_356, %concatenate3A_350, %broadcast_in_dim3A_358 : vector<256x128xi1>, vector<256x128xf32>
    %select_n3A_360 = arith.select %lt3A_353, %concatenate3A_347, %select_n3A_359 : vector<256x128xi1>, vector<256x128xf32>
    %argmax3A_361 = tpu.reduce_index %select_n3A_360 {axis = 1 : i32, kind = #tpu.reduction_kind<arg_max>} : vector<256x128xf32> -> vector<256xi32>
    %add3A_362 = arith.constant 1600 : i32
    %add3A_363 = vector.broadcast %add3A_362 : i32 to vector<256xi32>
    %add3A_364 = arith.addi %argmax3A_361, %add3A_363 : vector<256xi32>
    %slice3A_365 = vector.extract_strided_slice %get3A_40 {offsets = [0, 36], sizes = [256, 92], strides = [1, 1]} : vector<256x128xf32> to vector<256x92xf32>
    %slice3A_366 = vector.extract_strided_slice %get3A_40 {offsets = [0, 0], sizes = [256, 36], strides = [1, 1]} : vector<256x128xf32> to vector<256x36xf32>
    %concatenate3A_367 = tpu.concatenate %slice3A_365, %slice3A_366 in 1 : vector<256x92xf32>, vector<256x36xf32> -> vector<256x128xf32>
    %slice3A_368 = vector.extract_strided_slice %get3A_43 {offsets = [0, 36], sizes = [256, 92], strides = [1, 1]} : vector<256x128xf32> to vector<256x92xf32>
    %slice3A_369 = vector.extract_strided_slice %get3A_43 {offsets = [0, 0], sizes = [256, 36], strides = [1, 1]} : vector<256x128xf32> to vector<256x36xf32>
    %concatenate3A_370 = tpu.concatenate %slice3A_368, %slice3A_369 in 1 : vector<256x92xf32>, vector<256x36xf32> -> vector<256x128xf32>
    %lt3A_371 = arith.constant 92 : i32
    %lt3A_372 = vector.broadcast %lt3A_371 : i32 to vector<256x128xi32>
    %lt3A_373 = arith.cmpi slt, %iota3A, %lt3A_372 : vector<256x128xi32>
    %lt3A_374 = arith.constant 100 : i32
    %lt3A_375 = vector.broadcast %lt3A_374 : i32 to vector<256x128xi32>
    %lt3A_376 = arith.cmpi slt, %iota3A, %lt3A_375 : vector<256x128xi32>
    %jit3A_377 = arith.constant -3.400000e+38 : f32
    %broadcast_in_dim3A_378 = vector.broadcast %jit3A_377 : f32 to vector<256x128xf32>
    %select_n3A_379 = arith.select %lt3A_376, %concatenate3A_370, %broadcast_in_dim3A_378 : vector<256x128xi1>, vector<256x128xf32>
    %select_n3A_380 = arith.select %lt3A_373, %concatenate3A_367, %select_n3A_379 : vector<256x128xi1>, vector<256x128xf32>
    %argmax3A_381 = tpu.reduce_index %select_n3A_380 {axis = 1 : i32, kind = #tpu.reduction_kind<arg_max>} : vector<256x128xf32> -> vector<256xi32>
    %add3A_382 = arith.constant 1700 : i32
    %add3A_383 = vector.broadcast %add3A_382 : i32 to vector<256xi32>
    %add3A_384 = arith.addi %argmax3A_381, %add3A_383 : vector<256xi32>
    %slice3A_385 = vector.extract_strided_slice %get3A_43 {offsets = [0, 8], sizes = [256, 120], strides = [1, 1]} : vector<256x128xf32> to vector<256x120xf32>
    %slice3A_386 = vector.extract_strided_slice %get3A_43 {offsets = [0, 0], sizes = [256, 8], strides = [1, 1]} : vector<256x128xf32> to vector<256x8xf32>
    %concatenate3A_387 = tpu.concatenate %slice3A_385, %slice3A_386 in 1 : vector<256x120xf32>, vector<256x8xf32> -> vector<256x128xf32>
    %lt3A_388 = arith.constant 100 : i32
    %lt3A_389 = vector.broadcast %lt3A_388 : i32 to vector<256x128xi32>
    %lt3A_390 = arith.cmpi slt, %iota3A, %lt3A_389 : vector<256x128xi32>
    %jit3A_391 = arith.constant -3.400000e+38 : f32
    %broadcast_in_dim3A_392 = vector.broadcast %jit3A_391 : f32 to vector<256x128xf32>
    %select_n3A_393 = arith.select %lt3A_390, %concatenate3A_387, %broadcast_in_dim3A_392 : vector<256x128xi1>, vector<256x128xf32>
    %argmax3A_394 = tpu.reduce_index %select_n3A_393 {axis = 1 : i32, kind = #tpu.reduction_kind<arg_max>} : vector<256x128xf32> -> vector<256xi32>
    %add3A_395 = arith.constant 1800 : i32
    %add3A_396 = vector.broadcast %add3A_395 : i32 to vector<256xi32>
    %add3A_397 = arith.addi %argmax3A_394, %add3A_396 : vector<256xi32>
    %slice3A_398 = vector.extract_strided_slice %get3A_43 {offsets = [0, 108], sizes = [256, 20], strides = [1, 1]} : vector<256x128xf32> to vector<256x20xf32>
    %slice3A_399 = vector.extract_strided_slice %get3A_43 {offsets = [0, 0], sizes = [256, 108], strides = [1, 1]} : vector<256x128xf32> to vector<256x108xf32>
    %concatenate3A_400 = tpu.concatenate %slice3A_398, %slice3A_399 in 1 : vector<256x20xf32>, vector<256x108xf32> -> vector<256x128xf32>
    %slice3A_401 = vector.extract_strided_slice %get3A_46 {offsets = [0, 108], sizes = [256, 20], strides = [1, 1]} : vector<256x128xf32> to vector<256x20xf32>
    %slice3A_402 = vector.extract_strided_slice %get3A_46 {offsets = [0, 0], sizes = [256, 108], strides = [1, 1]} : vector<256x128xf32> to vector<256x108xf32>
    %concatenate3A_403 = tpu.concatenate %slice3A_401, %slice3A_402 in 1 : vector<256x20xf32>, vector<256x108xf32> -> vector<256x128xf32>
    %lt3A_404 = arith.constant 20 : i32
    %lt3A_405 = vector.broadcast %lt3A_404 : i32 to vector<256x128xi32>
    %lt3A_406 = arith.cmpi slt, %iota3A, %lt3A_405 : vector<256x128xi32>
    %lt3A_407 = arith.constant 100 : i32
    %lt3A_408 = vector.broadcast %lt3A_407 : i32 to vector<256x128xi32>
    %lt3A_409 = arith.cmpi slt, %iota3A, %lt3A_408 : vector<256x128xi32>
    %jit3A_410 = arith.constant -3.400000e+38 : f32
    %broadcast_in_dim3A_411 = vector.broadcast %jit3A_410 : f32 to vector<256x128xf32>
    %select_n3A_412 = arith.select %lt3A_409, %concatenate3A_403, %broadcast_in_dim3A_411 : vector<256x128xi1>, vector<256x128xf32>
    %select_n3A_413 = arith.select %lt3A_406, %concatenate3A_400, %select_n3A_412 : vector<256x128xi1>, vector<256x128xf32>
    %argmax3A_414 = tpu.reduce_index %select_n3A_413 {axis = 1 : i32, kind = #tpu.reduction_kind<arg_max>} : vector<256x128xf32> -> vector<256xi32>
    %add3A_415 = arith.constant 1900 : i32
    %add3A_416 = vector.broadcast %add3A_415 : i32 to vector<256xi32>
    %add3A_417 = arith.addi %argmax3A_414, %add3A_416 : vector<256xi32>
    %slice3A_418 = vector.extract_strided_slice %get3A_46 {offsets = [0, 80], sizes = [256, 48], strides = [1, 1]} : vector<256x128xf32> to vector<256x48xf32>
    %slice3A_419 = vector.extract_strided_slice %get3A_46 {offsets = [0, 0], sizes = [256, 80], strides = [1, 1]} : vector<256x128xf32> to vector<256x80xf32>
    %concatenate3A_420 = tpu.concatenate %slice3A_418, %slice3A_419 in 1 : vector<256x48xf32>, vector<256x80xf32> -> vector<256x128xf32>
    %slice3A_421 = vector.extract_strided_slice %get3A_49 {offsets = [0, 80], sizes = [256, 48], strides = [1, 1]} : vector<256x128xf32> to vector<256x48xf32>
    %slice3A_422 = vector.extract_strided_slice %get3A_49 {offsets = [0, 0], sizes = [256, 80], strides = [1, 1]} : vector<256x128xf32> to vector<256x80xf32>
    %concatenate3A_423 = tpu.concatenate %slice3A_421, %slice3A_422 in 1 : vector<256x48xf32>, vector<256x80xf32> -> vector<256x128xf32>
    %lt3A_424 = arith.constant 48 : i32
    %lt3A_425 = vector.broadcast %lt3A_424 : i32 to vector<256x128xi32>
    %lt3A_426 = arith.cmpi slt, %iota3A, %lt3A_425 : vector<256x128xi32>
    %lt3A_427 = arith.constant 100 : i32
    %lt3A_428 = vector.broadcast %lt3A_427 : i32 to vector<256x128xi32>
    %lt3A_429 = arith.cmpi slt, %iota3A, %lt3A_428 : vector<256x128xi32>
    %jit3A_430 = arith.constant -3.400000e+38 : f32
    %broadcast_in_dim3A_431 = vector.broadcast %jit3A_430 : f32 to vector<256x128xf32>
    %select_n3A_432 = arith.select %lt3A_429, %concatenate3A_423, %broadcast_in_dim3A_431 : vector<256x128xi1>, vector<256x128xf32>
    %select_n3A_433 = arith.select %lt3A_426, %concatenate3A_420, %select_n3A_432 : vector<256x128xi1>, vector<256x128xf32>
    %argmax3A_434 = tpu.reduce_index %select_n3A_433 {axis = 1 : i32, kind = #tpu.reduction_kind<arg_max>} : vector<256x128xf32> -> vector<256xi32>
    %add3A_435 = arith.constant 2000 : i32
    %add3A_436 = vector.broadcast %add3A_435 : i32 to vector<256xi32>
    %add3A_437 = arith.addi %argmax3A_434, %add3A_436 : vector<256xi32>
    %slice3A_438 = vector.extract_strided_slice %get3A_49 {offsets = [0, 52], sizes = [256, 76], strides = [1, 1]} : vector<256x128xf32> to vector<256x76xf32>
    %slice3A_439 = vector.extract_strided_slice %get3A_49 {offsets = [0, 0], sizes = [256, 52], strides = [1, 1]} : vector<256x128xf32> to vector<256x52xf32>
    %concatenate3A_440 = tpu.concatenate %slice3A_438, %slice3A_439 in 1 : vector<256x76xf32>, vector<256x52xf32> -> vector<256x128xf32>
    %slice3A_441 = vector.extract_strided_slice %get3A_52 {offsets = [0, 52], sizes = [256, 76], strides = [1, 1]} : vector<256x128xf32> to vector<256x76xf32>
    %slice3A_442 = vector.extract_strided_slice %get3A_52 {offsets = [0, 0], sizes = [256, 52], strides = [1, 1]} : vector<256x128xf32> to vector<256x52xf32>
    %concatenate3A_443 = tpu.concatenate %slice3A_441, %slice3A_442 in 1 : vector<256x76xf32>, vector<256x52xf32> -> vector<256x128xf32>
    %lt3A_444 = arith.constant 76 : i32
    %lt3A_445 = vector.broadcast %lt3A_444 : i32 to vector<256x128xi32>
    %lt3A_446 = arith.cmpi slt, %iota3A, %lt3A_445 : vector<256x128xi32>
    %lt3A_447 = arith.constant 100 : i32
    %lt3A_448 = vector.broadcast %lt3A_447 : i32 to vector<256x128xi32>
    %lt3A_449 = arith.cmpi slt, %iota3A, %lt3A_448 : vector<256x128xi32>
    %jit3A_450 = arith.constant -3.400000e+38 : f32
    %broadcast_in_dim3A_451 = vector.broadcast %jit3A_450 : f32 to vector<256x128xf32>
    %select_n3A_452 = arith.select %lt3A_449, %concatenate3A_443, %broadcast_in_dim3A_451 : vector<256x128xi1>, vector<256x128xf32>
    %select_n3A_453 = arith.select %lt3A_446, %concatenate3A_440, %select_n3A_452 : vector<256x128xi1>, vector<256x128xf32>
    %argmax3A_454 = tpu.reduce_index %select_n3A_453 {axis = 1 : i32, kind = #tpu.reduction_kind<arg_max>} : vector<256x128xf32> -> vector<256xi32>
    %add3A_455 = arith.constant 2100 : i32
    %add3A_456 = vector.broadcast %add3A_455 : i32 to vector<256xi32>
    %add3A_457 = arith.addi %argmax3A_454, %add3A_456 : vector<256xi32>
    %slice3A_458 = vector.extract_strided_slice %get3A_52 {offsets = [0, 24], sizes = [256, 104], strides = [1, 1]} : vector<256x128xf32> to vector<256x104xf32>
    %slice3A_459 = vector.extract_strided_slice %get3A_52 {offsets = [0, 0], sizes = [256, 24], strides = [1, 1]} : vector<256x128xf32> to vector<256x24xf32>
    %concatenate3A_460 = tpu.concatenate %slice3A_458, %slice3A_459 in 1 : vector<256x104xf32>, vector<256x24xf32> -> vector<256x128xf32>
    %lt3A_461 = arith.constant 100 : i32
    %lt3A_462 = vector.broadcast %lt3A_461 : i32 to vector<256x128xi32>
    %lt3A_463 = arith.cmpi slt, %iota3A, %lt3A_462 : vector<256x128xi32>
    %jit3A_464 = arith.constant -3.400000e+38 : f32
    %broadcast_in_dim3A_465 = vector.broadcast %jit3A_464 : f32 to vector<256x128xf32>
    %select_n3A_466 = arith.select %lt3A_463, %concatenate3A_460, %broadcast_in_dim3A_465 : vector<256x128xi1>, vector<256x128xf32>
    %argmax3A_467 = tpu.reduce_index %select_n3A_466 {axis = 1 : i32, kind = #tpu.reduction_kind<arg_max>} : vector<256x128xf32> -> vector<256xi32>
    %add3A_468 = arith.constant 2200 : i32
    %add3A_469 = vector.broadcast %add3A_468 : i32 to vector<256xi32>
    %add3A_470 = arith.addi %argmax3A_467, %add3A_469 : vector<256xi32>
    %slice3A_471 = vector.extract_strided_slice %get3A_52 {offsets = [0, 124], sizes = [256, 4], strides = [1, 1]} : vector<256x128xf32> to vector<256x4xf32>
    %slice3A_472 = vector.extract_strided_slice %get3A_52 {offsets = [0, 0], sizes = [256, 124], strides = [1, 1]} : vector<256x128xf32> to vector<256x124xf32>
    %concatenate3A_473 = tpu.concatenate %slice3A_471, %slice3A_472 in 1 : vector<256x4xf32>, vector<256x124xf32> -> vector<256x128xf32>
    %slice3A_474 = vector.extract_strided_slice %get3A_55 {offsets = [0, 124], sizes = [256, 4], strides = [1, 1]} : vector<256x128xf32> to vector<256x4xf32>
    %slice3A_475 = vector.extract_strided_slice %get3A_55 {offsets = [0, 0], sizes = [256, 124], strides = [1, 1]} : vector<256x128xf32> to vector<256x124xf32>
    %concatenate3A_476 = tpu.concatenate %slice3A_474, %slice3A_475 in 1 : vector<256x4xf32>, vector<256x124xf32> -> vector<256x128xf32>
    %lt3A_477 = arith.constant 4 : i32
    %lt3A_478 = vector.broadcast %lt3A_477 : i32 to vector<256x128xi32>
    %lt3A_479 = arith.cmpi slt, %iota3A, %lt3A_478 : vector<256x128xi32>
    %lt3A_480 = arith.constant 100 : i32
    %lt3A_481 = vector.broadcast %lt3A_480 : i32 to vector<256x128xi32>
    %lt3A_482 = arith.cmpi slt, %iota3A, %lt3A_481 : vector<256x128xi32>
    %jit3A_483 = arith.constant -3.400000e+38 : f32
    %broadcast_in_dim3A_484 = vector.broadcast %jit3A_483 : f32 to vector<256x128xf32>
    %select_n3A_485 = arith.select %lt3A_482, %concatenate3A_476, %broadcast_in_dim3A_484 : vector<256x128xi1>, vector<256x128xf32>
    %select_n3A_486 = arith.select %lt3A_479, %concatenate3A_473, %select_n3A_485 : vector<256x128xi1>, vector<256x128xf32>
    %argmax3A_487 = tpu.reduce_index %select_n3A_486 {axis = 1 : i32, kind = #tpu.reduction_kind<arg_max>} : vector<256x128xf32> -> vector<256xi32>
    %add3A_488 = arith.constant 2300 : i32
    %add3A_489 = vector.broadcast %add3A_488 : i32 to vector<256xi32>
    %add3A_490 = arith.addi %argmax3A_487, %add3A_489 : vector<256xi32>
    %slice3A_491 = vector.extract_strided_slice %get3A_55 {offsets = [0, 96], sizes = [256, 32], strides = [1, 1]} : vector<256x128xf32> to vector<256x32xf32>
    %slice3A_492 = vector.extract_strided_slice %get3A_55 {offsets = [0, 0], sizes = [256, 96], strides = [1, 1]} : vector<256x128xf32> to vector<256x96xf32>
    %concatenate3A_493 = tpu.concatenate %slice3A_491, %slice3A_492 in 1 : vector<256x32xf32>, vector<256x96xf32> -> vector<256x128xf32>
    %slice3A_494 = vector.extract_strided_slice %get3A_58 {offsets = [0, 96], sizes = [256, 32], strides = [1, 1]} : vector<256x128xf32> to vector<256x32xf32>
    %slice3A_495 = vector.extract_strided_slice %get3A_58 {offsets = [0, 0], sizes = [256, 96], strides = [1, 1]} : vector<256x128xf32> to vector<256x96xf32>
    %concatenate3A_496 = tpu.concatenate %slice3A_494, %slice3A_495 in 1 : vector<256x32xf32>, vector<256x96xf32> -> vector<256x128xf32>
    %lt3A_497 = arith.constant 32 : i32
    %lt3A_498 = vector.broadcast %lt3A_497 : i32 to vector<256x128xi32>
    %lt3A_499 = arith.cmpi slt, %iota3A, %lt3A_498 : vector<256x128xi32>
    %lt3A_500 = arith.constant 100 : i32
    %lt3A_501 = vector.broadcast %lt3A_500 : i32 to vector<256x128xi32>
    %lt3A_502 = arith.cmpi slt, %iota3A, %lt3A_501 : vector<256x128xi32>
    %jit3A_503 = arith.constant -3.400000e+38 : f32
    %broadcast_in_dim3A_504 = vector.broadcast %jit3A_503 : f32 to vector<256x128xf32>
    %select_n3A_505 = arith.select %lt3A_502, %concatenate3A_496, %broadcast_in_dim3A_504 : vector<256x128xi1>, vector<256x128xf32>
    %select_n3A_506 = arith.select %lt3A_499, %concatenate3A_493, %select_n3A_505 : vector<256x128xi1>, vector<256x128xf32>
    %argmax3A_507 = tpu.reduce_index %select_n3A_506 {axis = 1 : i32, kind = #tpu.reduction_kind<arg_max>} : vector<256x128xf32> -> vector<256xi32>
    %add3A_508 = arith.constant 2400 : i32
    %add3A_509 = vector.broadcast %add3A_508 : i32 to vector<256xi32>
    %add3A_510 = arith.addi %argmax3A_507, %add3A_509 : vector<256xi32>
    %slice3A_511 = vector.extract_strided_slice %get3A_58 {offsets = [0, 68], sizes = [256, 60], strides = [1, 1]} : vector<256x128xf32> to vector<256x60xf32>
    %slice3A_512 = vector.extract_strided_slice %get3A_58 {offsets = [0, 0], sizes = [256, 68], strides = [1, 1]} : vector<256x128xf32> to vector<256x68xf32>
    %concatenate3A_513 = tpu.concatenate %slice3A_511, %slice3A_512 in 1 : vector<256x60xf32>, vector<256x68xf32> -> vector<256x128xf32>
    %slice3A_514 = vector.extract_strided_slice %pad3A_62 {offsets = [0, 68], sizes = [256, 60], strides = [1, 1]} : vector<256x128xf32> to vector<256x60xf32>
    %slice3A_515 = vector.extract_strided_slice %pad3A_62 {offsets = [0, 0], sizes = [256, 68], strides = [1, 1]} : vector<256x128xf32> to vector<256x68xf32>
    %concatenate3A_516 = tpu.concatenate %slice3A_514, %slice3A_515 in 1 : vector<256x60xf32>, vector<256x68xf32> -> vector<256x128xf32>
    %lt3A_517 = arith.constant 60 : i32
    %lt3A_518 = vector.broadcast %lt3A_517 : i32 to vector<256x128xi32>
    %lt3A_519 = arith.cmpi slt, %iota3A, %lt3A_518 : vector<256x128xi32>
    %lt3A_520 = arith.constant 100 : i32
    %lt3A_521 = vector.broadcast %lt3A_520 : i32 to vector<256x128xi32>
    %lt3A_522 = arith.cmpi slt, %iota3A, %lt3A_521 : vector<256x128xi32>
    %jit3A_523 = arith.constant -3.400000e+38 : f32
    %broadcast_in_dim3A_524 = vector.broadcast %jit3A_523 : f32 to vector<256x128xf32>
    %select_n3A_525 = arith.select %lt3A_522, %concatenate3A_516, %broadcast_in_dim3A_524 : vector<256x128xi1>, vector<256x128xf32>
    %select_n3A_526 = arith.select %lt3A_519, %concatenate3A_513, %select_n3A_525 : vector<256x128xi1>, vector<256x128xf32>
    %argmax3A_527 = tpu.reduce_index %select_n3A_526 {axis = 1 : i32, kind = #tpu.reduction_kind<arg_max>} : vector<256x128xf32> -> vector<256xi32>
    %add3A_528 = arith.constant 2500 : i32
    %add3A_529 = vector.broadcast %add3A_528 : i32 to vector<256xi32>
    %add3A_530 = arith.addi %argmax3A_527, %add3A_529 : vector<256xi32>
    %stack3A = vector.shape_cast %add3A_67 : vector<256xi32> to vector<256x1xi32>
    %stack3A_531 = vector.shape_cast %add3A_85 : vector<256xi32> to vector<256x1xi32>
    %stack3A_532 = vector.shape_cast %add3A_105 : vector<256xi32> to vector<256x1xi32>
    %stack3A_533 = vector.shape_cast %add3A_125 : vector<256xi32> to vector<256x1xi32>
    %stack3A_534 = vector.shape_cast %add3A_138 : vector<256xi32> to vector<256x1xi32>
    %stack3A_535 = vector.shape_cast %add3A_158 : vector<256xi32> to vector<256x1xi32>
    %stack3A_536 = vector.shape_cast %add3A_178 : vector<256xi32> to vector<256x1xi32>
    %stack3A_537 = vector.shape_cast %add3A_198 : vector<256xi32> to vector<256x1xi32>
    %stack3A_538 = vector.shape_cast %add3A_218 : vector<256xi32> to vector<256x1xi32>
    %stack3A_539 = vector.shape_cast %add3A_231 : vector<256xi32> to vector<256x1xi32>
    %stack3A_540 = vector.shape_cast %add3A_251 : vector<256xi32> to vector<256x1xi32>
    %stack3A_541 = vector.shape_cast %add3A_271 : vector<256xi32> to vector<256x1xi32>
    %stack3A_542 = vector.shape_cast %add3A_291 : vector<256xi32> to vector<256x1xi32>
    %stack3A_543 = vector.shape_cast %add3A_304 : vector<256xi32> to vector<256x1xi32>
    %stack3A_544 = vector.shape_cast %add3A_324 : vector<256xi32> to vector<256x1xi32>
    %stack3A_545 = vector.shape_cast %add3A_344 : vector<256xi32> to vector<256x1xi32>
    %stack3A_546 = vector.shape_cast %add3A_364 : vector<256xi32> to vector<256x1xi32>
    %stack3A_547 = vector.shape_cast %add3A_384 : vector<256xi32> to vector<256x1xi32>
    %stack3A_548 = vector.shape_cast %add3A_397 : vector<256xi32> to vector<256x1xi32>
    %stack3A_549 = vector.shape_cast %add3A_417 : vector<256xi32> to vector<256x1xi32>
    %stack3A_550 = vector.shape_cast %add3A_437 : vector<256xi32> to vector<256x1xi32>
    %stack3A_551 = vector.shape_cast %add3A_457 : vector<256xi32> to vector<256x1xi32>
    %stack3A_552 = vector.shape_cast %add3A_470 : vector<256xi32> to vector<256x1xi32>
    %stack3A_553 = vector.shape_cast %add3A_490 : vector<256xi32> to vector<256x1xi32>
    %stack3A_554 = vector.shape_cast %add3A_510 : vector<256xi32> to vector<256x1xi32>
    %stack3A_555 = vector.shape_cast %add3A_530 : vector<256xi32> to vector<256x1xi32>
    %stack3A_556 = tpu.concatenate %stack3A, %stack3A_531, %stack3A_532, %stack3A_533, %stack3A_534, %stack3A_535, %stack3A_536, %stack3A_537, %stack3A_538, %stack3A_539, %stack3A_540, %stack3A_541, %stack3A_542, %stack3A_543, %stack3A_544, %stack3A_545, %stack3A_546, %stack3A_547, %stack3A_548, %stack3A_549, %stack3A_550, %stack3A_551, %stack3A_552, %stack3A_553, %stack3A_554, %stack3A_555 in 1 : vector<256x1xi32>, vector<256x1xi32>, vector<256x1xi32>, vector<256x1xi32>, vector<256x1xi32>, vector<256x1xi32>, vector<256x1xi32>, vector<256x1xi32>, vector<256x1xi32>, vector<256x1xi32>, vector<256x1xi32>, vector<256x1xi32>, vector<256x1xi32>, vector<256x1xi32>, vector<256x1xi32>, vector<256x1xi32>, vector<256x1xi32>, vector<256x1xi32>, vector<256x1xi32>, vector<256x1xi32>, vector<256x1xi32>, vector<256x1xi32>, vector<256x1xi32>, vector<256x1xi32>, vector<256x1xi32>, vector<256x1xi32> -> vector<256x26xi32>
    %swap3A = arith.constant 0 : index
    %swap3A_557 = arith.constant 0 : index
    %swap3A_558 = vector.load %arg2[%swap3A, %swap3A_557] : memref<256x26xi32, #tpu.memory_space<vmem>>, vector<256x26xi32>
    tpu.vector_store %arg2[%swap3A, %swap3A_557], %stack3A_556 {strides = array<i32>} : memref<256x26xi32, #tpu.memory_space<vmem>>, vector<256x26xi32>,
    return
  }
  func.func @transform_0(%arg0: i32) -> (i32, i32) {
    %add3A = arith.constant 32 : i32
    %add3A_0 = arith.addi %add3A, %arg0 : i32
    %c0_i32 = arith.constant 0 : i32
    %c0_i32_1 = arith.constant 0 : i32
    return %add3A_0, %c0_i32 : i32, i32
  }
  func.func @transform_1(%arg0: i32) -> (i32, i32) {
    %c0_i32 = arith.constant 0 : i32
    %c0_i32_0 = arith.constant 0 : i32
    return %arg0, %c0_i32 : i32, i32
  }
}

</mosaic_0001>

<sc_bundles>
// kernel: kernel.6.cloned.1.call-start
scs
__scs_entry_jumppad:
0x0: {  	(pc) =	sbr.rel $0x88, $3  }
0x1: {  	(tag) =	ssettag $0x0;
	lr =	simm.s32 $0x1  }
0x2: {  	[smem:$0x3F9F] =	sst lr;
	_ =	strace $0xD0000000  }
0x3: {  	_ = 	snop  }
0x4: {  	_ = 	snop  }
0x5: {  	_ = 	snop  }
0x6: {  	_ = 	snop  }
0x7: {  	_ = 	snop  }
__scs_overlays_trampoline_lowered:
0x8: {  	[smem:$0x3FAE] =	sst s0  }
0x9: {  	[smem:$0x3FAF] =	sst s1  }
0xa: {  	[smem:$0x3FB0] =	sst s2  }
0xb: {  	[smem:$0x3FB1] =	sst s3  }
0xc: {  	[smem:$0x3FB2] =	sst s4  }
0xd: {  	[smem:$0x3FB3] =	sst s5  }
0xe: {  	[smem:$0x3FB4] =	sst s6  }
0xf: {  	[smem:$0x3FB5] =	sst s7  }
0x10: {  	[smem:$0x3FB6] =	sst s8  }
0x11: {  	[smem:$0x3FB7] =	sst s9;
	s0 =	simm.s32 @!p0 $0x0  }
0x12: {  	s1 =	sld [smem:$0x3F9D];
	s0 =	simm.s32 @p0 $0x1  }
0x13: {  	[smem:$0x3FB8] =	sst s0;
	s0 =	simm.s32 @!p1 $0x0  }
0x14: {  	s2 =	sld [smem:$0x3F9C];
	s0 =	simm.s32 @p1 $0x1  }
0x15: {  	[smem:$0x3FB9] =	sst s0;
	s0 =	simm.s32 @!p2 $0x0  }
0x16: {  	s3 =	sld [smem:$0x3FDB];
	s0 =	simm.s32 @p2 $0x1  }
0x17: {  	s4 =	simm.s32 $0x1BF5;
	[smem:$0x3FBB] =	sst s0  }
0x18: {  	s0 =	sld [smem:$0x3F9E];
	_ =	swait.ge [sflag:s4], $0x0  }
0x19: {  	s7 =	sld [smem:$0x3F9F]  }
0x1a: {  	s8 =	sadd.s32 $0xFFFFE003, lr  }
0x1b: {  	s9 =	sadd.s32 $0xFFFFFEF7, lr;
	s5 =	simm.s32 $0xFFFFFFFF;
	p2 =	slt.u32 s8, $0xFFFFF086  }
0x1c: {  	p1 =	slt.u32 s9, $0xF7A;
	s5 =	simm.s32 @!p2 $0x0  }
0x1d: {  	s5 =	simm.s32 @p1 $0x1;
	p0 =	seq.s32 s7, s2  }
0x1e: {  	s7 =	smul.u32 @!p0 $0xF7A, s2;
	p2 =	seq.s32 @!p0 s5, $0x0  }
0x1f: {  	s9 =	smul.u32 $0xF7A, s1;
	s8 =	simm.s32 @!p0 $0x1BF5;
	p2 =	por !p2, p0  }
0x20: {  	[sflag:s8] =	ssyncset.s32 @!p0 $0xFFFFF086;
	s6 =	sadd.s32 @!p0 s3, s7;
	s7 =	simm.s32 @!p0 $0x108  }
0x21: {  	s3 =	sadd.s32 s3, s9;
	s6 =	sadd.s32 @!p0 $0x88, s6;
	s7 =	simm.s32 @p2 $0x1082  }
0x22: {  	[simem:s7], [sflag:s8] =	dma.local @!p0 [hbm:s6], $0xF7A  }
0x23: {  	s9 =	sor.u32 $0xD0000000, s2;
	s6 =	simm.s32 $0x108;
	_ =	swait.ge @!p0 [sflag:s8], $0x0  }
0x24: {  	s3 =	sadd.s32 $0x88, s3;
	s6 =	simm.s32 @!p1 $0x1082;
	[sflag:s4] =	ssyncset.s32 $0xFFFFF086  }
0x25: {  	[simem:s6], [sflag:s4] =	dma.local [hbm:s3], $0xF7A  }
0x26: {  	[smem:$0x3F9F] =	sst s1;
	(tag) =	ssettag s2;
	_ =	strace s9  }
0x27: {  	s1 =	sld [smem:$0x3FAF]  }
0x28: {  	s2 =	sld [smem:$0x3FB0]  }
0x29: {  	s4 =	sld [smem:$0x3FB2]  }
0x2a: {  	p0 =	seq.s32 s5, $0x0;
	s5 =	sld [smem:$0x3FB3]  }
0x2b: {  	s6 =	sld [smem:$0x3FB4]  }
0x2c: {  	s7 =	sld [smem:$0x3FB5]  }
0x2d: {  	s3 =	simm.s32 $0x108;
	s8 =	sld [smem:$0x3FB6]  }
0x2e: {  	s3 =	simm.s32 @!p0 $0x1082;
	s9 =	sld [smem:$0x3FB7]  }
0x2f: {  	lr =	sadd.s32 s0, s3;
	s0 =	sld [smem:$0x3FAE]  }
0x30: {  	s3 =	sld [smem:$0x3FB1]  }
0x31: {  	[smem:$0x3FBA] =	sst s10  }
0x32: {  	s10 =	sld [smem:$0x3FB8];
	_ =	sdelay $0x3  }
0x33: {  	p0 =	seq.s32 s10, $0x1;
	s10 =	sld [smem:$0x3FBA];
	_ =	sdelay $0x3  }
0x34: {  	[smem:$0x3FBA] =	sst s10  }
0x35: {  	s10 =	sld [smem:$0x3FB9];
	_ =	sdelay $0x3  }
0x36: {  	p1 =	seq.s32 s10, $0x1;
	s10 =	sld [smem:$0x3FBA];
	_ =	sdelay $0x3  }
0x37: {  	[smem:$0x3FBA] =	sst s10  }
0x38: {  	s10 =	sld [smem:$0x3FBB]  }
0x39: {  	_ = 	snop;
	(pc) =	sbr.ind lr, $3  }
0x3a: {  	_ = 	snop  }
0x3b: {  	_ = 	snop  }
0x3c: {  	p2 =	seq.s32 s10, $0x1;
	s10 =	sld [smem:$0x3FBA]  }
0x3d: {  	_ =	shalt  }
0x3e: {  	_ =	shalt  }
0x3f: {  	_ =	shalt  }
0x40: {  	_ =	shalt  }
0x41: {  	_ =	shalt  }
0x42: {  	_ =	shalt  }
0x43: {  	_ =	shalt  }
0x44: {  	_ =	shalt  }
0x45: {  	_ =	shalt  }
0x46: {  	_ =	shalt  }
0x47: {  	_ =	shalt  }
0x48: {  	_ =	shalt  }
0x49: {  	_ =	shalt  }
0x4a: {  	_ =	shalt  }
0x4b: {  	_ =	shalt  }
0x4c: {  	_ =	shalt  }
0x4d: {  	_ =	shalt  }
0x4e: {  	_ =	shalt  }
0x4f: {  	_ =	shalt  }
0x50: {  	_ =	shalt  }
0x51: {  	_ =	shalt  }
0x52: {  	_ =	shalt  }
0x53: {  	_ =	shalt  }
0x54: {  	_ =	shalt  }
0x55: {  	_ =	shalt  }
0x56: {  	_ =	shalt  }
0x57: {  	_ =	shalt  }
0x58: {  	_ =	shalt  }
0x59: {  	_ =	shalt  }
0x5a: {  	_ =	shalt  }
0x5b: {  	_ =	shalt  }
0x5c: {  	_ =	shalt  }
0x5d: {  	_ =	shalt  }
0x5e: {  	_ =	shalt  }
0x5f: {  	_ =	shalt  }
0x60: {  	_ =	shalt  }
0x61: {  	_ =	shalt  }
0x62: {  	_ =	shalt  }
0x63: {  	_ =	shalt  }
0x64: {  	_ =	shalt  }
0x65: {  	_ =	shalt  }
0x66: {  	_ =	shalt  }
0x67: {  	_ =	shalt  }
0x68: {  	_ =	shalt  }
0x69: {  	_ =	shalt  }
0x6a: {  	_ =	shalt  }
0x6b: {  	_ =	shalt  }
0x6c: {  	_ =	shalt  }
0x6d: {  	_ =	shalt  }
0x6e: {  	_ =	shalt  }
0x6f: {  	_ =	shalt  }
0x70: {  	_ =	shalt  }
0x71: {  	_ =	shalt  }
0x72: {  	_ =	shalt  }
0x73: {  	_ =	shalt  }
0x74: {  	_ =	shalt  }
0x75: {  	_ =	shalt  }
0x76: {  	_ =	shalt  }
0x77: {  	_ =	shalt  }
0x78: {  	_ =	shalt  }
0x79: {  	_ =	shalt  }
0x7a: {  	_ =	shalt  }
0x7b: {  	_ =	shalt  }
0x7c: {  	_ =	shalt  }
0x7d: {  	_ =	shalt  }
0x7e: {  	_ =	shalt  }
0x7f: {  	_ =	shalt  }
0x80: {  	_ =	shalt  }
0x81: {  	_ =	shalt  }
0x82: {  	_ =	shalt  }
0x83: {  	_ =	shalt  }
0x84: {  	_ =	shalt  }
0x85: {  	_ =	shalt  }
0x86: {  	_ =	shalt  }
0x87: {  	_ =	shalt  }
.Lfunc_end0:
.L_simem_size_0:
called_computation.1_lowered:
.L_overlay_start_0:
0x88: {  	s2 =	sld [smem:$0x3FD9]  }
0x89: {  	s3 =	sld [smem:$0x3FFE];
	_ =	sdelay $0x1  }
0x8a: {  	s1 =	srdreg.scid  }
0x8b: {  	s0 =	sand.u32 $0x1, s1  }
0x8c: {  	s17 =	sshll.u32 s0, $0xA;
	s2 =	sadd.s32 s3, s2  }
0x8d: {  	s2 =	sadd.s32 s2, s17  }
0x8e: {  	[smem:$0x3FC6] =	sst s2  }
0x8f: {  	_ = 	snop  }
0x90: {  	s2 =	sld [smem:$0x3FD0];
	(tm) =	ssettm $0x1  }
0x91: {  	s18 =	sld [smem:$0x3FFB];
	_ =	sdelay $0x3  }
0x92: {  	_ =	strace s18  }
0x93: {  	s3 =	sld [smem:$0x3FFC];
	_ =	sdelay $0x3  }
0x94: {  	_ =	strace s3  }
0x95: {  	s3 =	sld [smem:$0x3FFD];
	_ =	sdelay $0x3  }
0x96: {  	_ =	strace s3  }
0x97: {  	_ =	strace $0x8FFFFFFF  }
0x98: {  	s19 =	sld [smem:$0x3FDB];
	_ =	sdelay $0x1  }
0x99: {  	s4 =	simm.s32 $_scs_section_size  }
0x9a: {  	s5 =	simm.s32 $_size__tile_overlayer_lowered;
	s6 =	simm.s32 $_tile_overlayer_lowered  }
0x9b: {  	s22 =	simm.s32 $0x1BFF;
	s21 =	sshll.u32 s6, $0x1;
	s3 =	sadd.s32 s4, s19  }
0x9c: {  	s7 =	simm.s32 $0x0;
	s20 =	sshll.u32 s5, $0x1;
	s5 =	sadd.s32 s21, s3  }
0x9d: {  	[timem:s7], [sflag:s22] =	dma.local [hbm:s5], s20  }
0x9e: {  	_ =	swait.ge [sflag:s22], s20  }
0x9f: {  	s4 =	ssub.s32 $0x0, s20;
	[sflag:s22] =	ssyncset.done $0x0  }
0xa0: {  	[sflag:s22] =	ssyncadd.s32 s4;
	_ =	sdelay $0x1  }
0xa1: {  	s23 =	simm.s32 $0x1B8B  }
0xa2: {  	_ =	swait.ge [sflag:s23], $0x1  }
0xa3: {  	[sflag:s23] =	ssyncset.done $0x0  }
0xa4: {  	s25 =	simm.s32 $0x1B8E;
	s24 =	sld [smem:$0x3FFE];
	[sflag:s23] =	ssyncadd.s32 $0xFFFFFFFF  }
0xa5: {  	s26 =	simm.s32 $execute0_lowered;
	[smem:$0x3FD2] =	sst s25  }
0xa6: {  	s5 =	sshll.u32 s26, $0x1;
	_ =	strace $0x80000046;
	[dreg:$0x1] =	wrdreg $0xFFFFFFFF  }
0xa7: {  	s28 =	simm.s32 $_size_execute0_lowered;
	s3 =	sadd.s32 s3, s5;
	[dreg:$0x0] =	wrdreg $0x0  }
0xa8: {  	s5 =	sshll.u32 s28, $0x1;
	[dreg:$0x2] =	wrdreg s3  }
0xa9: {  	[dreg:$0x3] =	wrdreg s5  }
0xaa: {  	[dreg:$0x4] =	wrdreg $0xC0  }
0xab: {  	_ =	task [dreg:s7], $0x5FFFF  }
0xac: {  	[dreg:$0x1] =	wrdreg $0xFFFFFFFF  }
0xad: {  	[dreg:$0x0] =	wrdreg $0x60  }
0xae: {  	[dreg:$0x2] =	wrdreg s24  }
0xaf: {  	[dreg:$0x3] =	wrdreg s2  }
0xb0: {  	[dreg:$0x4] =	wrdreg $0x9  }
0xb1: {  	_ =	task.clear_ibuf [dreg:s7], $0x5FFFF;
	_ =	strace $0x90000046  }
0xb2: {  	s29 =	simm.s32 $0x9;
	_ =	strace $0x80000048  }
0xb3: {  	_ =	swait.ge [sflag:s29], $0x1  }
0xb4: {  	[sflag:s29] =	ssyncadd.s32 $0xFFFFFFFF  }
0xb5: {  	_ =	strace $0x90000048  }
0xb6: {  	_ =	sfence  }
0xb7: {  	s30 =	sld [smem:$0x0];
	_ =	sdelay $0x2  }
0xb8: {  	s31 =	sshll.u32 s1, $0xD;
	s1 =	sshrl.u32 s1, $0x2  }
0xb9: {  	s3 =	sand.u32 $0x4000, s31;
	s1 =	sadd.s32 s1, s30  }
0xba: {  	s0 =	sor.u32 s3, s0;
	s1 =	sshll.u32 s1, $0x11  }
0xbb: {  	s0 =	sor.u32 s1, s0  }
0xbc: {  	s0 =	sadd.s32 $0x8F2B, s0  }
0xbd: {  	[sflag:s0] =	ssyncadd.remote.s32 $0x1  }
0xbe: {  	_ =	sfence.sel $0xFFFF  }
0xbf: {  	[dreg:$0x0] =	wrdreg $0xFFFFFFFF;
	(pc) =	sbr.abs _section_cstart, $3  }
0xc0: {  	[dreg:$0x1] =	wrdreg $0xFFFFFFFF  }
0xc1: {  	_ =	task.clear_ibuf [dreg:s7], $0x2FFFF;
	_ =	strace $0x9FFFFFFF  }
0xc2: {  	(tm) =	ssettm $0x7FFFFFFF  }
0xc3: {  	_ =	shalt  }
tec
execute0_lowered:
.L_overlay_start_1:
0x0: {  	(tag) =	ssettag $0x1  }
0x1: {  	s1 =	srdreg.scid  }
0x2: {  	s0 =	stileid.u32;
	s4 =	rddreg [dreg:$0x0]  }
0x3: {  	s6 =	rddreg [dreg:$0x1];
	s2 =	simm.s32 $0x0;
	s11 =	simm.s32 $0x2A00  }
0x4: {  	s12 =	simm.s32 $0x3200;
	s13 =	simm.s32 $0x3A00;
	s14 =	simm.s32 $0x4200  }
0x5: {  	s15 =	simm.s32 $0x4A00;
	s16 =	simm.s32 $0x5200;
	s17 =	simm.s32 $0x1  }
0x6: {  	s18 =	simm.s32 $0x0;
	s3 =	sand.u32 $0x1, s1;
	s30 =	sshll.u32 s0, $0x1  }
0x7: {  	s7 =	smul.u32 $0x68000, s0;
	[smem:$0x7FF] =	sst s2;
	s1 =	sor.u32 s3, s30  }
0x8: {  	s8 =	smul.u32 $0x34000, s3;
	s9 =	ssub.s32 $0x2, s3;
	s3 =	sadd.s32 $0xC00, s4  }
0x9: {  	s5 =	smul.u32 $0x340, s1;
	s1 =	rddreg [dreg:$0x2];
	s10 =	sshrl.u32 s9, $0x1  }
0xa: {  	_ =	strace $0x80000047;
	s7 =	sadd.s32 s8, s7;
	s31 =	ssub.s32 s9, s10  }
0xb: {  	s8 =	simm.s32 $0x40;
	s9 =	simm.s32 $0x1A00;
	s5 =	sadd.s32 s5, s4  }
0xc: {  	s10 =	simm.s32 $0x2200;
	s7 =	sshrl.u32 s7, $0x3;
	s4 =	sadd.s32 $0x543600, s5  }
0xd: {  	s5 =	smax.u32 s31, $0x1;
	s6 =	sadd.s32 s7, s6;
	s7 =	simm.s32 $0x2  }
.LBB2_1:
0xe: {  	[tilespmem:s2], [sflag:$0x2] =	stream.linear.gather [hbm4b:s4+s2], $0x1A00, $0x38;
	[tilespmem:$0x5A00] =	vst v63  }
0xf: {  	_ =	swait.ge [sflag:s7], $0x1A00  }
0x10: {  	[sflag:s7] =	ssyncset.done $0x0  }
0x11: {  	s19 =	simm.s32 $0x0;
	[sflag:s7] =	ssyncadd.s32 $0xFFFFE600  }
0x12: {  	[tilespmem:s9], [sflag:$0x1] =	stream.indirect.gather [hbm4b:s3+s8], $0x20, s19, s8, $0xb8;
	[tilespmem:$0x5A00] =	vst v63  }
0x13: {  	s23 =	simm.s32 $0x40  }
0x14: {  	[tilespmem:s10], [sflag:$0x1] =	stream.indirect.gather [hbm4b:s3+s8], $0x20, s23, s8, $0xb8;
	[tilespmem:$0x5A00] =	vst v63  }
0x15: {  	s24 =	simm.s32 $0x80  }
0x16: {  	[tilespmem:s11], [sflag:$0x1] =	stream.indirect.gather [hbm4b:s3+s8], $0x20, s24, s8, $0xb8;
	[tilespmem:$0x5A00] =	vst v63  }
0x17: {  	s25 =	simm.s32 $0xC0  }
0x18: {  	[tilespmem:s12], [sflag:$0x1] =	stream.indirect.gather [hbm4b:s3+s8], $0x20, s25, s8, $0xb8;
	[tilespmem:$0x5A00] =	vst v63  }
0x19: {  	s26 =	simm.s32 $0x100  }
0x1a: {  	[tilespmem:s13], [sflag:$0x1] =	stream.indirect.gather [hbm4b:s3+s8], $0x20, s26, s8, $0xb8;
	[tilespmem:$0x5A00] =	vst v63  }
0x1b: {  	s28 =	simm.s32 $0x140  }
0x1c: {  	[tilespmem:s14], [sflag:$0x1] =	stream.indirect.gather [hbm4b:s3+s8], $0x20, s28, s8, $0xb8;
	[tilespmem:$0x5A00] =	vst v63  }
0x1d: {  	s29 =	simm.s32 $0x180  }
0x1e: {  	[tilespmem:s15], [sflag:$0x1] =	stream.indirect.gather [hbm4b:s3+s8], $0x20, s29, s8, $0xb8;
	[tilespmem:$0x5A00] =	vst v63  }
0x1f: {  	s30 =	simm.s32 $0x1C0  }
0x20: {  	[tilespmem:s16], [sflag:$0x1] =	stream.indirect.gather [hbm4b:s3+s8], $0x20, s30, s8, $0xb8;
	[tilespmem:$0x5A00] =	vst v63  }
0x21: {  	_ =	swait.ge [sflag:s17], $0x800  }
0x22: {  	[sflag:s17] =	ssyncset.done $0x0  }
0x23: {  	[sflag:s17] =	ssyncadd.s32 $0xFFFFF800  }
0x24: {  	_ =	swait.ge [sflag:s17], $0x800  }
0x25: {  	[sflag:s17] =	ssyncset.done $0x0  }
0x26: {  	[sflag:s17] =	ssyncadd.s32 $0xFFFFF800  }
0x27: {  	_ =	swait.ge [sflag:s17], $0x800  }
0x28: {  	[sflag:s17] =	ssyncset.done $0x0  }
0x29: {  	[sflag:s17] =	ssyncadd.s32 $0xFFFFF800  }
0x2a: {  	_ =	swait.ge [sflag:s17], $0x800  }
0x2b: {  	[sflag:s17] =	ssyncset.done $0x0  }
0x2c: {  	[sflag:s17] =	ssyncadd.s32 $0xFFFFF800  }
0x2d: {  	_ =	swait.ge [sflag:s17], $0x800  }
0x2e: {  	[sflag:s17] =	ssyncset.done $0x0  }
0x2f: {  	[sflag:s17] =	ssyncadd.s32 $0xFFFFF800  }
0x30: {  	_ =	swait.ge [sflag:s17], $0x800  }
0x31: {  	[sflag:s17] =	ssyncset.done $0x0  }
0x32: {  	[sflag:s17] =	ssyncadd.s32 $0xFFFFF800  }
0x33: {  	_ =	swait.ge [sflag:s17], $0x800  }
0x34: {  	[sflag:s17] =	ssyncset.done $0x0  }
0x35: {  	[sflag:s17] =	ssyncadd.s32 $0xFFFFF800  }
0x36: {  	_ =	swait.ge [sflag:s17], $0x800  }
0x37: {  	[sflag:s17] =	ssyncset.done $0x0  }
0x38: {  	s31 =	sadd.s32 $0x0, s6;
	[sflag:s17] =	ssyncadd.s32 $0xFFFFF800  }
0x39: {  	[hbm4b:s31+s2] =	stream.linear.scatter [tilespmem:s9], [sflag:$0x2], $0x4000, $0x38;
	[tilespmem:$0x5A00] =	vst v63  }
0x3a: {  	_ =	swait.ge [sflag:s7], $0x4000  }
0x3b: {  	s22 =	simm.s32 $0x1000;
	s19 =	simm.s32 $0x800;
	[sflag:s7] =	ssyncset.done $0x0  }
.LBB2_2:
0x3c: {  	s23 =	sshra.s32 s19, $0x2  }
0x3d: {  	[sflag:s7] =	ssyncadd.s32 $0xFFFFC000;
	s21 =	smov.u32 s22;
	s20 =	sadd.s32 $0x800, s22  }
0x3e: {  	[tilespmem:s9], [sflag:$0x1] =	stream.indirect.gather [hbm4b:s3+s8], $0x20, s23, s8, $0xb8;
	[tilespmem:$0x5A00] =	vst v63  }
0x3f: {  	p0 =	sne.s32 s22, $0x6000;
	s22 =	sadd.s32 $0x40, s23  }
0x40: {  	[tilespmem:s10], [sflag:$0x1] =	stream.indirect.gather [hbm4b:s3+s8], $0x20, s22, s8, $0xb8;
	[tilespmem:$0x5A00] =	vst v63  }
0x41: {  	s22 =	sadd.s32 $0x80, s23  }
0x42: {  	[tilespmem:s11], [sflag:$0x1] =	stream.indirect.gather [hbm4b:s3+s8], $0x20, s22, s8, $0xb8;
	[tilespmem:$0x5A00] =	vst v63  }
0x43: {  	s22 =	sadd.s32 $0xC0, s23  }
0x44: {  	[tilespmem:s12], [sflag:$0x1] =	stream.indirect.gather [hbm4b:s3+s8], $0x20, s22, s8, $0xb8;
	[tilespmem:$0x5A00] =	vst v63  }
0x45: {  	s22 =	sadd.s32 $0x100, s23  }
0x46: {  	[tilespmem:s13], [sflag:$0x1] =	stream.indirect.gather [hbm4b:s3+s8], $0x20, s22, s8, $0xb8;
	[tilespmem:$0x5A00] =	vst v63  }
0x47: {  	s22 =	sadd.s32 $0x140, s23  }
0x48: {  	[tilespmem:s14], [sflag:$0x1] =	stream.indirect.gather [hbm4b:s3+s8], $0x20, s22, s8, $0xb8;
	[tilespmem:$0x5A00] =	vst v63  }
0x49: {  	s22 =	sadd.s32 $0x180, s23  }
0x4a: {  	[tilespmem:s15], [sflag:$0x1] =	stream.indirect.gather [hbm4b:s3+s8], $0x20, s22, s8, $0xb8;
	[tilespmem:$0x5A00] =	vst v63  }
0x4b: {  	s22 =	sadd.s32 $0x1C0, s23  }
0x4c: {  	[tilespmem:s16], [sflag:$0x1] =	stream.indirect.gather [hbm4b:s3+s8], $0x20, s22, s8, $0xb8;
	[tilespmem:$0x5A00] =	vst v63  }
0x4d: {  	_ =	swait.ge [sflag:s17], $0x800  }
0x4e: {  	[sflag:s17] =	ssyncset.done $0x0  }
0x4f: {  	[sflag:s17] =	ssyncadd.s32 $0xFFFFF800  }
0x50: {  	_ =	swait.ge [sflag:s17], $0x800  }
0x51: {  	[sflag:s17] =	ssyncset.done $0x0  }
0x52: {  	[sflag:s17] =	ssyncadd.s32 $0xFFFFF800  }
0x53: {  	_ =	swait.ge [sflag:s17], $0x800  }
0x54: {  	[sflag:s17] =	ssyncset.done $0x0  }
0x55: {  	[sflag:s17] =	ssyncadd.s32 $0xFFFFF800  }
0x56: {  	_ =	swait.ge [sflag:s17], $0x800  }
0x57: {  	[sflag:s17] =	ssyncset.done $0x0  }
0x58: {  	[sflag:s17] =	ssyncadd.s32 $0xFFFFF800  }
0x59: {  	_ =	swait.ge [sflag:s17], $0x800  }
0x5a: {  	[sflag:s17] =	ssyncset.done $0x0  }
0x5b: {  	[sflag:s17] =	ssyncadd.s32 $0xFFFFF800  }
0x5c: {  	_ =	swait.ge [sflag:s17], $0x800  }
0x5d: {  	[sflag:s17] =	ssyncset.done $0x0  }
0x5e: {  	[sflag:s17] =	ssyncadd.s32 $0xFFFFF800  }
0x5f: {  	_ =	swait.ge [sflag:s17], $0x800  }
0x60: {  	[sflag:s17] =	ssyncset.done $0x0  }
0x61: {  	[sflag:s17] =	ssyncadd.s32 $0xFFFFF800  }
0x62: {  	_ =	swait.ge [sflag:s17], $0x800  }
.Ltmp0:
0x63: {  	[sflag:s17] =	ssyncset.done $0x0;
	(pc) =	sbr.rel @p0 .LBB2_2-.Ltmp0, $4  }
0x64: {  	s22 =	sadd.s32 s19, s6;
	s19 =	smov.u32 s21;
	[sflag:s17] =	ssyncadd.s32 $0xFFFFF800  }
0x65: {  	[hbm4b:s22+s2] =	stream.linear.scatter [tilespmem:s9], [sflag:$0x2], $0x4000, $0x38;
	[tilespmem:$0x5A00] =	vst v63  }
0x66: {  	_ =	swait.ge [sflag:s7], $0x4000  }
0x67: {  	s22 =	smov.u32 s20;
	[sflag:s7] =	ssyncset.done $0x0  }
0x68: {  	s20 =	sshra.s32 s19, $0x2;
	[sflag:s7] =	ssyncadd.s32 $0xFFFFC000  }
0x69: {  	[tilespmem:s9], [sflag:$0x1] =	stream.indirect.gather [hbm4b:s3+s8], $0x20, s20, s8, $0xb8;
	[tilespmem:$0x5A00] =	vst v63  }
0x6a: {  	s21 =	sadd.s32 $0x40, s20  }
0x6b: {  	[tilespmem:s10], [sflag:$0x1] =	stream.indirect.gather [hbm4b:s3+s8], $0x20, s21, s8, $0xb8;
	[tilespmem:$0x5A00] =	vst v63  }
0x6c: {  	s25 =	sadd.s32 $0x80, s20  }
0x6d: {  	[tilespmem:s11], [sflag:$0x1] =	stream.indirect.gather [hbm4b:s3+s8], $0x20, s25, s8, $0xb8;
	[tilespmem:$0x5A00] =	vst v63  }
0x6e: {  	s26 =	sadd.s32 $0xC0, s20  }
0x6f: {  	[tilespmem:s12], [sflag:$0x1] =	stream.indirect.gather [hbm4b:s3+s8], $0x20, s26, s8, $0xb8;
	[tilespmem:$0x5A00] =	vst v63  }
0x70: {  	s28 =	sadd.s32 $0x100, s20  }
0x71: {  	[tilespmem:s13], [sflag:$0x1] =	stream.indirect.gather [hbm4b:s3+s8], $0x20, s28, s8, $0xb8;
	[tilespmem:$0x5A00] =	vst v63  }
0x72: {  	s29 =	sadd.s32 $0x140, s20  }
0x73: {  	[tilespmem:s14], [sflag:$0x1] =	stream.indirect.gather [hbm4b:s3+s8], $0x20, s29, s8, $0xb8;
	[tilespmem:$0x5A00] =	vst v63  }
0x74: {  	s30 =	sadd.s32 $0x180, s20  }
0x75: {  	[tilespmem:s15], [sflag:$0x1] =	stream.indirect.gather [hbm4b:s3+s8], $0x20, s30, s8, $0xb8;
	[tilespmem:$0x5A00] =	vst v63  }
0x76: {  	s20 =	sadd.s32 $0x1C0, s20  }
0x77: {  	[tilespmem:s16], [sflag:$0x1] =	stream.indirect.gather [hbm4b:s3+s8], $0x20, s20, s8, $0xb8;
	[tilespmem:$0x5A00] =	vst v63  }
0x78: {  	_ =	swait.ge [sflag:s17], $0x800  }
0x79: {  	[sflag:s17] =	ssyncset.done $0x0  }
0x7a: {  	[sflag:s17] =	ssyncadd.s32 $0xFFFFF800  }
0x7b: {  	_ =	swait.ge [sflag:s17], $0x800  }
0x7c: {  	[sflag:s17] =	ssyncset.done $0x0  }
0x7d: {  	[sflag:s17] =	ssyncadd.s32 $0xFFFFF800  }
0x7e: {  	_ =	swait.ge [sflag:s17], $0x800  }
0x7f: {  	[sflag:s17] =	ssyncset.done $0x0  }
0x80: {  	[sflag:s17] =	ssyncadd.s32 $0xFFFFF800  }
0x81: {  	_ =	swait.ge [sflag:s17], $0x800  }
0x82: {  	[sflag:s17] =	ssyncset.done $0x0  }
0x83: {  	[sflag:s17] =	ssyncadd.s32 $0xFFFFF800  }
0x84: {  	_ =	swait.ge [sflag:s17], $0x800  }
0x85: {  	[sflag:s17] =	ssyncset.done $0x0  }
0x86: {  	[sflag:s17] =	ssyncadd.s32 $0xFFFFF800  }
0x87: {  	_ =	swait.ge [sflag:s17], $0x800  }
0x88: {  	[sflag:s17] =	ssyncset.done $0x0  }
0x89: {  	[sflag:s17] =	ssyncadd.s32 $0xFFFFF800  }
0x8a: {  	_ =	swait.ge [sflag:s17], $0x800  }
0x8b: {  	[sflag:s17] =	ssyncset.done $0x0  }
0x8c: {  	[sflag:s17] =	ssyncadd.s32 $0xFFFFF800  }
0x8d: {  	s18 =	sadd.s32 $0x1, s18;
	_ =	swait.ge [sflag:s17], $0x800  }
0x8e: {  	p0 =	sne.s32 s18, s5;
	[sflag:s17] =	ssyncset.done $0x0  }
.Ltmp1:
0x8f: {  	s31 =	sadd.s32 s19, s6;
	[sflag:s17] =	ssyncadd.s32 $0xFFFFF800;
	(pc) =	sbr.rel @p0 .LBB2_1-.Ltmp1, $4  }
0x90: {  	[hbm4b:s31+s2] =	stream.linear.scatter [tilespmem:s9], [sflag:$0x2], $0x4000, $0x38;
	[tilespmem:$0x5A00] =	vst v63  }
0x91: {  	_ =	swait.ge [sflag:s7], $0x4000  }
0x92: {  	[sflag:s7] =	ssyncset.done $0x0  }
0x93: {  	[sflag:s7] =	ssyncadd.s32 $0xFFFFC000  }
0x94: {  	_ =	sfence.sel $0x180000  }
0x95: {  	[bflag:$0x0] =	sbarrier.arrive $0xFFFF  }
0x96: {  	p0 =	sne.s32 s0, $0x0;
	_ =	strace $0x90000047  }
0x97: {  	s0 =	sadd.s32 @!p0 $0x100000, s1;
	[bflag:$0x2] =	sbarrier.arrive $0xFFFF  }
0x98: {  	[sflag:s0] =	ssyncadd.tile.s32 @!p0 $0x1;
	_ =	shalt  }
.Lfunc_end2:
_tile_overlayer_lowered:
.L_overlay_start_2:
0x99: {  	(tag) =	ssettag $0x2  }
0x9a: {  	s0 =	rddreg [dreg:$0x0];
	s2 =	stileid.u32  }
0x9b: {  	s1 =	rddreg [dreg:$0x1];
	p0 =	sne.s32 s2, $0x0  }
0x9c: {  	s3 =	rddreg [dreg:$0x2];
	[bflag:$0x3] =	sbarrier.arrive $0xFFFF;
	s2 =	simm.s32 @!p0 $0x1C02  }
0x9d: {  	[timem:s3], [sflag:s2] =	dma.local @!p0 [hbm:s0], s1  }
0x9e: {  	s0 =	simm.s32 @!p0 $0x2  }
0x9f: {  	_ =	swait.ge @!p0 [sflag:s0], s1  }
0xa0: {  	s1 =	ssub.s32 @!p0 $0x0, s1;
	[sflag:s0] =	ssyncset.done @!p0 $0x0  }
0xa1: {  	[sflag:s0] =	ssyncadd.s32 @!p0 s1  }
0xa2: {  	[bflag:$0x3] =	sbarrier.arrive $0xFFFF  }
0xa3: {  	_ =	shalt  }

// kernel: kernel.9.cloned.1.call-start
scs
__scs_entry_jumppad:
0x0: {  	(pc) =	sbr.rel $0x88, $3  }
0x1: {  	(tag) =	ssettag $0x0;
	lr =	simm.s32 $0x1  }
0x2: {  	[smem:$0x3F9F] =	sst lr;
	_ =	strace $0xD0000000  }
0x3: {  	_ = 	snop  }
0x4: {  	_ = 	snop  }
0x5: {  	_ = 	snop  }
0x6: {  	_ = 	snop  }
0x7: {  	_ = 	snop  }
__scs_overlays_trampoline_lowered:
0x8: {  	[smem:$0x3FAE] =	sst s0  }
0x9: {  	[smem:$0x3FAF] =	sst s1  }
0xa: {  	[smem:$0x3FB0] =	sst s2  }
0xb: {  	[smem:$0x3FB1] =	sst s3  }
0xc: {  	[smem:$0x3FB2] =	sst s4  }
0xd: {  	[smem:$0x3FB3] =	sst s5  }
0xe: {  	[smem:$0x3FB4] =	sst s6  }
0xf: {  	[smem:$0x3FB5] =	sst s7  }
0x10: {  	[smem:$0x3FB6] =	sst s8  }
0x11: {  	[smem:$0x3FB7] =	sst s9;
	s0 =	simm.s32 @!p0 $0x0  }
0x12: {  	s1 =	sld [smem:$0x3F9D];
	s0 =	simm.s32 @p0 $0x1  }
0x13: {  	[smem:$0x3FB8] =	sst s0;
	s0 =	simm.s32 @!p1 $0x0  }
0x14: {  	s2 =	sld [smem:$0x3F9C];
	s0 =	simm.s32 @p1 $0x1  }
0x15: {  	[smem:$0x3FB9] =	sst s0;
	s0 =	simm.s32 @!p2 $0x0  }
0x16: {  	s3 =	sld [smem:$0x3FDB];
	s0 =	simm.s32 @p2 $0x1  }
0x17: {  	s4 =	simm.s32 $0x1BF5;
	[smem:$0x3FBB] =	sst s0  }
0x18: {  	s0 =	sld [smem:$0x3F9E];
	_ =	swait.ge [sflag:s4], $0x0  }
0x19: {  	s7 =	sld [smem:$0x3F9F]  }
0x1a: {  	s8 =	sadd.s32 $0xFFFFE003, lr  }
0x1b: {  	s9 =	sadd.s32 $0xFFFFFEF7, lr;
	s5 =	simm.s32 $0xFFFFFFFF;
	p2 =	slt.u32 s8, $0xFFFFF086  }
0x1c: {  	p1 =	slt.u32 s9, $0xF7A;
	s5 =	simm.s32 @!p2 $0x0  }
0x1d: {  	s5 =	simm.s32 @p1 $0x1;
	p0 =	seq.s32 s7, s2  }
0x1e: {  	s7 =	smul.u32 @!p0 $0xF7A, s2;
	p2 =	seq.s32 @!p0 s5, $0x0  }
0x1f: {  	s9 =	smul.u32 $0xF7A, s1;
	s8 =	simm.s32 @!p0 $0x1BF5;
	p2 =	por !p2, p0  }
0x20: {  	[sflag:s8] =	ssyncset.s32 @!p0 $0xFFFFF086;
	s6 =	sadd.s32 @!p0 s3, s7;
	s7 =	simm.s32 @!p0 $0x108  }
0x21: {  	s3 =	sadd.s32 s3, s9;
	s6 =	sadd.s32 @!p0 $0x88, s6;
	s7 =	simm.s32 @p2 $0x1082  }
0x22: {  	[simem:s7], [sflag:s8] =	dma.local @!p0 [hbm:s6], $0xF7A  }
0x23: {  	s9 =	sor.u32 $0xD0000000, s2;
	s6 =	simm.s32 $0x108;
	_ =	swait.ge @!p0 [sflag:s8], $0x0  }
0x24: {  	s3 =	sadd.s32 $0x88, s3;
	s6 =	simm.s32 @!p1 $0x1082;
	[sflag:s4] =	ssyncset.s32 $0xFFFFF086  }
0x25: {  	[simem:s6], [sflag:s4] =	dma.local [hbm:s3], $0xF7A  }
0x26: {  	[smem:$0x3F9F] =	sst s1;
	(tag) =	ssettag s2;
	_ =	strace s9  }
0x27: {  	s1 =	sld [smem:$0x3FAF]  }
0x28: {  	s2 =	sld [smem:$0x3FB0]  }
0x29: {  	s4 =	sld [smem:$0x3FB2]  }
0x2a: {  	p0 =	seq.s32 s5, $0x0;
	s5 =	sld [smem:$0x3FB3]  }
0x2b: {  	s6 =	sld [smem:$0x3FB4]  }
0x2c: {  	s7 =	sld [smem:$0x3FB5]  }
0x2d: {  	s3 =	simm.s32 $0x108;
	s8 =	sld [smem:$0x3FB6]  }
0x2e: {  	s3 =	simm.s32 @!p0 $0x1082;
	s9 =	sld [smem:$0x3FB7]  }
0x2f: {  	lr =	sadd.s32 s0, s3;
	s0 =	sld [smem:$0x3FAE]  }
0x30: {  	s3 =	sld [smem:$0x3FB1]  }
0x31: {  	[smem:$0x3FBA] =	sst s10  }
0x32: {  	s10 =	sld [smem:$0x3FB8];
	_ =	sdelay $0x3  }
0x33: {  	p0 =	seq.s32 s10, $0x1;
	s10 =	sld [smem:$0x3FBA];
	_ =	sdelay $0x3  }
0x34: {  	[smem:$0x3FBA] =	sst s10  }
0x35: {  	s10 =	sld [smem:$0x3FB9];
	_ =	sdelay $0x3  }
0x36: {  	p1 =	seq.s32 s10, $0x1;
	s10 =	sld [smem:$0x3FBA];
	_ =	sdelay $0x3  }
0x37: {  	[smem:$0x3FBA] =	sst s10  }
0x38: {  	s10 =	sld [smem:$0x3FBB]  }
0x39: {  	_ = 	snop;
	(pc) =	sbr.ind lr, $3  }
0x3a: {  	_ = 	snop  }
0x3b: {  	_ = 	snop  }
0x3c: {  	p2 =	seq.s32 s10, $0x1;
	s10 =	sld [smem:$0x3FBA]  }
0x3d: {  	_ =	shalt  }
0x3e: {  	_ =	shalt  }
0x3f: {  	_ =	shalt  }
0x40: {  	_ =	shalt  }
0x41: {  	_ =	shalt  }
0x42: {  	_ =	shalt  }
0x43: {  	_ =	shalt  }
0x44: {  	_ =	shalt  }
0x45: {  	_ =	shalt  }
0x46: {  	_ =	shalt  }
0x47: {  	_ =	shalt  }
0x48: {  	_ =	shalt  }
0x49: {  	_ =	shalt  }
0x4a: {  	_ =	shalt  }
0x4b: {  	_ =	shalt  }
0x4c: {  	_ =	shalt  }
0x4d: {  	_ =	shalt  }
0x4e: {  	_ =	shalt  }
0x4f: {  	_ =	shalt  }
0x50: {  	_ =	shalt  }
0x51: {  	_ =	shalt  }
0x52: {  	_ =	shalt  }
0x53: {  	_ =	shalt  }
0x54: {  	_ =	shalt  }
0x55: {  	_ =	shalt  }
0x56: {  	_ =	shalt  }
0x57: {  	_ =	shalt  }
0x58: {  	_ =	shalt  }
0x59: {  	_ =	shalt  }
0x5a: {  	_ =	shalt  }
0x5b: {  	_ =	shalt  }
0x5c: {  	_ =	shalt  }
0x5d: {  	_ =	shalt  }
0x5e: {  	_ =	shalt  }
0x5f: {  	_ =	shalt  }
0x60: {  	_ =	shalt  }
0x61: {  	_ =	shalt  }
0x62: {  	_ =	shalt  }
0x63: {  	_ =	shalt  }
0x64: {  	_ =	shalt  }
0x65: {  	_ =	shalt  }
0x66: {  	_ =	shalt  }
0x67: {  	_ =	shalt  }
0x68: {  	_ =	shalt  }
0x69: {  	_ =	shalt  }
0x6a: {  	_ =	shalt  }
0x6b: {  	_ =	shalt  }
0x6c: {  	_ =	shalt  }
0x6d: {  	_ =	shalt  }
0x6e: {  	_ =	shalt  }
0x6f: {  	_ =	shalt  }
0x70: {  	_ =	shalt  }
0x71: {  	_ =	shalt  }
0x72: {  	_ =	shalt  }
0x73: {  	_ =	shalt  }
0x74: {  	_ =	shalt  }
0x75: {  	_ =	shalt  }
0x76: {  	_ =	shalt  }
0x77: {  	_ =	shalt  }
0x78: {  	_ =	shalt  }
0x79: {  	_ =	shalt  }
0x7a: {  	_ =	shalt  }
0x7b: {  	_ =	shalt  }
0x7c: {  	_ =	shalt  }
0x7d: {  	_ =	shalt  }
0x7e: {  	_ =	shalt  }
0x7f: {  	_ =	shalt  }
0x80: {  	_ =	shalt  }
0x81: {  	_ =	shalt  }
0x82: {  	_ =	shalt  }
0x83: {  	_ =	shalt  }
0x84: {  	_ =	shalt  }
0x85: {  	_ =	shalt  }
0x86: {  	_ =	shalt  }
0x87: {  	_ =	shalt  }
.Lfunc_end0:
.L_simem_size_0:
called_computation.2_lowered:
.L_overlay_start_0:
0x88: {  	s2 =	sld [smem:$0x3FD9]  }
0x89: {  	s3 =	sld [smem:$0x3FFE];
	_ =	sdelay $0x1  }
0x8a: {  	s1 =	srdreg.scid  }
0x8b: {  	s0 =	sand.u32 $0x1, s1  }
0x8c: {  	s17 =	sshll.u32 s0, $0xA;
	s2 =	sadd.s32 s3, s2  }
0x8d: {  	s2 =	sadd.s32 s2, s17  }
0x8e: {  	[smem:$0x3FC6] =	sst s2  }
0x8f: {  	_ = 	snop  }
0x90: {  	(tm) =	ssettm $0x1  }
0x91: {  	s18 =	sld [smem:$0x3FFB];
	_ =	sdelay $0x3  }
0x92: {  	_ =	strace s18  }
0x93: {  	s2 =	sld [smem:$0x3FFC];
	_ =	sdelay $0x3  }
0x94: {  	_ =	strace s2  }
0x95: {  	s2 =	sld [smem:$0x3FFD];
	_ =	sdelay $0x3  }
0x96: {  	_ =	strace s2  }
0x97: {  	_ =	strace $0x8FFFFFFF  }
0x98: {  	s19 =	sld [smem:$0x3FDB];
	_ =	sdelay $0x1  }
0x99: {  	s20 =	simm.s32 $_scs_section_size  }
0x9a: {  	s4 =	simm.s32 $_size__tile_overlayer_lowered;
	s5 =	simm.s32 $_tile_overlayer_lowered  }
0x9b: {  	s6 =	simm.s32 $0x1BFF;
	s21 =	sshll.u32 s5, $0x1;
	s3 =	sadd.s32 s20, s19  }
0x9c: {  	s22 =	simm.s32 $0x0;
	s4 =	sshll.u32 s4, $0x1;
	s5 =	sadd.s32 s21, s3  }
0x9d: {  	[timem:s22], [sflag:s6] =	dma.local [hbm:s5], s4  }
0x9e: {  	_ =	swait.ge [sflag:s6], s4  }
0x9f: {  	s4 =	ssub.s32 $0x0, s4;
	[sflag:s6] =	ssyncset.done $0x0  }
0xa0: {  	[sflag:s6] =	ssyncadd.s32 s4;
	_ =	sdelay $0x1  }
0xa1: {  	s23 =	simm.s32 $0x1B8B  }
0xa2: {  	_ =	swait.ge [sflag:s23], $0x1  }
0xa3: {  	[sflag:s23] =	ssyncset.done $0x0  }
0xa4: {  	[sflag:s23] =	ssyncadd.s32 $0xFFFFFFFF  }
0xa5: {  	s4 =	sld [smem:$0x0]  }
0xa6: {  	s5 =	sand.u32 $0xFFFFFFFE, s1  }
0xa7: {  	p0 =	sne.s32 s1, s5  }
0xa8: {  	s5 =	sshll.u32 @p0 s5, $0xE  }
0xa9: {  	s5 =	sadd.s32 @p0 $0x11B8D, s5;
	s6 =	sshll.u32 @p0 s4, $0x11  }
0xaa: {  	s5 =	sor.u32 @p0 s6, s5  }
0xab: {  	[sflag:s5] =	ssyncadd.remote.s32 @p0 $0x1;
	_ =	sdelay $0x1  }
0xac: {  	s5 =	simm.s32 @p0 $0x1B8D  }
0xad: {  	_ =	swait.eq @p0 [sflag:s5], $0x1  }
0xae: {  	[sflag:s5] =	ssyncadd.s32 @p0 $0xFFFFFFFF  }
0xaf: {  	s6 =	sshll.u32 @!p0 s1, $0xE  }
0xb0: {  	s6 =	sor.u32 @!p0 $0x4000, s6;
	s5 =	simm.s32 @!p0 $0x1B8D  }
0xb1: {  	s4 =	sshll.u32 @!p0 s4, $0x11;
	s6 =	sadd.s32 @!p0 $0x11B8D, s6;
	_ =	swait.eq @!p0 [sflag:s5], $0x1  }
0xb2: {  	s4 =	sor.u32 @!p0 s4, s6;
	[sflag:s5] =	ssyncadd.s32 @!p0 $0xFFFFFFFF  }
0xb3: {  	s25 =	simm.s32 $0x1B8E;
	s24 =	sld [smem:$0x3FFE];
	[sflag:s4] =	ssyncadd.remote.s32 @!p0 $0x1  }
0xb4: {  	s26 =	simm.s32 $execute0_lowered;
	[smem:$0x3FD2] =	sst s25  }
0xb5: {  	s5 =	sshll.u32 s26, $0x1;
	_ =	strace $0x80000049;
	[dreg:$0x1] =	wrdreg $0xFFFFFFFF  }
0xb6: {  	s28 =	simm.s32 $_size_execute0_lowered;
	s3 =	sadd.s32 s3, s5;
	[dreg:$0x0] =	wrdreg $0x0  }
0xb7: {  	s5 =	sshll.u32 s28, $0x1;
	[dreg:$0x2] =	wrdreg s3  }
0xb8: {  	[dreg:$0x3] =	wrdreg s5  }
0xb9: {  	[dreg:$0x4] =	wrdreg $0xC0  }
0xba: {  	_ =	task [dreg:s22], $0x5FFFF  }
0xbb: {  	[dreg:$0x1] =	wrdreg $0xFFFFFFFF  }
0xbc: {  	[dreg:$0x0] =	wrdreg $0x60  }
0xbd: {  	[dreg:$0x2] =	wrdreg s24  }
0xbe: {  	[dreg:$0x3] =	wrdreg $0xA  }
0xbf: {  	_ =	task.clear_ibuf [dreg:s22], $0x4FFFF;
	_ =	strace $0x90000049  }
0xc0: {  	s29 =	simm.s32 $0xA;
	_ =	strace $0x8000004B  }
0xc1: {  	_ =	swait.ge [sflag:s29], $0x1  }
0xc2: {  	[sflag:s29] =	ssyncadd.s32 $0xFFFFFFFF  }
0xc3: {  	_ =	strace $0x9000004B  }
0xc4: {  	_ =	sfence  }
0xc5: {  	s30 =	sld [smem:$0x0];
	_ =	sdelay $0x2  }
0xc6: {  	s31 =	sshll.u32 s1, $0xD;
	s1 =	sshrl.u32 s1, $0x2  }
0xc7: {  	s4 =	sand.u32 $0x4000, s31;
	s1 =	sadd.s32 s1, s30  }
0xc8: {  	s0 =	sor.u32 s4, s0;
	s1 =	sshll.u32 s1, $0x11  }
0xc9: {  	s0 =	sor.u32 s1, s0  }
0xca: {  	s0 =	sadd.s32 $0x8F2B, s0  }
0xcb: {  	[sflag:s0] =	ssyncadd.remote.s32 $0x1  }
0xcc: {  	_ =	sfence.sel $0xFFFF  }
0xcd: {  	[dreg:$0x0] =	wrdreg $0xFFFFFFFF;
	(pc) =	sbr.abs _section_cstart, $3  }
0xce: {  	[dreg:$0x1] =	wrdreg $0xFFFFFFFF  }
0xcf: {  	_ =	task.clear_ibuf [dreg:s22], $0x2FFFF;
	_ =	strace $0x9FFFFFFF  }
0xd0: {  	(tm) =	ssettm $0x7FFFFFFF  }
0xd1: {  	_ =	shalt  }
tec
execute0_lowered:
.L_overlay_start_1:
0x0: {  	(tag) =	ssettag $0x1  }
0x1: {  	s4 =	rddreg [dreg:$0x0]  }
0x2: {  	s0 =	rddreg [dreg:$0x1];
	s2 =	srdreg.scid  }
0x3: {  	s1 =	stileid.u32;
	s9 =	simm.s32 $0x1A00;
	s10 =	simm.s32 $0x2200  }
0x4: {  	s11 =	simm.s32 $0x2A00;
	s12 =	simm.s32 $0x3200;
	s13 =	simm.s32 $0x3A00  }
0x5: {  	s14 =	simm.s32 $0x4200;
	s15 =	simm.s32 $0x4A00;
	s16 =	simm.s32 $0x5200  }
0x6: {  	s17 =	simm.s32 $0x1;
	s18 =	simm.s32 $0x0;
	s3 =	sand.u32 $0x1, s2  }
0x7: {  	s5 =	sshll.u32 s1, $0x1;
	s6 =	smul.u32 $0x68000, s1;
	s2 =	simm.s32 $0x0  }
0x8: {  	s5 =	sor.u32 s3, s5;
	s7 =	smul.u32 $0x34000, s3;
	[smem:$0x7FF] =	sst s2  }
0x9: {  	s31 =	ssub.s32 $0x2, s3;
	s3 =	sadd.s32 $0xC00, s4;
	s5 =	smul.u32 $0x340, s5  }
0xa: {  	_ =	strace $0x8000004A;
	s8 =	sshrl.u32 s31, $0x1;
	s6 =	sadd.s32 s7, s6  }
0xb: {  	s7 =	ssub.s32 s31, s8;
	s5 =	sadd.s32 s5, s4;
	s6 =	sshrl.u32 s6, $0x3  }
0xc: {  	s8 =	simm.s32 $0x40;
	s6 =	sadd.s32 s6, s4;
	s4 =	sadd.s32 $0x3600, s5  }
0xd: {  	s5 =	smax.u32 s7, $0x1;
	s7 =	simm.s32 $0x2;
	s6 =	sadd.s32 $0x9E00, s6  }
.LBB2_1:
0xe: {  	[tilespmem:s2], [sflag:$0x2] =	stream.linear.gather [hbm4b:s4+s2], $0x1A00, $0x38;
	[tilespmem:$0x5A00] =	vst v63  }
0xf: {  	_ =	swait.ge [sflag:s7], $0x1A00  }
0x10: {  	[sflag:s7] =	ssyncset.done $0x0  }
0x11: {  	s19 =	simm.s32 $0x0;
	[sflag:s7] =	ssyncadd.s32 $0xFFFFE600  }
0x12: {  	[tilespmem:s9], [sflag:$0x1] =	stream.indirect.gather [hbm4b:s3+s8], $0x20, s19, s8, $0xb8;
	[tilespmem:$0x5A00] =	vst v63  }
0x13: {  	s23 =	simm.s32 $0x40  }
0x14: {  	[tilespmem:s10], [sflag:$0x1] =	stream.indirect.gather [hbm4b:s3+s8], $0x20, s23, s8, $0xb8;
	[tilespmem:$0x5A00] =	vst v63  }
0x15: {  	s24 =	simm.s32 $0x80  }
0x16: {  	[tilespmem:s11], [sflag:$0x1] =	stream.indirect.gather [hbm4b:s3+s8], $0x20, s24, s8, $0xb8;
	[tilespmem:$0x5A00] =	vst v63  }
0x17: {  	s25 =	simm.s32 $0xC0  }
0x18: {  	[tilespmem:s12], [sflag:$0x1] =	stream.indirect.gather [hbm4b:s3+s8], $0x20, s25, s8, $0xb8;
	[tilespmem:$0x5A00] =	vst v63  }
0x19: {  	s26 =	simm.s32 $0x100  }
0x1a: {  	[tilespmem:s13], [sflag:$0x1] =	stream.indirect.gather [hbm4b:s3+s8], $0x20, s26, s8, $0xb8;
	[tilespmem:$0x5A00] =	vst v63  }
0x1b: {  	s28 =	simm.s32 $0x140  }
0x1c: {  	[tilespmem:s14], [sflag:$0x1] =	stream.indirect.gather [hbm4b:s3+s8], $0x20, s28, s8, $0xb8;
	[tilespmem:$0x5A00] =	vst v63  }
0x1d: {  	s29 =	simm.s32 $0x180  }
0x1e: {  	[tilespmem:s15], [sflag:$0x1] =	stream.indirect.gather [hbm4b:s3+s8], $0x20, s29, s8, $0xb8;
	[tilespmem:$0x5A00] =	vst v63  }
0x1f: {  	s30 =	simm.s32 $0x1C0  }
0x20: {  	[tilespmem:s16], [sflag:$0x1] =	stream.indirect.gather [hbm4b:s3+s8], $0x20, s30, s8, $0xb8;
	[tilespmem:$0x5A00] =	vst v63  }
0x21: {  	_ =	swait.ge [sflag:s17], $0x800  }
0x22: {  	[sflag:s17] =	ssyncset.done $0x0  }
0x23: {  	[sflag:s17] =	ssyncadd.s32 $0xFFFFF800  }
0x24: {  	_ =	swait.ge [sflag:s17], $0x800  }
0x25: {  	[sflag:s17] =	ssyncset.done $0x0  }
0x26: {  	[sflag:s17] =	ssyncadd.s32 $0xFFFFF800  }
0x27: {  	_ =	swait.ge [sflag:s17], $0x800  }
0x28: {  	[sflag:s17] =	ssyncset.done $0x0  }
0x29: {  	[sflag:s17] =	ssyncadd.s32 $0xFFFFF800  }
0x2a: {  	_ =	swait.ge [sflag:s17], $0x800  }
0x2b: {  	[sflag:s17] =	ssyncset.done $0x0  }
0x2c: {  	[sflag:s17] =	ssyncadd.s32 $0xFFFFF800  }
0x2d: {  	_ =	swait.ge [sflag:s17], $0x800  }
0x2e: {  	[sflag:s17] =	ssyncset.done $0x0  }
0x2f: {  	[sflag:s17] =	ssyncadd.s32 $0xFFFFF800  }
0x30: {  	_ =	swait.ge [sflag:s17], $0x800  }
0x31: {  	[sflag:s17] =	ssyncset.done $0x0  }
0x32: {  	[sflag:s17] =	ssyncadd.s32 $0xFFFFF800  }
0x33: {  	_ =	swait.ge [sflag:s17], $0x800  }
0x34: {  	[sflag:s17] =	ssyncset.done $0x0  }
0x35: {  	[sflag:s17] =	ssyncadd.s32 $0xFFFFF800  }
0x36: {  	_ =	swait.ge [sflag:s17], $0x800  }
0x37: {  	[sflag:s17] =	ssyncset.done $0x0  }
0x38: {  	s31 =	sadd.s32 $0x0, s6;
	[sflag:s17] =	ssyncadd.s32 $0xFFFFF800  }
0x39: {  	[hbm4b:s31+s2] =	stream.linear.scatter [tilespmem:s9], [sflag:$0x2], $0x4000, $0x38;
	[tilespmem:$0x5A00] =	vst v63  }
0x3a: {  	_ =	swait.ge [sflag:s7], $0x4000  }
0x3b: {  	s22 =	simm.s32 $0x1000;
	s19 =	simm.s32 $0x800;
	[sflag:s7] =	ssyncset.done $0x0  }
.LBB2_2:
0x3c: {  	s23 =	sshra.s32 s19, $0x2  }
0x3d: {  	[sflag:s7] =	ssyncadd.s32 $0xFFFFC000;
	s21 =	smov.u32 s22;
	s20 =	sadd.s32 $0x800, s22  }
0x3e: {  	[tilespmem:s9], [sflag:$0x1] =	stream.indirect.gather [hbm4b:s3+s8], $0x20, s23, s8, $0xb8;
	[tilespmem:$0x5A00] =	vst v63  }
0x3f: {  	p0 =	sne.s32 s22, $0x6000;
	s22 =	sadd.s32 $0x40, s23  }
0x40: {  	[tilespmem:s10], [sflag:$0x1] =	stream.indirect.gather [hbm4b:s3+s8], $0x20, s22, s8, $0xb8;
	[tilespmem:$0x5A00] =	vst v63  }
0x41: {  	s22 =	sadd.s32 $0x80, s23  }
0x42: {  	[tilespmem:s11], [sflag:$0x1] =	stream.indirect.gather [hbm4b:s3+s8], $0x20, s22, s8, $0xb8;
	[tilespmem:$0x5A00] =	vst v63  }
0x43: {  	s22 =	sadd.s32 $0xC0, s23  }
0x44: {  	[tilespmem:s12], [sflag:$0x1] =	stream.indirect.gather [hbm4b:s3+s8], $0x20, s22, s8, $0xb8;
	[tilespmem:$0x5A00] =	vst v63  }
0x45: {  	s22 =	sadd.s32 $0x100, s23  }
0x46: {  	[tilespmem:s13], [sflag:$0x1] =	stream.indirect.gather [hbm4b:s3+s8], $0x20, s22, s8, $0xb8;
	[tilespmem:$0x5A00] =	vst v63  }
0x47: {  	s22 =	sadd.s32 $0x140, s23  }
0x48: {  	[tilespmem:s14], [sflag:$0x1] =	stream.indirect.gather [hbm4b:s3+s8], $0x20, s22, s8, $0xb8;
	[tilespmem:$0x5A00] =	vst v63  }
0x49: {  	s22 =	sadd.s32 $0x180, s23  }
0x4a: {  	[tilespmem:s15], [sflag:$0x1] =	stream.indirect.gather [hbm4b:s3+s8], $0x20, s22, s8, $0xb8;
	[tilespmem:$0x5A00] =	vst v63  }
0x4b: {  	s22 =	sadd.s32 $0x1C0, s23  }
0x4c: {  	[tilespmem:s16], [sflag:$0x1] =	stream.indirect.gather [hbm4b:s3+s8], $0x20, s22, s8, $0xb8;
	[tilespmem:$0x5A00] =	vst v63  }
0x4d: {  	_ =	swait.ge [sflag:s17], $0x800  }
0x4e: {  	[sflag:s17] =	ssyncset.done $0x0  }
0x4f: {  	[sflag:s17] =	ssyncadd.s32 $0xFFFFF800  }
0x50: {  	_ =	swait.ge [sflag:s17], $0x800  }
0x51: {  	[sflag:s17] =	ssyncset.done $0x0  }
0x52: {  	[sflag:s17] =	ssyncadd.s32 $0xFFFFF800  }
0x53: {  	_ =	swait.ge [sflag:s17], $0x800  }
0x54: {  	[sflag:s17] =	ssyncset.done $0x0  }
0x55: {  	[sflag:s17] =	ssyncadd.s32 $0xFFFFF800  }
0x56: {  	_ =	swait.ge [sflag:s17], $0x800  }
0x57: {  	[sflag:s17] =	ssyncset.done $0x0  }
0x58: {  	[sflag:s17] =	ssyncadd.s32 $0xFFFFF800  }
0x59: {  	_ =	swait.ge [sflag:s17], $0x800  }
0x5a: {  	[sflag:s17] =	ssyncset.done $0x0  }
0x5b: {  	[sflag:s17] =	ssyncadd.s32 $0xFFFFF800  }
0x5c: {  	_ =	swait.ge [sflag:s17], $0x800  }
0x5d: {  	[sflag:s17] =	ssyncset.done $0x0  }
0x5e: {  	[sflag:s17] =	ssyncadd.s32 $0xFFFFF800  }
0x5f: {  	_ =	swait.ge [sflag:s17], $0x800  }
0x60: {  	[sflag:s17] =	ssyncset.done $0x0  }
0x61: {  	[sflag:s17] =	ssyncadd.s32 $0xFFFFF800  }
0x62: {  	_ =	swait.ge [sflag:s17], $0x800  }
.Ltmp0:
0x63: {  	[sflag:s17] =	ssyncset.done $0x0;
	(pc) =	sbr.rel @p0 .LBB2_2-.Ltmp0, $4  }
0x64: {  	s22 =	sadd.s32 s19, s6;
	s19 =	smov.u32 s21;
	[sflag:s17] =	ssyncadd.s32 $0xFFFFF800  }
0x65: {  	[hbm4b:s22+s2] =	stream.linear.scatter [tilespmem:s9], [sflag:$0x2], $0x4000, $0x38;
	[tilespmem:$0x5A00] =	vst v63  }
0x66: {  	_ =	swait.ge [sflag:s7], $0x4000  }
0x67: {  	s22 =	smov.u32 s20;
	[sflag:s7] =	ssyncset.done $0x0  }
0x68: {  	s20 =	sshra.s32 s19, $0x2;
	[sflag:s7] =	ssyncadd.s32 $0xFFFFC000  }
0x69: {  	[tilespmem:s9], [sflag:$0x1] =	stream.indirect.gather [hbm4b:s3+s8], $0x20, s20, s8, $0xb8;
	[tilespmem:$0x5A00] =	vst v63  }
0x6a: {  	s21 =	sadd.s32 $0x40, s20  }
0x6b: {  	[tilespmem:s10], [sflag:$0x1] =	stream.indirect.gather [hbm4b:s3+s8], $0x20, s21, s8, $0xb8;
	[tilespmem:$0x5A00] =	vst v63  }
0x6c: {  	s25 =	sadd.s32 $0x80, s20  }
0x6d: {  	[tilespmem:s11], [sflag:$0x1] =	stream.indirect.gather [hbm4b:s3+s8], $0x20, s25, s8, $0xb8;
	[tilespmem:$0x5A00] =	vst v63  }
0x6e: {  	s26 =	sadd.s32 $0xC0, s20  }
0x6f: {  	[tilespmem:s12], [sflag:$0x1] =	stream.indirect.gather [hbm4b:s3+s8], $0x20, s26, s8, $0xb8;
	[tilespmem:$0x5A00] =	vst v63  }
0x70: {  	s28 =	sadd.s32 $0x100, s20  }
0x71: {  	[tilespmem:s13], [sflag:$0x1] =	stream.indirect.gather [hbm4b:s3+s8], $0x20, s28, s8, $0xb8;
	[tilespmem:$0x5A00] =	vst v63  }
0x72: {  	s29 =	sadd.s32 $0x140, s20  }
0x73: {  	[tilespmem:s14], [sflag:$0x1] =	stream.indirect.gather [hbm4b:s3+s8], $0x20, s29, s8, $0xb8;
	[tilespmem:$0x5A00] =	vst v63  }
0x74: {  	s30 =	sadd.s32 $0x180, s20  }
0x75: {  	[tilespmem:s15], [sflag:$0x1] =	stream.indirect.gather [hbm4b:s3+s8], $0x20, s30, s8, $0xb8;
	[tilespmem:$0x5A00] =	vst v63  }
0x76: {  	s20 =	sadd.s32 $0x1C0, s20  }
0x77: {  	[tilespmem:s16], [sflag:$0x1] =	stream.indirect.gather [hbm4b:s3+s8], $0x20, s20, s8, $0xb8;
	[tilespmem:$0x5A00] =	vst v63  }
0x78: {  	_ =	swait.ge [sflag:s17], $0x800  }
0x79: {  	[sflag:s17] =	ssyncset.done $0x0  }
0x7a: {  	[sflag:s17] =	ssyncadd.s32 $0xFFFFF800  }
0x7b: {  	_ =	swait.ge [sflag:s17], $0x800  }
0x7c: {  	[sflag:s17] =	ssyncset.done $0x0  }
0x7d: {  	[sflag:s17] =	ssyncadd.s32 $0xFFFFF800  }
0x7e: {  	_ =	swait.ge [sflag:s17], $0x800  }
0x7f: {  	[sflag:s17] =	ssyncset.done $0x0  }
0x80: {  	[sflag:s17] =	ssyncadd.s32 $0xFFFFF800  }
0x81: {  	_ =	swait.ge [sflag:s17], $0x800  }
0x82: {  	[sflag:s17] =	ssyncset.done $0x0  }
0x83: {  	[sflag:s17] =	ssyncadd.s32 $0xFFFFF800  }
0x84: {  	_ =	swait.ge [sflag:s17], $0x800  }
0x85: {  	[sflag:s17] =	ssyncset.done $0x0  }
0x86: {  	[sflag:s17] =	ssyncadd.s32 $0xFFFFF800  }
0x87: {  	_ =	swait.ge [sflag:s17], $0x800  }
0x88: {  	[sflag:s17] =	ssyncset.done $0x0  }
0x89: {  	[sflag:s17] =	ssyncadd.s32 $0xFFFFF800  }
0x8a: {  	_ =	swait.ge [sflag:s17], $0x800  }
0x8b: {  	[sflag:s17] =	ssyncset.done $0x0  }
0x8c: {  	[sflag:s17] =	ssyncadd.s32 $0xFFFFF800  }
0x8d: {  	s18 =	sadd.s32 $0x1, s18;
	_ =	swait.ge [sflag:s17], $0x800  }
0x8e: {  	p0 =	sne.s32 s18, s5;
	[sflag:s17] =	ssyncset.done $0x0  }
.Ltmp1:
0x8f: {  	s31 =	sadd.s32 s19, s6;
	[sflag:s17] =	ssyncadd.s32 $0xFFFFF800;
	(pc) =	sbr.rel @p0 .LBB2_1-.Ltmp1, $4  }
0x90: {  	[hbm4b:s31+s2] =	stream.linear.scatter [tilespmem:s9], [sflag:$0x2], $0x4000, $0x38;
	[tilespmem:$0x5A00] =	vst v63  }
0x91: {  	_ =	swait.ge [sflag:s7], $0x4000  }
0x92: {  	[sflag:s7] =	ssyncset.done $0x0  }
0x93: {  	[sflag:s7] =	ssyncadd.s32 $0xFFFFC000  }
0x94: {  	_ =	sfence.sel $0x180000  }
0x95: {  	[bflag:$0x0] =	sbarrier.arrive $0xFFFF  }
0x96: {  	p0 =	sne.s32 s1, $0x0;
	_ =	strace $0x9000004A  }
0x97: {  	s0 =	sadd.s32 @!p0 $0x100000, s0;
	[bflag:$0x2] =	sbarrier.arrive $0xFFFF  }
0x98: {  	[sflag:s0] =	ssyncadd.tile.s32 @!p0 $0x1;
	_ =	shalt  }
.Lfunc_end2:
_tile_overlayer_lowered:
.L_overlay_start_2:
0x99: {  	(tag) =	ssettag $0x2  }
0x9a: {  	s0 =	rddreg [dreg:$0x0];
	s2 =	stileid.u32  }
0x9b: {  	s1 =	rddreg [dreg:$0x1];
	p0 =	sne.s32 s2, $0x0  }
0x9c: {  	s3 =	rddreg [dreg:$0x2];
	[bflag:$0x3] =	sbarrier.arrive $0xFFFF;
	s2 =	simm.s32 @!p0 $0x1C02  }
0x9d: {  	[timem:s3], [sflag:s2] =	dma.local @!p0 [hbm:s0], s1  }
0x9e: {  	s0 =	simm.s32 @!p0 $0x2  }
0x9f: {  	_ =	swait.ge @!p0 [sflag:s0], s1  }
0xa0: {  	s1 =	ssub.s32 @!p0 $0x0, s1;
	[sflag:s0] =	ssyncset.done @!p0 $0x0  }
0xa1: {  	[sflag:s0] =	ssyncadd.s32 @!p0 s1  }
0xa2: {  	[bflag:$0x3] =	sbarrier.arrive $0xFFFF  }
0xa3: {  	_ =	shalt  }

// kernel: sparse-core-data-format-call.cloned.1.call-start
scs
called_computation_lowered:
.L_overlay_start_0:
0x0: {  	s2 =	sld [smem:$0x3FD9]  }
0x1: {  	s3 =	sld [smem:$0x3FFE];
	_ =	sdelay $0x1  }
0x2: {  	s1 =	srdreg.scid  }
0x3: {  	s0 =	sand.u32 $0x1, s1  }
0x4: {  	s18 =	sshll.u32 s0, $0xA;
	s2 =	sadd.s32 s3, s2  }
0x5: {  	s2 =	sadd.s32 s2, s18  }
0x6: {  	[smem:$0x3FC6] =	sst s2  }
0x7: {  	_ = 	snop  }
0x8: {  	s2 =	sld [smem:$0x3FD0];
	(tm) =	ssettm $0x1  }
0x9: {  	s19 =	sld [smem:$0x3FFB];
	_ =	sdelay $0x3  }
0xa: {  	_ =	strace s19  }
0xb: {  	s3 =	sld [smem:$0x3FFC];
	_ =	sdelay $0x3  }
0xc: {  	_ =	strace s3  }
0xd: {  	s3 =	sld [smem:$0x3FFD];
	_ =	sdelay $0x3  }
0xe: {  	_ =	strace s3  }
0xf: {  	_ =	strace $0x8FFFFFFF  }
0x10: {  	s20 =	sld [smem:$0x3FDB];
	_ =	sdelay $0x1  }
0x11: {  	s4 =	simm.s32 $_scs_section_size  }
0x12: {  	s5 =	simm.s32 $_size__tile_overlayer_lowered;
	s6 =	simm.s32 $_tile_overlayer_lowered  }
0x13: {  	s23 =	simm.s32 $0x1BFF;
	s22 =	sshll.u32 s6, $0x1;
	s3 =	sadd.s32 s4, s20  }
0x14: {  	s7 =	simm.s32 $0x0;
	s21 =	sshll.u32 s5, $0x1;
	s5 =	sadd.s32 s22, s3  }
0x15: {  	[timem:s7], [sflag:s23] =	dma.local [hbm:s5], s21  }
0x16: {  	_ =	swait.ge [sflag:s23], s21  }
0x17: {  	s4 =	ssub.s32 $0x0, s21;
	[sflag:s23] =	ssyncset.done $0x0  }
0x18: {  	[sflag:s23] =	ssyncadd.s32 s4;
	_ =	sdelay $0x1  }
0x19: {  	s24 =	simm.s32 $0x1B8B  }
0x1a: {  	_ =	swait.ge [sflag:s24], $0x1  }
0x1b: {  	[sflag:s24] =	ssyncset.done $0x0  }
0x1c: {  	s26 =	simm.s32 $0x1B8E;
	s25 =	sld [smem:$0x3FFE];
	[sflag:s24] =	ssyncadd.s32 $0xFFFFFFFF  }
0x1d: {  	s27 =	simm.s32 $execute0_lowered;
	[smem:$0x3FD2] =	sst s26  }
0x1e: {  	s5 =	sshll.u32 s27, $0x1;
	_ =	strace $0x8000004C;
	[dreg:$0x1] =	wrdreg $0xFFFFFFFF  }
0x1f: {  	s28 =	simm.s32 $_size_execute0_lowered;
	s3 =	sadd.s32 s3, s5;
	[dreg:$0x0] =	wrdreg $0x0  }
0x20: {  	s5 =	sshll.u32 s28, $0x1;
	[dreg:$0x2] =	wrdreg s3  }
0x21: {  	[dreg:$0x3] =	wrdreg s5  }
0x22: {  	[dreg:$0x4] =	wrdreg $0xC0  }
0x23: {  	_ =	task [dreg:s7], $0x5FFFF  }
0x24: {  	[dreg:$0x1] =	wrdreg $0xFFFFFFFF  }
0x25: {  	[dreg:$0x0] =	wrdreg $0x60  }
0x26: {  	[dreg:$0x2] =	wrdreg s25  }
0x27: {  	[dreg:$0x3] =	wrdreg s2  }
0x28: {  	[dreg:$0x4] =	wrdreg $0x9  }
0x29: {  	_ =	task.clear_ibuf [dreg:s7], $0x5FFFF;
	_ =	strace $0x9000004C  }
0x2a: {  	s29 =	simm.s32 $0x9;
	_ =	strace $0x8000004E  }
0x2b: {  	_ =	swait.ge [sflag:s29], $0x1  }
0x2c: {  	[sflag:s29] =	ssyncadd.s32 $0xFFFFFFFF  }
0x2d: {  	_ =	strace $0x9000004E  }
0x2e: {  	_ =	sfence  }
0x2f: {  	s30 =	sld [smem:$0x0];
	_ =	sdelay $0x2  }
0x30: {  	s31 =	sshll.u32 s1, $0xD;
	s1 =	sshrl.u32 s1, $0x2  }
0x31: {  	s3 =	sand.u32 $0x4000, s31;
	s1 =	sadd.s32 s1, s30  }
0x32: {  	s0 =	sor.u32 s3, s0;
	s1 =	sshll.u32 s1, $0x11  }
0x33: {  	s0 =	sor.u32 s1, s0  }
0x34: {  	s0 =	sadd.s32 $0x8F2B, s0  }
0x35: {  	[sflag:s0] =	ssyncadd.remote.s32 $0x1  }
0x36: {  	_ =	sfence.sel $0xFFFF  }
0x37: {  	[dreg:$0x0] =	wrdreg $0xFFFFFFFF;
	(pc) =	sbr.abs _section_cstart, $3  }
0x38: {  	[dreg:$0x1] =	wrdreg $0xFFFFFFFF  }
0x39: {  	_ =	task.clear_ibuf [dreg:s7], $0x2FFFF;
	_ =	strace $0x9FFFFFFF  }
0x3a: {  	(tm) =	ssettm $0x7FFFFFFF  }
0x3b: {  	_ =	shalt  }
tec
execute0_lowered:
.L_overlay_start_1:
0x0: {  	(tag) =	ssettag $0x1  }
0x1: {  	s0 =	srdreg.scid  }
0x2: {  	s1 =	sshll.u32 s0, $0x4  }
0x3: {  	s6 =	rddreg [dreg:$0x0];
	s0 =	stileid.u32;
	s1 =	sand.u32 $0x10, s1  }
0x4: {  	s3 =	rddreg [dreg:$0x1];
	s1 =	sor.u32 s0, s1  }
0x5: {  	s5 =	simm.s32 $0x1;
	s31 =	simm.s32 $0x2;
	s2 =	sshll.u32 s1, $0x7  }
0x6: {  	s15 =	simm.s32 $0x0;
	s8 =	simm.s32 $0x20000;
	s4 =	ssub.s32 $0x4000, s2  }
0x7: {  	s14 =	simm.s32 $0x0;
	s9 =	simm.s32 $0x0;
	s30 =	sand.u32 $0xF80, s4  }
0x8: {  	s10 =	simm.s32 $0x0;
	s11 =	simm.s32 $0x0;
	p0 =	sne.s32 s30, $0x0  }
.Ltmp0:
0x9: {  	s7 =	sshrl.u32 s4, $0xC;
	s5 =	simm.s32 @!p0 $0x0;
	(pc) =	sbr.rel .LBB1_1-.Ltmp0, $4  }
0xa: {  	s13 =	simm.s32 $0x0;
	s1 =	rddreg [dreg:$0x2];
	s5 =	sadd.s32 s5, s7  }
0xb: {  	_ =	strace $0x8000004D;
	s4 =	simm.s32 $0x1;
	s5 =	smul.u32 $0x7, s5  }
0xc: {  	s6 =	sadd.s32 $0xC00, s6;
	s12 =	smov.u32 s2;
	[sflag:s4] =	ssyncpa.u1 $0x0  }
0xd: {  	[sflag:s31] =	ssyncpa.u1 $0x0;
	p0 =	por $0x0, $0x0;
	s7 =	sadd.s32 $0x1, s5  }
.LBB1_4:
0xe: {  	s20 =	sshra.s32 s20, $0x2  }
0xf: {  	s28 =	sand.u32 $0x78, s10;
	s21 =	sshll.u32 s9, $0xE;
	s22 =	sshll.u32 s10, $0x3  }
0x10: {  	s24 =	sshll.u32 s9, $0x7;
	p1 =	sgt.s32 s9, $0x2C0;
	s30 =	sshra.s32 s9, $0x1F  }
0x11: {  	s26 =	sshra.s32 s10, $0x1F;
	s19 =	sadd.s32 s20, s19;
	s21 =	sand.u32 $0xFFFE0000, s21  }
0x12: {  	v5 =	vld [tilespmem:s17+$0xFFFFFFD0];
	[tilespmem:s18+$0x2040 ss:$0x81] =	vst.msk $0xffff, v4;
	s23 =	sand.u32 $0xFFFFFC00, s22;
	s29 =	sand.u32 $0x380, s24;
	s22 =	sand.u32 $0x3C00, s22  }
0x13: {  	v58 =	vld [tilespmem:s17+$0xFFFFFFE0];
	[tilespmem:s18+$0x2850 ss:$0x81] =	vst.msk $0xffff, v3;
	s21 =	sadd.s32 s23, s21;
	s20 =	sor.u32 s28, s22;
	s22 =	smov.u32 s9  }
0x14: {  	v59 =	vld [tilespmem:s17+$0xFFFFFFF0];
	[tilespmem:s18+$0x3060 ss:$0x81] =	vst.msk $0xffff, v2;
	s24 =	sand.u32 s30, s9;
	s21 =	sshrl.u32 s21, $0xE;
	s22 =	simm.s32 @!p1 $0x2C0  }
0x15: {  	v60 =	vld [tilespmem:s17+$0x0];
	[tilespmem:s18+$0x0 ss:$0x81] =	vst.msk $0xffff, v1;
	p1 =	sgt.s32 s10, $0x3F80;
	s31 =	ssub.s32 s22, s24;
	s22 =	smov.u32 s10  }
0x16: {  	v61 =	vld [tilespmem:s17+$0x10];
	[tilespmem:s19+$0x3870 ss:$0x81] =	vst.msk $0xffff, v0;
	s25 =	smulhi.u32 $0x4EC4ED, s21;
	s24 =	sand.u32 s26, s10;
	s22 =	simm.s32 @!p1 $0x3F80  }
0x17: {  	v62 =	vld [tilespmem:s17+$0x20];
	s20 =	sor.u32 s29, s20;
	[tilespmem:s19+$0x810 ss:$0x81] =	vst.msk $0xffff, v5;
	s27 =	sadd.s32 $0xFFFFFD40, s31;
	s22 =	ssub.s32 s22, s24  }
0x18: {  	v63 =	vld [tilespmem:s17+$0xFFFFFFC0];
	[tilespmem:s19+$0x1020 ss:$0x81] =	vst.msk $0xffff, v58;
	s18 =	ssub.s32 $0x340, s31;
	s28 =	smul.u32 $0x340, s25;
	s29 =	sadd.s32 $0xFFFFC080, s22  }
0x19: {  	[tilespmem:s19+$0x1830 ss:$0x81] =	vst.msk $0xffff, v59;
	p1 =	sgt.s32 s27, $0x7F;
	s22 =	ssub.s32 $0x4000, s22;
	p2 =	sgt.s32 s29, $0x7F  }
0x1a: {  	s30 =	sand.u32 $0x7, s10;
	[tilespmem:s19+$0x2040 ss:$0x81] =	vst.msk $0xffff, v60;
	s18 =	simm.s32 @p1 $0x0;
	s22 =	simm.s32 @p2 $0x0  }
0x1b: {  	s20 =	sshrl.u32 s20, $0x3;
	[tilespmem:s19+$0x2850 ss:$0x81] =	vst.msk $0xffff, v61;
	s17 =	ssub.s32 s21, s28;
	s18 =	smul.u32 s22, s18  }
0x1c: {  	[tilespmem:s19+$0x3060 ss:$0x81] =	vst.msk $0xffff, v62;
	s20 =	sadd.s32 s3, s20;
	s21 =	sshll.u32 s30, $0x12;
	s17 =	sshll.u32 s17, $0xB  }
0x1d: {  	[tilespmem:s19+$0x0 ss:$0x81] =	vst.msk $0xffff, v63;
	s31 =	sor.u32 $0x400, s21;
	s17 =	sadd.s32 s17, s20;
	s18 =	sand.u32 $0x3FFFFFFF, s18  }
0x1e: {  	[hbm4b:s17+s31] =	stream.strided.scatter [tilespmem:s16], [sflag:$0x2], s18, s8, s31, $0x20;
	[tilespmem:$0x10100] =	vst v63  }
.LBB1_5:
0x1f: {  	p1 =	slt.u32 s13, $0x2  }
0x20: {  	s17 =	smov.u32 s15;
	p2 =	sgt.s32 @!p1 s15, $0x2C0;
	s16 =	sshra.s32 @!p1 s15, $0x1F  }
0x21: {  	p3 =	sgt.s32 @!p1 s14, $0x3F80;
	s18 =	sshra.s32 @!p1 s14, $0x1F;
	p2 =	por !p2, p1  }
0x22: {  	s15 =	sand.u32 @!p1 s16, s15;
	p3 =	por !p3, p1;
	s16 =	smov.u32 s14  }
0x23: {  	s14 =	sand.u32 @!p1 s18, s14;
	s17 =	simm.s32 @p2 $0x2C0;
	s16 =	simm.s32 @p3 $0x3F80  }
0x24: {  	s15 =	ssub.s32 @!p1 s17, s15;
	s14 =	ssub.s32 @!p1 s16, s14  }
0x25: {  	s18 =	smov.u32 s12;
	s16 =	sadd.s32 @!p1 $0xFFFFFD40, s15;
	s17 =	sadd.s32 @!p1 $0xFFFFC080, s14  }
0x26: {  	s15 =	ssub.s32 @!p1 $0x340, s15;
	p2 =	sgt.s32 @!p1 s16, $0x7F;
	p3 =	sgt.s32 @!p1 s17, $0x7F  }
0x27: {  	s14 =	ssub.s32 @!p1 $0x4000, s14;
	p2 =	por !p2, p1;
	p3 =	por !p3, p1  }
0x28: {  	s16 =	sadd.s32 $0x80, s11;
	s15 =	simm.s32 @!p2 $0x0;
	s14 =	simm.s32 @!p3 $0x0  }
0x29: {  	p2 =	sgt.s32 s16, $0x33F;
	s14 =	smul.u32 @!p1 s14, s15;
	s15 =	sadd.s32 $0x1000, s12  }
0x2a: {  	s18 =	smov.u32 @p2 s15  }
0x2b: {  	s16 =	simm.s32 @p2 $0x0;
	p2 =	sgt.s32 s18, $0x3FFF  }
0x2c: {  	s18 =	smov.u32 @p2 s2;
	p2 =	sne.s32 s13, s7  }
.Ltmp1:
0x2d: {  	p0 =	por !p0, !p0;
	s17 =	simm.s32 @!p1 $0x2;
	(pc) =	sbr.rel @!p2 .LBB1_6-.Ltmp1, $4  }
0x2e: {  	s15 =	smov.u32 s9;
	s9 =	smov.u32 s11;
	s14 =	sand.u32 @!p1 $0x3FFFFFFF, s14  }
0x2f: {  	s11 =	smov.u32 s16;
	_ =	swait.ge @!p1 [sflag:s17], s14;
	s19 =	ssub.s32 @!p1 $0x0, s14  }
0x30: {  	s14 =	smov.u32 s10;
	s13 =	sadd.s32 $0x1, s13;
	[sflag:s17] =	ssyncset.done @!p1 $0x0  }
0x31: {  	s10 =	smov.u32 s12;
	s12 =	smov.u32 s18;
	[sflag:s17] =	ssyncadd.s32 @!p1 s19  }
.LBB1_1:
0x32: {  	p1 =	sge.u32 s13, s5  }
0x33: {  	s16 =	sshrl.u32 @!p1 s12, $0x3  }
0x34: {  	s17 =	sshll.u32 @!p1 s11, $0x3;
	s16 =	smul.u32 @!p1 $0x1C00, s16  }
0x35: {  	s18 =	sshll.u32 @!p1 s12, $0x7;
	s17 =	sand.u32 @!p1 $0xFFFFFC00, s17  }
0x36: {  	s16 =	sadd.s32 @!p1 s16, s17;
	s17 =	sand.u32 @!p1 $0x380, s18  }
0x37: {  	s16 =	sor.u32 @!p1 s17, s16  }
0x38: {  	s17 =	sshrl.u32 @!p1 s16, $0x7  }
0x39: {  	s17 =	smulhi.u32 @!p1 $0x24924925, s17;
	_ =	sdelay $0x1  }
0x3a: {  	s18 =	sand.u32 @!p1 $0x7F, s11;
	s19 =	smul.u32 @!p1 $0x380, s17  }
0x3b: {  	s31 =	sadd.s32 $0xFFFFFFFF, s13;
	s16 =	sor.u32 @!p1 s18, s16;
	s18 =	sxor.u32 @!p1 $0xFFFFFFFF, s13  }
0x3c: {  	s18 =	sshll.u32 @!p1 s18, $0xE;
	s17 =	sand.u32 @!p1 $0x3FFF, s17;
	s16 =	ssub.s32 @!p1 s16, s19  }
0x3d: {  	s17 =	smul.u32 @!p1 $0x70, s17;
	s19 =	sshrl.u32 @!p1 s16, $0x3;
	s16 =	sand.u32 @!p1 $0x7, s16  }
0x3e: {  	s18 =	sand.u32 @!p1 $0x4000, s18;
	s19 =	sadd.s32 @!p1 s6, s19;
	s16 =	sshll.u32 @!p1 s16, $0x12  }
0x3f: {  	s17 =	sadd.s32 @!p1 s17, s19;
	s16 =	sor.u32 @!p1 $0x400, s16;
	s19 =	simm.s32 @!p1 $0x1C00  }
0x40: {  	[tilespmem:s18], [sflag:$0x1] =	stream.strided.gather @!p1 [hbm4b:s17+s16], $0x4000, s19, s16, $0x38;
	[tilespmem:$0x10100] =	vst v63  }
0x41: {  	p1 =	sge.u32 s31, s5  }
.Ltmp2:
0x42: {  	_ = 	snop;
	(pc) =	sbr.rel @p1 .LBB1_5-.Ltmp2, $1  }
0x43: {  	_ =	sdelay $0x3  }
0x44: {  	s16 =	simm.s32 $0x1  }
0x45: {  	_ =	swait.ge [sflag:s4], $0x4000;
	s16 =	simm.s32 @!p0 $0x0  }
0x46: {  	[sflag:s4] =	ssyncset.done $0x0;
	s17 =	sshll.u32 s16, $0xE  }
0x47: {  	[sflag:s4] =	ssyncadd.s32 $0xFFFFC000;
	s17 =	sor.u32 $0x40, s17  }
0x48: {  	s16 =	smul.u32 $0x10200, s16;
	v0 =	vld [tilespmem:s17+$0x30]  }
0x49: {  	v1 =	vld [tilespmem:s17+$0xFFFFFFD0]  }
0x4a: {  	s16 =	sshrl.u32 s16, $0x2;
	v5 =	vld [tilespmem:s17+$0xFFFFFFE0]  }
0x4b: {  	v6 =	vld [tilespmem:s17+$0xFFFFFFF0];
	s19 =	sor.u32 $0x8000, s16  }
0x4c: {  	s31 =	sand.u32 $0x1, s13;
	v4 =	vld [tilespmem:s17+$0x0];
	s18 =	sadd.s32 $0x0, s19  }
0x4d: {  	v3 =	vld [tilespmem:s17+$0x10];
	s16 =	smul.u32 $0x10200, s31;
	[tilespmem:s18+$0x3870 ss:$0x81] =	vst.msk $0xffff, v0  }
0x4e: {  	v2 =	vld [tilespmem:s17+$0x20];
	[tilespmem:s18+$0x810 ss:$0x81] =	vst.msk $0xffff, v1  }
0x4f: {  	s16 =	sshrl.u32 s16, $0x2;
	v1 =	vld [tilespmem:s17+$0xFFFFFFC0];
	[tilespmem:s18+$0x1020 ss:$0x81] =	vst.msk $0xffff, v5;
	s17 =	sadd.s32 $0x80, s17  }
0x50: {  	s20 =	simm.s32 $0x4;
	s21 =	simm.s32 $0x8;
	s16 =	sor.u32 $0x8000, s16;
	[tilespmem:s18+$0x1830 ss:$0x81] =	vst.msk $0xffff, v6;
	v0 =	vld [tilespmem:s17+$0x30]  }
.LBB1_3:
0x51: {  	p1 =	sne.s32 s21, $0x1FC;
	v5 =	vld [tilespmem:s17+$0xFFFFFFD0];
	[tilespmem:s18+$0x2040 ss:$0x81] =	vst.msk $0xffff, v4  }
0x52: {  	v6 =	vld [tilespmem:s17+$0xFFFFFFE0];
	[tilespmem:s18+$0x2850 ss:$0x81] =	vst.msk $0xffff, v3  }
0x53: {  	s22 =	sshra.s32 s20, $0x2;
	s20 =	smov.u32 s21;
	v7 =	vld [tilespmem:s17+$0xFFFFFFF0];
	[tilespmem:s18+$0x3060 ss:$0x81] =	vst.msk $0xffff, v2  }
.Ltmp3:
0x54: {  	v4 =	vld [tilespmem:s17+$0x0];
	[tilespmem:s18+$0x0 ss:$0x81] =	vst.msk $0xffff, v1;
	s18 =	sadd.s32 s22, s19;
	(pc) =	sbr.rel @p1 .LBB1_3-.Ltmp3, $4  }
0x55: {  	v3 =	vld [tilespmem:s17+$0x10];
	[tilespmem:s18+$0x3870 ss:$0x81] =	vst.msk $0xffff, v0  }
0x56: {  	[tilespmem:s18+$0x810 ss:$0x81] =	vst.msk $0xffff, v5;
	v2 =	vld [tilespmem:s17+$0x20]  }
0x57: {  	v1 =	vld [tilespmem:s17+$0xFFFFFFC0];
	[tilespmem:s18+$0x1020 ss:$0x81] =	vst.msk $0xffff, v6;
	s17 =	sadd.s32 $0x80, s17  }
0x58: {  	s21 =	sadd.s32 $0x4, s21;
	v0 =	vld [tilespmem:s17+$0x30];
	[tilespmem:s18+$0x1830 ss:$0x81] =	vst.msk $0xffff, v7  }
.Ltmp4:
0x59: {  	_ = 	snop;
	(pc) =	sbr.rel .LBB1_4-.Ltmp4, $1  }
0x5a: {  	_ =	sdelay $0x3  }
.LBB1_6:
0x5b: {  	_ =	sfence.sel $0x180000  }
0x5c: {  	s2 =	simm.s32 $0x1;
	[bflag:$0x0] =	sbarrier.arrive $0xFFFF  }
0x5d: {  	s31 =	simm.s32 $0x2;
	[sflag:s2] =	ssyncpa.u1 $0x1  }
0x5e: {  	[sflag:s31] =	ssyncpa.u1 $0x1  }
0x5f: {  	p0 =	sne.s32 s0, $0x0;
	_ =	strace $0x9000004D  }
0x60: {  	s0 =	sadd.s32 @!p0 $0x100000, s1;
	[bflag:$0x2] =	sbarrier.arrive $0xFFFF  }
0x61: {  	[sflag:s0] =	ssyncadd.tile.s32 @!p0 $0x1;
	_ =	shalt  }
.Lfunc_end1:
_tile_overlayer_lowered:
.L_overlay_start_2:
0x62: {  	(tag) =	ssettag $0x2  }
0x63: {  	s0 =	rddreg [dreg:$0x0];
	s2 =	stileid.u32  }
0x64: {  	s1 =	rddreg [dreg:$0x1];
	p0 =	sne.s32 s2, $0x0  }
0x65: {  	s3 =	rddreg [dreg:$0x2];
	[bflag:$0x3] =	sbarrier.arrive $0xFFFF;
	s2 =	simm.s32 @!p0 $0x1C01  }
0x66: {  	[timem:s3], [sflag:s2] =	dma.local @!p0 [hbm:s0], s1  }
0x67: {  	s0 =	simm.s32 @!p0 $0x1  }
0x68: {  	_ =	swait.ge @!p0 [sflag:s0], s1  }
0x69: {  	s1 =	ssub.s32 @!p0 $0x0, s1;
	[sflag:s0] =	ssyncset.done @!p0 $0x0  }
0x6a: {  	[sflag:s0] =	ssyncadd.s32 @!p0 s1  }
0x6b: {  	[bflag:$0x3] =	sbarrier.arrive $0xFFFF  }
0x6c: {  	_ =	shalt  }

</sc_bundles>
